<compile_context>
chip_gen: v7x
topology: tpu7x:2x2x1
jax: 0.10.2.dev20260603
libtpu: 0.0.44.dev20260713+nightly
codegen_flags: <defaults>
</compile_context>

<pallas_src>
import functools

import jax
import jax.numpy as jnp
from jax import lax
from jax.experimental import pallas as pl
from jax.experimental.pallas import tpu as pltpu
from jax.experimental.pallas import tpu_sc as plsc

_P = 16
_HB = 4
_MASK_RATIO = 0.6


def _stats_kernel(inp_ref, rec_ref, out_ref):
    S = inp_ref.shape[2]
    P = _P
    Fp = S // P

    r_iota = lax.broadcasted_iota(jnp.int32, (Fp, S), 1)
    g_iota = lax.broadcasted_iota(jnp.int32, (Fp, S), 0)
    MwT = (r_iota // P == g_iota).astype(jnp.float32)
    Md = jnp.transpose(MwT)

    def pool(v):
        t = jnp.dot(MwT, v, preferred_element_type=jnp.float32)
        return jnp.dot(t, Md, preferred_element_type=jnp.float32)

    n = float(P * P * P)
    for h in range(_HB):
        s1 = s2 = r1 = r2 = c = None
        for k in range(P):
            xk = inp_ref[0, h * P + k]
            yk = rec_ref[0, h * P + k]
            if k == 0:
                s1, s2, r1, r2, c = xk, xk * xk, yk, yk * yk, xk * yk
            else:
                s1 = s1 + xk
                s2 = s2 + xk * xk
                r1 = r1 + yk
                r2 = r2 + yk * yk
                c = c + xk * yk
        s1, s2, r1, r2, c = pool(s1), pool(s2), pool(r1), pool(r2), pool(c)

        mean = s1 / n
        var = s2 / n - mean * mean
        std = jnp.sqrt(var + 1e-6)
        l2 = r2 / n - 2.0 * (c / n - mean * (r1 / n)) / std + var / (var + 1e-6)
        out_ref[0, h] = l2


def _make_sc_mask(B, L, len_keep):
    NV = L // 16
    nc = 1
    mesh = plsc.VectorSubcoreMesh(
        core_axis_name="c", subcore_axis_name="s", num_cores=nc
    )

    @functools.partial(
        pl.kernel,
        out_type=jax.ShapeDtypeStruct((B, L), jnp.float32),
        scratch_types=[
            pltpu.VMEM((L,), jnp.int32),
            pltpu.VMEM((L,), jnp.float32),
        ],
        mesh=mesh,
    )
    def mask_kernel(bits_hbm, out_hbm, row_v, na_v):
        wid = lax.axis_index("s") * nc + lax.axis_index("c")

        @pl.when(wid < B)
        def _():
            pltpu.sync_copy(bits_hbm.at[wid], row_v)
            lane = lax.iota(jnp.int32, 16)

            def lane_total(x):
                acc = x
                for d in (1, 2, 4, 8):
                    idx = jnp.bitwise_and(lane + d, 15)
                    acc = acc + acc.at[idx].get(mode="promise_in_bounds")
                return acc

            vs = [row_v[pl.ds(u * 16, 16)] for u in range(NV)]

            def cnt_le(mid):
                part = jnp.zeros((16,), jnp.int32)
                for u in range(NV):
                    part = part + jnp.where(vs[u] <= mid, 1, 0).astype(
                        jnp.int32
                    )
                return lane_total(part)

            def bs(_, carry):
                lo, hi = carry
                mid = lo + lax.shift_right_arithmetic(hi - lo, 1)
                take_low = cnt_le(mid) >= len_keep
                return (
                    jnp.where(take_low, lo, mid + 1),
                    jnp.where(take_low, mid, hi),
                )

            t, _unused = lax.fori_loop(
                0,
                31,
                bs,
                (
                    jnp.zeros((16,), jnp.int32),
                    jnp.full((16,), 2**31 - 1, jnp.int32),
                ),
            )

            part_lt = jnp.zeros((16,), jnp.int32)
            for u in range(NV):
                part_lt = part_lt + jnp.where(vs[u] < t, 1, 0).astype(
                    jnp.int32
                )
            m = lane_total(part_lt)
            cle = cnt_le(t)
            need = len_keep - m

            def fast_path():
                for u in range(NV):
                    na_v[pl.ds(u * 16, 16)] = jnp.where(vs[u] <= t, 0.0, 1.0)

            def slow_path():
                def body(u, prefix):
                    v = row_v[pl.ds(u * 16, 16)]
                    eq = v == t
                    eqi = jnp.where(eq, 1, 0).astype(jnp.int32)
                    ps = eqi
                    for d in (1, 2, 4, 8):
                        idx = jnp.maximum(lane - d, 0)
                        shifted = ps.at[idx].get(mode="promise_in_bounds")
                        ps = ps + jnp.where(lane >= d, shifted, 0)
                    rank_eq = prefix + (ps - eqi)
                    active = (v < t) | (eq & (rank_eq < need))
                    na_v[pl.ds(u * 16, 16)] = jnp.where(active, 0.0, 1.0)
                    return prefix + lane_total(eqi)

                lax.fori_loop(0, NV, body, jnp.zeros((16,), jnp.int32))

            lax.cond(cle[0] == len_keep, fast_path, slow_path)
            pltpu.sync_copy(na_v, out_hbm.at[wid])

    return mask_kernel


def _loss_kernel(l2_ref, na_ref, out_ref):
    masked = l2_ref[:, :] * na_ref[:, :]
    num = jnp.sum(masked, keepdims=True).reshape(1, 1)
    den = jnp.sum(na_ref[:, :], keepdims=True).reshape(1, 1)
    out_ref[:, :] = num / (den + 1e-8)


def kernel(inp_bchwd, rec_bchwd, scores):
    B, C, S = inp_bchwd.shape[0], inp_bchwd.shape[1], inp_bchwd.shape[2]
    P = _P
    Fp = S // P
    L = Fp * Fp * Fp
    len_keep = int(round(L * (1.0 - _MASK_RATIO)))

    inp3 = inp_bchwd.reshape(B, S, S, S)
    rec3 = rec_bchwd.reshape(B, S, S, S)

    bits = lax.bitcast_convert_type(scores, jnp.int32)
    nonact = _make_sc_mask(B, L, len_keep)(bits)

    l2 = pl.pallas_call(
        _stats_kernel,
        grid=(B, Fp // _HB),
        in_specs=[
            pl.BlockSpec((1, _HB * P, S, S), lambda b, h: (b, h, 0, 0)),
            pl.BlockSpec((1, _HB * P, S, S), lambda b, h: (b, h, 0, 0)),
        ],
        out_specs=pl.BlockSpec((1, _HB, Fp, Fp), lambda b, h: (b, h, 0, 0)),
        out_shape=jax.ShapeDtypeStruct((B, Fp, Fp, Fp), jnp.float32),
        compiler_params=pltpu.CompilerParams(
            dimension_semantics=("parallel", "parallel")),
    )(inp3, rec3)

    l2 = l2.reshape(B, L)

    loss = pl.pallas_call(
        _loss_kernel,
        out_shape=jax.ShapeDtypeStruct((1, 1), jnp.float32),
    )(l2, nonact)

    return loss[0, 0]

# --- scband reference (transcript-rebuilt; emitter-appended) ---
"""Pipeline reference for scband-mamba-mim-53051436040362 (READ-ONLY COPY).

The authoritative reference and input builder live on the scoring server;
editing this copy changes nothing except your own understanding.
"""

import jax, jax.numpy as jnp
import numpy as np

B = 4
C = 1
S = 128
P = 16  # downsample ratio / patch size
F = S // P  # fmap size per axis = 8
L = F * F * F  # 512 patches
MASK_RATIO = 0.6
LEN_KEEP = int(round(L * (1.0 - MASK_RATIO)))  # 205


def setup_inputs(seed: int = 0) -> dict:
    key = jax.random.key(seed)
    k1, k2, k3 = jax.random.split(key, 3)
    inp_bchwd = jax.random.normal(k1, (B, C, S, S, S), dtype=jnp.float32)
    rec_bchwd = jax.random.normal(k2, (B, C, S, S, S), dtype=jnp.float32)
    scores = jax.random.uniform(k3, (B, L), dtype=jnp.float32)
    return {"inp_bchwd": inp_bchwd, "rec_bchwd": rec_bchwd, "scores": scores}


def _patchify(x):
    # bchwd -> (B, h*w*d, C*p^3), matching torch einsum 'bchpwqds->bhwdpqsc'
    Bb, Cc = x.shape[:2]
    x = x.reshape(Bb, Cc, F, P, F, P, F, P)
    x = jnp.einsum('bchpwqds->bhwdpqsc', x)
    return x.reshape(Bb, F * F * F, Cc * P ** 3)


def reference(inp_bchwd, rec_bchwd, scores):
    # --- mask(): rand -> argsort -> keep top len_keep -> scatter bool (top-k masking core) ---
    idx = jnp.argsort(scores, axis=1)
    keep_idx = idx[:, :LEN_KEEP]
    active = jnp.zeros((B, L), dtype=bool).at[jnp.arange(B)[:, None], keep_idx].set(True)
    active_b1fff = active.reshape(B, 1, F, F, F)

    # --- repeat_interleave expand to full resolution and mask the input ---
    a = jnp.repeat(active_b1fff, P, axis=2)
    a = jnp.repeat(a, P, axis=3)
    a = jnp.repeat(a, P, axis=4)
    masked_bchwd = inp_bchwd * a.astype(inp_bchwd.dtype)

    # --- patchify + per-patch normalization + masked L2 reconstruction loss ---
    inp_p = _patchify(inp_bchwd)
    rec_p = _patchify(rec_bchwd)
    mean = inp_p.mean(axis=-1, keepdims=True)
    var = (inp_p.var(axis=-1, keepdims=True) + 1e-06) ** 0.5
    inp_n = (inp_p - mean) / var
    l2 = ((rec_p - inp_n) ** 2).mean(axis=2)
    non_active = jnp.logical_not(active).astype(jnp.float32).reshape(B, -1)
    recon_loss = (l2 * non_active).sum() / (non_active.sum() + 1e-08)
    # masked_bchwd feeds the encoder in the full model; loss is the returned output here
    del masked_bchwd
    return recon_loss

if __name__ == "__main__":
    import jax
    _d = setup_inputs()
    print(jax.jit(kernel)(*tuple(_d.values())))

</pallas_src>

<mosaic_0001>
#map = affine_map<(d0, d1) -> (0, 0)>
module attributes {stable_mosaic.version = 14 : i64} {
  func.func @mask_kernel(%arg0: i32, %arg1: i32, %arg2: memref<4x512xi32, #tpu.memory_space<hbm>>, %arg3: memref<4x512xf32, #tpu.memory_space<hbm>>, %arg4: memref<512xi32, #tpu.memory_space<vmem>>, %arg5: memref<512xf32, #tpu.memory_space<vmem>>) attributes {dimension_semantics = [#tpu.dimension_semantics<core_parallel>, #tpu.dimension_semantics<subcore_parallel>], iteration_bounds = array<i64: 1, 16>, scalar_prefetch = 0 : i64, scratch_operands = 2 : i64, tpu.core_type = #tpu.core_type<sc_vector_subcore>, window_params = [{transform_indices = #map}, {transform_indices = #map}]} {
    %mul3A = arith.constant 1 : i32
    %mul3A_0 = arith.muli %arg1, %mul3A : i32
    %add3A = arith.addi %mul3A_0, %arg0 : i32
    %lt3A = arith.constant 4 : i32
    %lt3A_1 = arith.cmpi slt, %add3A, %lt3A : i32
    %convert_element_type3A = arith.extui %lt3A_1 : i1 to i32
    %cond3A = arith.constant 0 : i32
    %cond3A_2 = arith.cmpi ne, %convert_element_type3A, %cond3A : i32
    scf.if %cond3A_2 {
      "tpu.region"() ({
        %run_scoped3A = tpu.sem_alloc : memref<!tpu.dma_semaphore, #tpu.memory_space<semaphore_mem>>
        %dma_start3A = arith.constant 0 : i32
        %dma_start3A_695 = tpu.memref_slice %arg2[%add3A, %dma_start3A] : memref<4x512xi32, #tpu.memory_space<hbm>> -> memref<1x512xi32, #tpu.memory_space<hbm>>
        %dma_start3A_696 = tpu.memref_squeeze %dma_start3A_695 : memref<1x512xi32, #tpu.memory_space<hbm>> -> memref<512xi32, #tpu.memory_space<hbm>>
        %dma_start3A_697 = arith.constant 0 : i32
        %dma_start3A_698 = tpu.memref_slice %arg2[%add3A, %dma_start3A_697] : memref<4x512xi32, #tpu.memory_space<hbm>> -> memref<1x512xi32, #tpu.memory_space<hbm>>
        %dma_start3A_699 = tpu.memref_squeeze %dma_start3A_698 : memref<1x512xi32, #tpu.memory_space<hbm>> -> memref<512xi32, #tpu.memory_space<hbm>>
        tpu.enqueue_dma source(%dma_start3A_699 : memref<512xi32, #tpu.memory_space<hbm>>) target(%arg4 : memref<512xi32, #tpu.memory_space<vmem>>) target_semaphore(%run_scoped3A : memref<!tpu.dma_semaphore, #tpu.memory_space<semaphore_mem>>)
        %dma_wait3A = arith.constant 0 : i32
        %dma_wait3A_700 = tpu.memref_slice %arg2[%add3A, %dma_wait3A] : memref<4x512xi32, #tpu.memory_space<hbm>> -> memref<1x512xi32, #tpu.memory_space<hbm>>
        %dma_wait3A_701 = tpu.memref_squeeze %dma_wait3A_700 : memref<1x512xi32, #tpu.memory_space<hbm>> -> memref<512xi32, #tpu.memory_space<hbm>>
        %dma_wait3A_702 = arith.constant 0 : i32
        %dma_wait3A_703 = tpu.memref_slice %arg2[%add3A, %dma_wait3A_702] : memref<4x512xi32, #tpu.memory_space<hbm>> -> memref<1x512xi32, #tpu.memory_space<hbm>>
        %dma_wait3A_704 = tpu.memref_squeeze %dma_wait3A_703 : memref<1x512xi32, #tpu.memory_space<hbm>> -> memref<512xi32, #tpu.memory_space<hbm>>
        tpu.wait_dma2 semaphore(%run_scoped3A : memref<!tpu.dma_semaphore, #tpu.memory_space<semaphore_mem>>) src(%dma_wait3A_704 : memref<512xi32, #tpu.memory_space<hbm>>) dst(%arg4 : memref<512xi32, #tpu.memory_space<vmem>>)
        tpu.yield
      }) : () -> ()
      %iota3A = tpu.iota {dimensions = array<i32: 0>} : vector<16xi32>
      %get3A = arith.constant 0 : index
      %get3A_3 = tpu.vector_load %arg4[%get3A] {strides = array<i32>} : memref<512xi32, #tpu.memory_space<vmem>>, vector<16xi32>,
      %get3A_4 = vector.shape_cast %get3A_3 : vector<16xi32> to vector<16xi32>
      %get3A_5 = arith.constant 16 : index
      %get3A_6 = tpu.vector_load %arg4[%get3A_5] {strides = array<i32>} : memref<512xi32, #tpu.memory_space<vmem>>, vector<16xi32>,
      %get3A_7 = vector.shape_cast %get3A_6 : vector<16xi32> to vector<16xi32>
      %get3A_8 = arith.constant 32 : index
      %get3A_9 = tpu.vector_load %arg4[%get3A_8] {strides = array<i32>} : memref<512xi32, #tpu.memory_space<vmem>>, vector<16xi32>,
      %get3A_10 = vector.shape_cast %get3A_9 : vector<16xi32> to vector<16xi32>
      %get3A_11 = arith.constant 48 : index
      %get3A_12 = tpu.vector_load %arg4[%get3A_11] {strides = array<i32>} : memref<512xi32, #tpu.memory_space<vmem>>, vector<16xi32>,
      %get3A_13 = vector.shape_cast %get3A_12 : vector<16xi32> to vector<16xi32>
      %get3A_14 = arith.constant 64 : index
      %get3A_15 = tpu.vector_load %arg4[%get3A_14] {strides = array<i32>} : memref<512xi32, #tpu.memory_space<vmem>>, vector<16xi32>,
      %get3A_16 = vector.shape_cast %get3A_15 : vector<16xi32> to vector<16xi32>
      %get3A_17 = arith.constant 80 : index
      %get3A_18 = tpu.vector_load %arg4[%get3A_17] {strides = array<i32>} : memref<512xi32, #tpu.memory_space<vmem>>, vector<16xi32>,
      %get3A_19 = vector.shape_cast %get3A_18 : vector<16xi32> to vector<16xi32>
      %get3A_20 = arith.constant 96 : index
      %get3A_21 = tpu.vector_load %arg4[%get3A_20] {strides = array<i32>} : memref<512xi32, #tpu.memory_space<vmem>>, vector<16xi32>,
      %get3A_22 = vector.shape_cast %get3A_21 : vector<16xi32> to vector<16xi32>
      %get3A_23 = arith.constant 112 : index
      %get3A_24 = tpu.vector_load %arg4[%get3A_23] {strides = array<i32>} : memref<512xi32, #tpu.memory_space<vmem>>, vector<16xi32>,
      %get3A_25 = vector.shape_cast %get3A_24 : vector<16xi32> to vector<16xi32>
      %get3A_26 = arith.constant 128 : index
      %get3A_27 = tpu.vector_load %arg4[%get3A_26] {strides = array<i32>} : memref<512xi32, #tpu.memory_space<vmem>>, vector<16xi32>,
      %get3A_28 = vector.shape_cast %get3A_27 : vector<16xi32> to vector<16xi32>
      %get3A_29 = arith.constant 144 : index
      %get3A_30 = tpu.vector_load %arg4[%get3A_29] {strides = array<i32>} : memref<512xi32, #tpu.memory_space<vmem>>, vector<16xi32>,
      %get3A_31 = vector.shape_cast %get3A_30 : vector<16xi32> to vector<16xi32>
      %get3A_32 = arith.constant 160 : index
      %get3A_33 = tpu.vector_load %arg4[%get3A_32] {strides = array<i32>} : memref<512xi32, #tpu.memory_space<vmem>>, vector<16xi32>,
      %get3A_34 = vector.shape_cast %get3A_33 : vector<16xi32> to vector<16xi32>
      %get3A_35 = arith.constant 176 : index
      %get3A_36 = tpu.vector_load %arg4[%get3A_35] {strides = array<i32>} : memref<512xi32, #tpu.memory_space<vmem>>, vector<16xi32>,
      %get3A_37 = vector.shape_cast %get3A_36 : vector<16xi32> to vector<16xi32>
      %get3A_38 = arith.constant 192 : index
      %get3A_39 = tpu.vector_load %arg4[%get3A_38] {strides = array<i32>} : memref<512xi32, #tpu.memory_space<vmem>>, vector<16xi32>,
      %get3A_40 = vector.shape_cast %get3A_39 : vector<16xi32> to vector<16xi32>
      %get3A_41 = arith.constant 208 : index
      %get3A_42 = tpu.vector_load %arg4[%get3A_41] {strides = array<i32>} : memref<512xi32, #tpu.memory_space<vmem>>, vector<16xi32>,
      %get3A_43 = vector.shape_cast %get3A_42 : vector<16xi32> to vector<16xi32>
      %get3A_44 = arith.constant 224 : index
      %get3A_45 = tpu.vector_load %arg4[%get3A_44] {strides = array<i32>} : memref<512xi32, #tpu.memory_space<vmem>>, vector<16xi32>,
      %get3A_46 = vector.shape_cast %get3A_45 : vector<16xi32> to vector<16xi32>
      %get3A_47 = arith.constant 240 : index
      %get3A_48 = tpu.vector_load %arg4[%get3A_47] {strides = array<i32>} : memref<512xi32, #tpu.memory_space<vmem>>, vector<16xi32>,
      %get3A_49 = vector.shape_cast %get3A_48 : vector<16xi32> to vector<16xi32>
      %get3A_50 = arith.constant 256 : index
      %get3A_51 = tpu.vector_load %arg4[%get3A_50] {strides = array<i32>} : memref<512xi32, #tpu.memory_space<vmem>>, vector<16xi32>,
      %get3A_52 = vector.shape_cast %get3A_51 : vector<16xi32> to vector<16xi32>
      %get3A_53 = arith.constant 272 : index
      %get3A_54 = tpu.vector_load %arg4[%get3A_53] {strides = array<i32>} : memref<512xi32, #tpu.memory_space<vmem>>, vector<16xi32>,
      %get3A_55 = vector.shape_cast %get3A_54 : vector<16xi32> to vector<16xi32>
      %get3A_56 = arith.constant 288 : index
      %get3A_57 = tpu.vector_load %arg4[%get3A_56] {strides = array<i32>} : memref<512xi32, #tpu.memory_space<vmem>>, vector<16xi32>,
      %get3A_58 = vector.shape_cast %get3A_57 : vector<16xi32> to vector<16xi32>
      %get3A_59 = arith.constant 304 : index
      %get3A_60 = tpu.vector_load %arg4[%get3A_59] {strides = array<i32>} : memref<512xi32, #tpu.memory_space<vmem>>, vector<16xi32>,
      %get3A_61 = vector.shape_cast %get3A_60 : vector<16xi32> to vector<16xi32>
      %get3A_62 = arith.constant 320 : index
      %get3A_63 = tpu.vector_load %arg4[%get3A_62] {strides = array<i32>} : memref<512xi32, #tpu.memory_space<vmem>>, vector<16xi32>,
      %get3A_64 = vector.shape_cast %get3A_63 : vector<16xi32> to vector<16xi32>
      %get3A_65 = arith.constant 336 : index
      %get3A_66 = tpu.vector_load %arg4[%get3A_65] {strides = array<i32>} : memref<512xi32, #tpu.memory_space<vmem>>, vector<16xi32>,
      %get3A_67 = vector.shape_cast %get3A_66 : vector<16xi32> to vector<16xi32>
      %get3A_68 = arith.constant 352 : index
      %get3A_69 = tpu.vector_load %arg4[%get3A_68] {strides = array<i32>} : memref<512xi32, #tpu.memory_space<vmem>>, vector<16xi32>,
      %get3A_70 = vector.shape_cast %get3A_69 : vector<16xi32> to vector<16xi32>
      %get3A_71 = arith.constant 368 : index
      %get3A_72 = tpu.vector_load %arg4[%get3A_71] {strides = array<i32>} : memref<512xi32, #tpu.memory_space<vmem>>, vector<16xi32>,
      %get3A_73 = vector.shape_cast %get3A_72 : vector<16xi32> to vector<16xi32>
      %get3A_74 = arith.constant 384 : index
      %get3A_75 = tpu.vector_load %arg4[%get3A_74] {strides = array<i32>} : memref<512xi32, #tpu.memory_space<vmem>>, vector<16xi32>,
      %get3A_76 = vector.shape_cast %get3A_75 : vector<16xi32> to vector<16xi32>
      %get3A_77 = arith.constant 400 : index
      %get3A_78 = tpu.vector_load %arg4[%get3A_77] {strides = array<i32>} : memref<512xi32, #tpu.memory_space<vmem>>, vector<16xi32>,
      %get3A_79 = vector.shape_cast %get3A_78 : vector<16xi32> to vector<16xi32>
      %get3A_80 = arith.constant 416 : index
      %get3A_81 = tpu.vector_load %arg4[%get3A_80] {strides = array<i32>} : memref<512xi32, #tpu.memory_space<vmem>>, vector<16xi32>,
      %get3A_82 = vector.shape_cast %get3A_81 : vector<16xi32> to vector<16xi32>
      %get3A_83 = arith.constant 432 : index
      %get3A_84 = tpu.vector_load %arg4[%get3A_83] {strides = array<i32>} : memref<512xi32, #tpu.memory_space<vmem>>, vector<16xi32>,
      %get3A_85 = vector.shape_cast %get3A_84 : vector<16xi32> to vector<16xi32>
      %get3A_86 = arith.constant 448 : index
      %get3A_87 = tpu.vector_load %arg4[%get3A_86] {strides = array<i32>} : memref<512xi32, #tpu.memory_space<vmem>>, vector<16xi32>,
      %get3A_88 = vector.shape_cast %get3A_87 : vector<16xi32> to vector<16xi32>
      %get3A_89 = arith.constant 464 : index
      %get3A_90 = tpu.vector_load %arg4[%get3A_89] {strides = array<i32>} : memref<512xi32, #tpu.memory_space<vmem>>, vector<16xi32>,
      %get3A_91 = vector.shape_cast %get3A_90 : vector<16xi32> to vector<16xi32>
      %get3A_92 = arith.constant 480 : index
      %get3A_93 = tpu.vector_load %arg4[%get3A_92] {strides = array<i32>} : memref<512xi32, #tpu.memory_space<vmem>>, vector<16xi32>,
      %get3A_94 = vector.shape_cast %get3A_93 : vector<16xi32> to vector<16xi32>
      %get3A_95 = arith.constant 496 : index
      %get3A_96 = tpu.vector_load %arg4[%get3A_95] {strides = array<i32>} : memref<512xi32, #tpu.memory_space<vmem>>, vector<16xi32>,
      %get3A_97 = vector.shape_cast %get3A_96 : vector<16xi32> to vector<16xi32>
      %broadcast_in_dim3A = arith.constant 0 : i32
      %broadcast_in_dim3A_98 = vector.broadcast %broadcast_in_dim3A : i32 to vector<16xi32>
      %broadcast_in_dim3A_99 = arith.constant 2147483647 : i32
      %broadcast_in_dim3A_100 = vector.broadcast %broadcast_in_dim3A_99 : i32 to vector<16xi32>
      %scan3A = arith.constant 0 : i32
      %scan3A_101 = arith.constant 31 : i32
      %scan3A_102 = arith.addi %scan3A, %scan3A_101 : i32
      %scan3A_103 = arith.constant 1 : i32
      %scan3A_104:2 = scf.for %scan3A_695 = %scan3A to %scan3A_102 step %scan3A_103 iter_args(%scan3A_696 = %broadcast_in_dim3A_98, %scan3A_697 = %broadcast_in_dim3A_100) -> (vector<16xi32>, vector<16xi32>)  : i32 {
        %sub3A_698 = arith.subi %scan3A_697, %scan3A_696 : vector<16xi32>
        %shift_right_arithmetic3A = arith.constant 1 : i32
        %shift_right_arithmetic3A_699 = vector.broadcast %shift_right_arithmetic3A : i32 to vector<16xi32>
        %shift_right_arithmetic3A_700 = arith.shrsi %sub3A_698, %shift_right_arithmetic3A_699 : vector<16xi32>
        %add3A_701 = arith.addi %scan3A_696, %shift_right_arithmetic3A_700 : vector<16xi32>
        %broadcast_in_dim3A_702 = arith.constant 0 : i32
        %broadcast_in_dim3A_703 = vector.broadcast %broadcast_in_dim3A_702 : i32 to vector<16xi32>
        %le3A_704 = arith.cmpi sle, %get3A_4, %add3A_701 : vector<16xi32>
        %jit3A_705 = arith.constant 1 : i32
        %jit3A_706 = arith.constant 0 : i32
        %broadcast_in_dim3A_707 = vector.broadcast %jit3A_705 : i32 to vector<16xi32>
        %broadcast_in_dim3A_708 = vector.broadcast %jit3A_706 : i32 to vector<16xi32>
        %select_n3A_709 = arith.select %le3A_704, %broadcast_in_dim3A_707, %broadcast_in_dim3A_708 : vector<16xi1>, vector<16xi32>
        %add3A_710 = arith.addi %broadcast_in_dim3A_703, %select_n3A_709 : vector<16xi32>
        %le3A_711 = arith.cmpi sle, %get3A_7, %add3A_701 : vector<16xi32>
        %jit3A_712 = arith.constant 1 : i32
        %jit3A_713 = arith.constant 0 : i32
        %broadcast_in_dim3A_714 = vector.broadcast %jit3A_712 : i32 to vector<16xi32>
        %broadcast_in_dim3A_715 = vector.broadcast %jit3A_713 : i32 to vector<16xi32>
        %select_n3A_716 = arith.select %le3A_711, %broadcast_in_dim3A_714, %broadcast_in_dim3A_715 : vector<16xi1>, vector<16xi32>
        %add3A_717 = arith.addi %add3A_710, %select_n3A_716 : vector<16xi32>
        %le3A_718 = arith.cmpi sle, %get3A_10, %add3A_701 : vector<16xi32>
        %jit3A_719 = arith.constant 1 : i32
        %jit3A_720 = arith.constant 0 : i32
        %broadcast_in_dim3A_721 = vector.broadcast %jit3A_719 : i32 to vector<16xi32>
        %broadcast_in_dim3A_722 = vector.broadcast %jit3A_720 : i32 to vector<16xi32>
        %select_n3A_723 = arith.select %le3A_718, %broadcast_in_dim3A_721, %broadcast_in_dim3A_722 : vector<16xi1>, vector<16xi32>
        %add3A_724 = arith.addi %add3A_717, %select_n3A_723 : vector<16xi32>
        %le3A_725 = arith.cmpi sle, %get3A_13, %add3A_701 : vector<16xi32>
        %jit3A_726 = arith.constant 1 : i32
        %jit3A_727 = arith.constant 0 : i32
        %broadcast_in_dim3A_728 = vector.broadcast %jit3A_726 : i32 to vector<16xi32>
        %broadcast_in_dim3A_729 = vector.broadcast %jit3A_727 : i32 to vector<16xi32>
        %select_n3A_730 = arith.select %le3A_725, %broadcast_in_dim3A_728, %broadcast_in_dim3A_729 : vector<16xi1>, vector<16xi32>
        %add3A_731 = arith.addi %add3A_724, %select_n3A_730 : vector<16xi32>
        %le3A_732 = arith.cmpi sle, %get3A_16, %add3A_701 : vector<16xi32>
        %jit3A_733 = arith.constant 1 : i32
        %jit3A_734 = arith.constant 0 : i32
        %broadcast_in_dim3A_735 = vector.broadcast %jit3A_733 : i32 to vector<16xi32>
        %broadcast_in_dim3A_736 = vector.broadcast %jit3A_734 : i32 to vector<16xi32>
        %select_n3A_737 = arith.select %le3A_732, %broadcast_in_dim3A_735, %broadcast_in_dim3A_736 : vector<16xi1>, vector<16xi32>
        %add3A_738 = arith.addi %add3A_731, %select_n3A_737 : vector<16xi32>
        %le3A_739 = arith.cmpi sle, %get3A_19, %add3A_701 : vector<16xi32>
        %jit3A_740 = arith.constant 1 : i32
        %jit3A_741 = arith.constant 0 : i32
        %broadcast_in_dim3A_742 = vector.broadcast %jit3A_740 : i32 to vector<16xi32>
        %broadcast_in_dim3A_743 = vector.broadcast %jit3A_741 : i32 to vector<16xi32>
        %select_n3A_744 = arith.select %le3A_739, %broadcast_in_dim3A_742, %broadcast_in_dim3A_743 : vector<16xi1>, vector<16xi32>
        %add3A_745 = arith.addi %add3A_738, %select_n3A_744 : vector<16xi32>
        %le3A_746 = arith.cmpi sle, %get3A_22, %add3A_701 : vector<16xi32>
        %jit3A_747 = arith.constant 1 : i32
        %jit3A_748 = arith.constant 0 : i32
        %broadcast_in_dim3A_749 = vector.broadcast %jit3A_747 : i32 to vector<16xi32>
        %broadcast_in_dim3A_750 = vector.broadcast %jit3A_748 : i32 to vector<16xi32>
        %select_n3A_751 = arith.select %le3A_746, %broadcast_in_dim3A_749, %broadcast_in_dim3A_750 : vector<16xi1>, vector<16xi32>
        %add3A_752 = arith.addi %add3A_745, %select_n3A_751 : vector<16xi32>
        %le3A_753 = arith.cmpi sle, %get3A_25, %add3A_701 : vector<16xi32>
        %jit3A_754 = arith.constant 1 : i32
        %jit3A_755 = arith.constant 0 : i32
        %broadcast_in_dim3A_756 = vector.broadcast %jit3A_754 : i32 to vector<16xi32>
        %broadcast_in_dim3A_757 = vector.broadcast %jit3A_755 : i32 to vector<16xi32>
        %select_n3A_758 = arith.select %le3A_753, %broadcast_in_dim3A_756, %broadcast_in_dim3A_757 : vector<16xi1>, vector<16xi32>
        %add3A_759 = arith.addi %add3A_752, %select_n3A_758 : vector<16xi32>
        %le3A_760 = arith.cmpi sle, %get3A_28, %add3A_701 : vector<16xi32>
        %jit3A_761 = arith.constant 1 : i32
        %jit3A_762 = arith.constant 0 : i32
        %broadcast_in_dim3A_763 = vector.broadcast %jit3A_761 : i32 to vector<16xi32>
        %broadcast_in_dim3A_764 = vector.broadcast %jit3A_762 : i32 to vector<16xi32>
        %select_n3A_765 = arith.select %le3A_760, %broadcast_in_dim3A_763, %broadcast_in_dim3A_764 : vector<16xi1>, vector<16xi32>
        %add3A_766 = arith.addi %add3A_759, %select_n3A_765 : vector<16xi32>
        %le3A_767 = arith.cmpi sle, %get3A_31, %add3A_701 : vector<16xi32>
        %jit3A_768 = arith.constant 1 : i32
        %jit3A_769 = arith.constant 0 : i32
        %broadcast_in_dim3A_770 = vector.broadcast %jit3A_768 : i32 to vector<16xi32>
        %broadcast_in_dim3A_771 = vector.broadcast %jit3A_769 : i32 to vector<16xi32>
        %select_n3A_772 = arith.select %le3A_767, %broadcast_in_dim3A_770, %broadcast_in_dim3A_771 : vector<16xi1>, vector<16xi32>
        %add3A_773 = arith.addi %add3A_766, %select_n3A_772 : vector<16xi32>
        %le3A_774 = arith.cmpi sle, %get3A_34, %add3A_701 : vector<16xi32>
        %jit3A_775 = arith.constant 1 : i32
        %jit3A_776 = arith.constant 0 : i32
        %broadcast_in_dim3A_777 = vector.broadcast %jit3A_775 : i32 to vector<16xi32>
        %broadcast_in_dim3A_778 = vector.broadcast %jit3A_776 : i32 to vector<16xi32>
        %select_n3A_779 = arith.select %le3A_774, %broadcast_in_dim3A_777, %broadcast_in_dim3A_778 : vector<16xi1>, vector<16xi32>
        %add3A_780 = arith.addi %add3A_773, %select_n3A_779 : vector<16xi32>
        %le3A_781 = arith.cmpi sle, %get3A_37, %add3A_701 : vector<16xi32>
        %jit3A_782 = arith.constant 1 : i32
        %jit3A_783 = arith.constant 0 : i32
        %broadcast_in_dim3A_784 = vector.broadcast %jit3A_782 : i32 to vector<16xi32>
        %broadcast_in_dim3A_785 = vector.broadcast %jit3A_783 : i32 to vector<16xi32>
        %select_n3A_786 = arith.select %le3A_781, %broadcast_in_dim3A_784, %broadcast_in_dim3A_785 : vector<16xi1>, vector<16xi32>
        %add3A_787 = arith.addi %add3A_780, %select_n3A_786 : vector<16xi32>
        %le3A_788 = arith.cmpi sle, %get3A_40, %add3A_701 : vector<16xi32>
        %jit3A_789 = arith.constant 1 : i32
        %jit3A_790 = arith.constant 0 : i32
        %broadcast_in_dim3A_791 = vector.broadcast %jit3A_789 : i32 to vector<16xi32>
        %broadcast_in_dim3A_792 = vector.broadcast %jit3A_790 : i32 to vector<16xi32>
        %select_n3A_793 = arith.select %le3A_788, %broadcast_in_dim3A_791, %broadcast_in_dim3A_792 : vector<16xi1>, vector<16xi32>
        %add3A_794 = arith.addi %add3A_787, %select_n3A_793 : vector<16xi32>
        %le3A_795 = arith.cmpi sle, %get3A_43, %add3A_701 : vector<16xi32>
        %jit3A_796 = arith.constant 1 : i32
        %jit3A_797 = arith.constant 0 : i32
        %broadcast_in_dim3A_798 = vector.broadcast %jit3A_796 : i32 to vector<16xi32>
        %broadcast_in_dim3A_799 = vector.broadcast %jit3A_797 : i32 to vector<16xi32>
        %select_n3A_800 = arith.select %le3A_795, %broadcast_in_dim3A_798, %broadcast_in_dim3A_799 : vector<16xi1>, vector<16xi32>
        %add3A_801 = arith.addi %add3A_794, %select_n3A_800 : vector<16xi32>
        %le3A_802 = arith.cmpi sle, %get3A_46, %add3A_701 : vector<16xi32>
        %jit3A_803 = arith.constant 1 : i32
        %jit3A_804 = arith.constant 0 : i32
        %broadcast_in_dim3A_805 = vector.broadcast %jit3A_803 : i32 to vector<16xi32>
        %broadcast_in_dim3A_806 = vector.broadcast %jit3A_804 : i32 to vector<16xi32>
        %select_n3A_807 = arith.select %le3A_802, %broadcast_in_dim3A_805, %broadcast_in_dim3A_806 : vector<16xi1>, vector<16xi32>
        %add3A_808 = arith.addi %add3A_801, %select_n3A_807 : vector<16xi32>
        %le3A_809 = arith.cmpi sle, %get3A_49, %add3A_701 : vector<16xi32>
        %jit3A_810 = arith.constant 1 : i32
        %jit3A_811 = arith.constant 0 : i32
        %broadcast_in_dim3A_812 = vector.broadcast %jit3A_810 : i32 to vector<16xi32>
        %broadcast_in_dim3A_813 = vector.broadcast %jit3A_811 : i32 to vector<16xi32>
        %select_n3A_814 = arith.select %le3A_809, %broadcast_in_dim3A_812, %broadcast_in_dim3A_813 : vector<16xi1>, vector<16xi32>
        %add3A_815 = arith.addi %add3A_808, %select_n3A_814 : vector<16xi32>
        %le3A_816 = arith.cmpi sle, %get3A_52, %add3A_701 : vector<16xi32>
        %jit3A_817 = arith.constant 1 : i32
        %jit3A_818 = arith.constant 0 : i32
        %broadcast_in_dim3A_819 = vector.broadcast %jit3A_817 : i32 to vector<16xi32>
        %broadcast_in_dim3A_820 = vector.broadcast %jit3A_818 : i32 to vector<16xi32>
        %select_n3A_821 = arith.select %le3A_816, %broadcast_in_dim3A_819, %broadcast_in_dim3A_820 : vector<16xi1>, vector<16xi32>
        %add3A_822 = arith.addi %add3A_815, %select_n3A_821 : vector<16xi32>
        %le3A_823 = arith.cmpi sle, %get3A_55, %add3A_701 : vector<16xi32>
        %jit3A_824 = arith.constant 1 : i32
        %jit3A_825 = arith.constant 0 : i32
        %broadcast_in_dim3A_826 = vector.broadcast %jit3A_824 : i32 to vector<16xi32>
        %broadcast_in_dim3A_827 = vector.broadcast %jit3A_825 : i32 to vector<16xi32>
        %select_n3A_828 = arith.select %le3A_823, %broadcast_in_dim3A_826, %broadcast_in_dim3A_827 : vector<16xi1>, vector<16xi32>
        %add3A_829 = arith.addi %add3A_822, %select_n3A_828 : vector<16xi32>
        %le3A_830 = arith.cmpi sle, %get3A_58, %add3A_701 : vector<16xi32>
        %jit3A_831 = arith.constant 1 : i32
        %jit3A_832 = arith.constant 0 : i32
        %broadcast_in_dim3A_833 = vector.broadcast %jit3A_831 : i32 to vector<16xi32>
        %broadcast_in_dim3A_834 = vector.broadcast %jit3A_832 : i32 to vector<16xi32>
        %select_n3A_835 = arith.select %le3A_830, %broadcast_in_dim3A_833, %broadcast_in_dim3A_834 : vector<16xi1>, vector<16xi32>
        %add3A_836 = arith.addi %add3A_829, %select_n3A_835 : vector<16xi32>
        %le3A_837 = arith.cmpi sle, %get3A_61, %add3A_701 : vector<16xi32>
        %jit3A_838 = arith.constant 1 : i32
        %jit3A_839 = arith.constant 0 : i32
        %broadcast_in_dim3A_840 = vector.broadcast %jit3A_838 : i32 to vector<16xi32>
        %broadcast_in_dim3A_841 = vector.broadcast %jit3A_839 : i32 to vector<16xi32>
        %select_n3A_842 = arith.select %le3A_837, %broadcast_in_dim3A_840, %broadcast_in_dim3A_841 : vector<16xi1>, vector<16xi32>
        %add3A_843 = arith.addi %add3A_836, %select_n3A_842 : vector<16xi32>
        %le3A_844 = arith.cmpi sle, %get3A_64, %add3A_701 : vector<16xi32>
        %jit3A_845 = arith.constant 1 : i32
        %jit3A_846 = arith.constant 0 : i32
        %broadcast_in_dim3A_847 = vector.broadcast %jit3A_845 : i32 to vector<16xi32>
        %broadcast_in_dim3A_848 = vector.broadcast %jit3A_846 : i32 to vector<16xi32>
        %select_n3A_849 = arith.select %le3A_844, %broadcast_in_dim3A_847, %broadcast_in_dim3A_848 : vector<16xi1>, vector<16xi32>
        %add3A_850 = arith.addi %add3A_843, %select_n3A_849 : vector<16xi32>
        %le3A_851 = arith.cmpi sle, %get3A_67, %add3A_701 : vector<16xi32>
        %jit3A_852 = arith.constant 1 : i32
        %jit3A_853 = arith.constant 0 : i32
        %broadcast_in_dim3A_854 = vector.broadcast %jit3A_852 : i32 to vector<16xi32>
        %broadcast_in_dim3A_855 = vector.broadcast %jit3A_853 : i32 to vector<16xi32>
        %select_n3A_856 = arith.select %le3A_851, %broadcast_in_dim3A_854, %broadcast_in_dim3A_855 : vector<16xi1>, vector<16xi32>
        %add3A_857 = arith.addi %add3A_850, %select_n3A_856 : vector<16xi32>
        %le3A_858 = arith.cmpi sle, %get3A_70, %add3A_701 : vector<16xi32>
        %jit3A_859 = arith.constant 1 : i32
        %jit3A_860 = arith.constant 0 : i32
        %broadcast_in_dim3A_861 = vector.broadcast %jit3A_859 : i32 to vector<16xi32>
        %broadcast_in_dim3A_862 = vector.broadcast %jit3A_860 : i32 to vector<16xi32>
        %select_n3A_863 = arith.select %le3A_858, %broadcast_in_dim3A_861, %broadcast_in_dim3A_862 : vector<16xi1>, vector<16xi32>
        %add3A_864 = arith.addi %add3A_857, %select_n3A_863 : vector<16xi32>
        %le3A_865 = arith.cmpi sle, %get3A_73, %add3A_701 : vector<16xi32>
        %jit3A_866 = arith.constant 1 : i32
        %jit3A_867 = arith.constant 0 : i32
        %broadcast_in_dim3A_868 = vector.broadcast %jit3A_866 : i32 to vector<16xi32>
        %broadcast_in_dim3A_869 = vector.broadcast %jit3A_867 : i32 to vector<16xi32>
        %select_n3A_870 = arith.select %le3A_865, %broadcast_in_dim3A_868, %broadcast_in_dim3A_869 : vector<16xi1>, vector<16xi32>
        %add3A_871 = arith.addi %add3A_864, %select_n3A_870 : vector<16xi32>
        %le3A_872 = arith.cmpi sle, %get3A_76, %add3A_701 : vector<16xi32>
        %jit3A_873 = arith.constant 1 : i32
        %jit3A_874 = arith.constant 0 : i32
        %broadcast_in_dim3A_875 = vector.broadcast %jit3A_873 : i32 to vector<16xi32>
        %broadcast_in_dim3A_876 = vector.broadcast %jit3A_874 : i32 to vector<16xi32>
        %select_n3A_877 = arith.select %le3A_872, %broadcast_in_dim3A_875, %broadcast_in_dim3A_876 : vector<16xi1>, vector<16xi32>
        %add3A_878 = arith.addi %add3A_871, %select_n3A_877 : vector<16xi32>
        %le3A_879 = arith.cmpi sle, %get3A_79, %add3A_701 : vector<16xi32>
        %jit3A_880 = arith.constant 1 : i32
        %jit3A_881 = arith.constant 0 : i32
        %broadcast_in_dim3A_882 = vector.broadcast %jit3A_880 : i32 to vector<16xi32>
        %broadcast_in_dim3A_883 = vector.broadcast %jit3A_881 : i32 to vector<16xi32>
        %select_n3A_884 = arith.select %le3A_879, %broadcast_in_dim3A_882, %broadcast_in_dim3A_883 : vector<16xi1>, vector<16xi32>
        %add3A_885 = arith.addi %add3A_878, %select_n3A_884 : vector<16xi32>
        %le3A_886 = arith.cmpi sle, %get3A_82, %add3A_701 : vector<16xi32>
        %jit3A_887 = arith.constant 1 : i32
        %jit3A_888 = arith.constant 0 : i32
        %broadcast_in_dim3A_889 = vector.broadcast %jit3A_887 : i32 to vector<16xi32>
        %broadcast_in_dim3A_890 = vector.broadcast %jit3A_888 : i32 to vector<16xi32>
        %select_n3A_891 = arith.select %le3A_886, %broadcast_in_dim3A_889, %broadcast_in_dim3A_890 : vector<16xi1>, vector<16xi32>
        %add3A_892 = arith.addi %add3A_885, %select_n3A_891 : vector<16xi32>
        %le3A_893 = arith.cmpi sle, %get3A_85, %add3A_701 : vector<16xi32>
        %jit3A_894 = arith.constant 1 : i32
        %jit3A_895 = arith.constant 0 : i32
        %broadcast_in_dim3A_896 = vector.broadcast %jit3A_894 : i32 to vector<16xi32>
        %broadcast_in_dim3A_897 = vector.broadcast %jit3A_895 : i32 to vector<16xi32>
        %select_n3A_898 = arith.select %le3A_893, %broadcast_in_dim3A_896, %broadcast_in_dim3A_897 : vector<16xi1>, vector<16xi32>
        %add3A_899 = arith.addi %add3A_892, %select_n3A_898 : vector<16xi32>
        %le3A_900 = arith.cmpi sle, %get3A_88, %add3A_701 : vector<16xi32>
        %jit3A_901 = arith.constant 1 : i32
        %jit3A_902 = arith.constant 0 : i32
        %broadcast_in_dim3A_903 = vector.broadcast %jit3A_901 : i32 to vector<16xi32>
        %broadcast_in_dim3A_904 = vector.broadcast %jit3A_902 : i32 to vector<16xi32>
        %select_n3A_905 = arith.select %le3A_900, %broadcast_in_dim3A_903, %broadcast_in_dim3A_904 : vector<16xi1>, vector<16xi32>
        %add3A_906 = arith.addi %add3A_899, %select_n3A_905 : vector<16xi32>
        %le3A_907 = arith.cmpi sle, %get3A_91, %add3A_701 : vector<16xi32>
        %jit3A_908 = arith.constant 1 : i32
        %jit3A_909 = arith.constant 0 : i32
        %broadcast_in_dim3A_910 = vector.broadcast %jit3A_908 : i32 to vector<16xi32>
        %broadcast_in_dim3A_911 = vector.broadcast %jit3A_909 : i32 to vector<16xi32>
        %select_n3A_912 = arith.select %le3A_907, %broadcast_in_dim3A_910, %broadcast_in_dim3A_911 : vector<16xi1>, vector<16xi32>
        %add3A_913 = arith.addi %add3A_906, %select_n3A_912 : vector<16xi32>
        %le3A_914 = arith.cmpi sle, %get3A_94, %add3A_701 : vector<16xi32>
        %jit3A_915 = arith.constant 1 : i32
        %jit3A_916 = arith.constant 0 : i32
        %broadcast_in_dim3A_917 = vector.broadcast %jit3A_915 : i32 to vector<16xi32>
        %broadcast_in_dim3A_918 = vector.broadcast %jit3A_916 : i32 to vector<16xi32>
        %select_n3A_919 = arith.select %le3A_914, %broadcast_in_dim3A_917, %broadcast_in_dim3A_918 : vector<16xi1>, vector<16xi32>
        %add3A_920 = arith.addi %add3A_913, %select_n3A_919 : vector<16xi32>
        %le3A_921 = arith.cmpi sle, %get3A_97, %add3A_701 : vector<16xi32>
        %jit3A_922 = arith.constant 1 : i32
        %jit3A_923 = arith.constant 0 : i32
        %broadcast_in_dim3A_924 = vector.broadcast %jit3A_922 : i32 to vector<16xi32>
        %broadcast_in_dim3A_925 = vector.broadcast %jit3A_923 : i32 to vector<16xi32>
        %select_n3A_926 = arith.select %le3A_921, %broadcast_in_dim3A_924, %broadcast_in_dim3A_925 : vector<16xi1>, vector<16xi32>
        %add3A_927 = arith.addi %add3A_920, %select_n3A_926 : vector<16xi32>
        %add3A_928 = arith.constant 1 : i32
        %add3A_929 = vector.broadcast %add3A_928 : i32 to vector<16xi32>
        %add3A_930 = arith.addi %iota3A, %add3A_929 : vector<16xi32>
        %and3A_931 = arith.constant 15 : i32
        %and3A_932 = vector.broadcast %and3A_931 : i32 to vector<16xi32>
        %and3A_933 = arith.andi %add3A_930, %and3A_932 : vector<16xi32>
        %lt3A_934 = arith.constant 0 : i32
        %lt3A_935 = vector.broadcast %lt3A_934 : i32 to vector<16xi32>
        %lt3A_936 = arith.cmpi slt, %and3A_933, %lt3A_935 : vector<16xi32>
        %add3A_937 = arith.constant 16 : i32
        %add3A_938 = vector.broadcast %add3A_937 : i32 to vector<16xi32>
        %add3A_939 = arith.addi %and3A_933, %add3A_938 : vector<16xi32>
        %select_n3A_940 = arith.select %lt3A_936, %add3A_939, %and3A_933 : vector<16xi1>, vector<16xi32>
        %broadcast_in_dim3A_941 = vector.shape_cast %select_n3A_940 : vector<16xi32> to vector<16x1xi32>
        %gather3A_942 = vector.shape_cast %broadcast_in_dim3A_941 : vector<16x1xi32> to vector<16xi32>
        %gather3A_943 = tpu.dynamic_gather %add3A_927[%gather3A_942] in [0] : vector<16xi32>, vector<16xi32> -> vector<16xi32>
        %add3A_944 = arith.addi %add3A_927, %gather3A_943 : vector<16xi32>
        %add3A_945 = arith.constant 2 : i32
        %add3A_946 = vector.broadcast %add3A_945 : i32 to vector<16xi32>
        %add3A_947 = arith.addi %iota3A, %add3A_946 : vector<16xi32>
        %and3A_948 = arith.constant 15 : i32
        %and3A_949 = vector.broadcast %and3A_948 : i32 to vector<16xi32>
        %and3A_950 = arith.andi %add3A_947, %and3A_949 : vector<16xi32>
        %lt3A_951 = arith.constant 0 : i32
        %lt3A_952 = vector.broadcast %lt3A_951 : i32 to vector<16xi32>
        %lt3A_953 = arith.cmpi slt, %and3A_950, %lt3A_952 : vector<16xi32>
        %add3A_954 = arith.constant 16 : i32
        %add3A_955 = vector.broadcast %add3A_954 : i32 to vector<16xi32>
        %add3A_956 = arith.addi %and3A_950, %add3A_955 : vector<16xi32>
        %select_n3A_957 = arith.select %lt3A_953, %add3A_956, %and3A_950 : vector<16xi1>, vector<16xi32>
        %broadcast_in_dim3A_958 = vector.shape_cast %select_n3A_957 : vector<16xi32> to vector<16x1xi32>
        %gather3A_959 = vector.shape_cast %broadcast_in_dim3A_958 : vector<16x1xi32> to vector<16xi32>
        %gather3A_960 = tpu.dynamic_gather %add3A_944[%gather3A_959] in [0] : vector<16xi32>, vector<16xi32> -> vector<16xi32>
        %add3A_961 = arith.addi %add3A_944, %gather3A_960 : vector<16xi32>
        %add3A_962 = arith.constant 4 : i32
        %add3A_963 = vector.broadcast %add3A_962 : i32 to vector<16xi32>
        %add3A_964 = arith.addi %iota3A, %add3A_963 : vector<16xi32>
        %and3A_965 = arith.constant 15 : i32
        %and3A_966 = vector.broadcast %and3A_965 : i32 to vector<16xi32>
        %and3A_967 = arith.andi %add3A_964, %and3A_966 : vector<16xi32>
        %lt3A_968 = arith.constant 0 : i32
        %lt3A_969 = vector.broadcast %lt3A_968 : i32 to vector<16xi32>
        %lt3A_970 = arith.cmpi slt, %and3A_967, %lt3A_969 : vector<16xi32>
        %add3A_971 = arith.constant 16 : i32
        %add3A_972 = vector.broadcast %add3A_971 : i32 to vector<16xi32>
        %add3A_973 = arith.addi %and3A_967, %add3A_972 : vector<16xi32>
        %select_n3A_974 = arith.select %lt3A_970, %add3A_973, %and3A_967 : vector<16xi1>, vector<16xi32>
        %broadcast_in_dim3A_975 = vector.shape_cast %select_n3A_974 : vector<16xi32> to vector<16x1xi32>
        %gather3A_976 = vector.shape_cast %broadcast_in_dim3A_975 : vector<16x1xi32> to vector<16xi32>
        %gather3A_977 = tpu.dynamic_gather %add3A_961[%gather3A_976] in [0] : vector<16xi32>, vector<16xi32> -> vector<16xi32>
        %add3A_978 = arith.addi %add3A_961, %gather3A_977 : vector<16xi32>
        %add3A_979 = arith.constant 8 : i32
        %add3A_980 = vector.broadcast %add3A_979 : i32 to vector<16xi32>
        %add3A_981 = arith.addi %iota3A, %add3A_980 : vector<16xi32>
        %and3A_982 = arith.constant 15 : i32
        %and3A_983 = vector.broadcast %and3A_982 : i32 to vector<16xi32>
        %and3A_984 = arith.andi %add3A_981, %and3A_983 : vector<16xi32>
        %lt3A_985 = arith.constant 0 : i32
        %lt3A_986 = vector.broadcast %lt3A_985 : i32 to vector<16xi32>
        %lt3A_987 = arith.cmpi slt, %and3A_984, %lt3A_986 : vector<16xi32>
        %add3A_988 = arith.constant 16 : i32
        %add3A_989 = vector.broadcast %add3A_988 : i32 to vector<16xi32>
        %add3A_990 = arith.addi %and3A_984, %add3A_989 : vector<16xi32>
        %select_n3A_991 = arith.select %lt3A_987, %add3A_990, %and3A_984 : vector<16xi1>, vector<16xi32>
        %broadcast_in_dim3A_992 = vector.shape_cast %select_n3A_991 : vector<16xi32> to vector<16x1xi32>
        %gather3A_993 = vector.shape_cast %broadcast_in_dim3A_992 : vector<16x1xi32> to vector<16xi32>
        %gather3A_994 = tpu.dynamic_gather %add3A_978[%gather3A_993] in [0] : vector<16xi32>, vector<16xi32> -> vector<16xi32>
        %add3A_995 = arith.addi %add3A_978, %gather3A_994 : vector<16xi32>
        %ge3A = arith.constant 205 : i32
        %ge3A_996 = vector.broadcast %ge3A : i32 to vector<16xi32>
        %ge3A_997 = arith.cmpi sge, %add3A_995, %ge3A_996 : vector<16xi32>
        %add3A_998 = arith.constant 1 : i32
        %add3A_999 = vector.broadcast %add3A_998 : i32 to vector<16xi32>
        %add3A_1000 = arith.addi %add3A_701, %add3A_999 : vector<16xi32>
        %select_n3A_1001 = arith.select %ge3A_997, %scan3A_696, %add3A_1000 : vector<16xi1>, vector<16xi32>
        %select_n3A_1002 = arith.select %ge3A_997, %add3A_701, %scan3A_697 : vector<16xi1>, vector<16xi32>
        scf.yield %select_n3A_1001, %select_n3A_1002 : vector<16xi32>, vector<16xi32>
      }
      %scan3A_105 = arith.constant 31 : i32
      %broadcast_in_dim3A_106 = arith.constant 0 : i32
      %broadcast_in_dim3A_107 = vector.broadcast %broadcast_in_dim3A_106 : i32 to vector<16xi32>
      %lt3A_108 = arith.cmpi slt, %get3A_4, %scan3A_104#0 : vector<16xi32>
      %jit3A = arith.constant 1 : i32
      %jit3A_109 = arith.constant 0 : i32
      %broadcast_in_dim3A_110 = vector.broadcast %jit3A : i32 to vector<16xi32>
      %broadcast_in_dim3A_111 = vector.broadcast %jit3A_109 : i32 to vector<16xi32>
      %select_n3A = arith.select %lt3A_108, %broadcast_in_dim3A_110, %broadcast_in_dim3A_111 : vector<16xi1>, vector<16xi32>
      %add3A_112 = arith.addi %broadcast_in_dim3A_107, %select_n3A : vector<16xi32>
      %lt3A_113 = arith.cmpi slt, %get3A_7, %scan3A_104#0 : vector<16xi32>
      %jit3A_114 = arith.constant 1 : i32
      %jit3A_115 = arith.constant 0 : i32
      %broadcast_in_dim3A_116 = vector.broadcast %jit3A_114 : i32 to vector<16xi32>
      %broadcast_in_dim3A_117 = vector.broadcast %jit3A_115 : i32 to vector<16xi32>
      %select_n3A_118 = arith.select %lt3A_113, %broadcast_in_dim3A_116, %broadcast_in_dim3A_117 : vector<16xi1>, vector<16xi32>
      %add3A_119 = arith.addi %add3A_112, %select_n3A_118 : vector<16xi32>
      %lt3A_120 = arith.cmpi slt, %get3A_10, %scan3A_104#0 : vector<16xi32>
      %jit3A_121 = arith.constant 1 : i32
      %jit3A_122 = arith.constant 0 : i32
      %broadcast_in_dim3A_123 = vector.broadcast %jit3A_121 : i32 to vector<16xi32>
      %broadcast_in_dim3A_124 = vector.broadcast %jit3A_122 : i32 to vector<16xi32>
      %select_n3A_125 = arith.select %lt3A_120, %broadcast_in_dim3A_123, %broadcast_in_dim3A_124 : vector<16xi1>, vector<16xi32>
      %add3A_126 = arith.addi %add3A_119, %select_n3A_125 : vector<16xi32>
      %lt3A_127 = arith.cmpi slt, %get3A_13, %scan3A_104#0 : vector<16xi32>
      %jit3A_128 = arith.constant 1 : i32
      %jit3A_129 = arith.constant 0 : i32
      %broadcast_in_dim3A_130 = vector.broadcast %jit3A_128 : i32 to vector<16xi32>
      %broadcast_in_dim3A_131 = vector.broadcast %jit3A_129 : i32 to vector<16xi32>
      %select_n3A_132 = arith.select %lt3A_127, %broadcast_in_dim3A_130, %broadcast_in_dim3A_131 : vector<16xi1>, vector<16xi32>
      %add3A_133 = arith.addi %add3A_126, %select_n3A_132 : vector<16xi32>
      %lt3A_134 = arith.cmpi slt, %get3A_16, %scan3A_104#0 : vector<16xi32>
      %jit3A_135 = arith.constant 1 : i32
      %jit3A_136 = arith.constant 0 : i32
      %broadcast_in_dim3A_137 = vector.broadcast %jit3A_135 : i32 to vector<16xi32>
      %broadcast_in_dim3A_138 = vector.broadcast %jit3A_136 : i32 to vector<16xi32>
      %select_n3A_139 = arith.select %lt3A_134, %broadcast_in_dim3A_137, %broadcast_in_dim3A_138 : vector<16xi1>, vector<16xi32>
      %add3A_140 = arith.addi %add3A_133, %select_n3A_139 : vector<16xi32>
      %lt3A_141 = arith.cmpi slt, %get3A_19, %scan3A_104#0 : vector<16xi32>
      %jit3A_142 = arith.constant 1 : i32
      %jit3A_143 = arith.constant 0 : i32
      %broadcast_in_dim3A_144 = vector.broadcast %jit3A_142 : i32 to vector<16xi32>
      %broadcast_in_dim3A_145 = vector.broadcast %jit3A_143 : i32 to vector<16xi32>
      %select_n3A_146 = arith.select %lt3A_141, %broadcast_in_dim3A_144, %broadcast_in_dim3A_145 : vector<16xi1>, vector<16xi32>
      %add3A_147 = arith.addi %add3A_140, %select_n3A_146 : vector<16xi32>
      %lt3A_148 = arith.cmpi slt, %get3A_22, %scan3A_104#0 : vector<16xi32>
      %jit3A_149 = arith.constant 1 : i32
      %jit3A_150 = arith.constant 0 : i32
      %broadcast_in_dim3A_151 = vector.broadcast %jit3A_149 : i32 to vector<16xi32>
      %broadcast_in_dim3A_152 = vector.broadcast %jit3A_150 : i32 to vector<16xi32>
      %select_n3A_153 = arith.select %lt3A_148, %broadcast_in_dim3A_151, %broadcast_in_dim3A_152 : vector<16xi1>, vector<16xi32>
      %add3A_154 = arith.addi %add3A_147, %select_n3A_153 : vector<16xi32>
      %lt3A_155 = arith.cmpi slt, %get3A_25, %scan3A_104#0 : vector<16xi32>
      %jit3A_156 = arith.constant 1 : i32
      %jit3A_157 = arith.constant 0 : i32
      %broadcast_in_dim3A_158 = vector.broadcast %jit3A_156 : i32 to vector<16xi32>
      %broadcast_in_dim3A_159 = vector.broadcast %jit3A_157 : i32 to vector<16xi32>
      %select_n3A_160 = arith.select %lt3A_155, %broadcast_in_dim3A_158, %broadcast_in_dim3A_159 : vector<16xi1>, vector<16xi32>
      %add3A_161 = arith.addi %add3A_154, %select_n3A_160 : vector<16xi32>
      %lt3A_162 = arith.cmpi slt, %get3A_28, %scan3A_104#0 : vector<16xi32>
      %jit3A_163 = arith.constant 1 : i32
      %jit3A_164 = arith.constant 0 : i32
      %broadcast_in_dim3A_165 = vector.broadcast %jit3A_163 : i32 to vector<16xi32>
      %broadcast_in_dim3A_166 = vector.broadcast %jit3A_164 : i32 to vector<16xi32>
      %select_n3A_167 = arith.select %lt3A_162, %broadcast_in_dim3A_165, %broadcast_in_dim3A_166 : vector<16xi1>, vector<16xi32>
      %add3A_168 = arith.addi %add3A_161, %select_n3A_167 : vector<16xi32>
      %lt3A_169 = arith.cmpi slt, %get3A_31, %scan3A_104#0 : vector<16xi32>
      %jit3A_170 = arith.constant 1 : i32
      %jit3A_171 = arith.constant 0 : i32
      %broadcast_in_dim3A_172 = vector.broadcast %jit3A_170 : i32 to vector<16xi32>
      %broadcast_in_dim3A_173 = vector.broadcast %jit3A_171 : i32 to vector<16xi32>
      %select_n3A_174 = arith.select %lt3A_169, %broadcast_in_dim3A_172, %broadcast_in_dim3A_173 : vector<16xi1>, vector<16xi32>
      %add3A_175 = arith.addi %add3A_168, %select_n3A_174 : vector<16xi32>
      %lt3A_176 = arith.cmpi slt, %get3A_34, %scan3A_104#0 : vector<16xi32>
      %jit3A_177 = arith.constant 1 : i32
      %jit3A_178 = arith.constant 0 : i32
      %broadcast_in_dim3A_179 = vector.broadcast %jit3A_177 : i32 to vector<16xi32>
      %broadcast_in_dim3A_180 = vector.broadcast %jit3A_178 : i32 to vector<16xi32>
      %select_n3A_181 = arith.select %lt3A_176, %broadcast_in_dim3A_179, %broadcast_in_dim3A_180 : vector<16xi1>, vector<16xi32>
      %add3A_182 = arith.addi %add3A_175, %select_n3A_181 : vector<16xi32>
      %lt3A_183 = arith.cmpi slt, %get3A_37, %scan3A_104#0 : vector<16xi32>
      %jit3A_184 = arith.constant 1 : i32
      %jit3A_185 = arith.constant 0 : i32
      %broadcast_in_dim3A_186 = vector.broadcast %jit3A_184 : i32 to vector<16xi32>
      %broadcast_in_dim3A_187 = vector.broadcast %jit3A_185 : i32 to vector<16xi32>
      %select_n3A_188 = arith.select %lt3A_183, %broadcast_in_dim3A_186, %broadcast_in_dim3A_187 : vector<16xi1>, vector<16xi32>
      %add3A_189 = arith.addi %add3A_182, %select_n3A_188 : vector<16xi32>
      %lt3A_190 = arith.cmpi slt, %get3A_40, %scan3A_104#0 : vector<16xi32>
      %jit3A_191 = arith.constant 1 : i32
      %jit3A_192 = arith.constant 0 : i32
      %broadcast_in_dim3A_193 = vector.broadcast %jit3A_191 : i32 to vector<16xi32>
      %broadcast_in_dim3A_194 = vector.broadcast %jit3A_192 : i32 to vector<16xi32>
      %select_n3A_195 = arith.select %lt3A_190, %broadcast_in_dim3A_193, %broadcast_in_dim3A_194 : vector<16xi1>, vector<16xi32>
      %add3A_196 = arith.addi %add3A_189, %select_n3A_195 : vector<16xi32>
      %lt3A_197 = arith.cmpi slt, %get3A_43, %scan3A_104#0 : vector<16xi32>
      %jit3A_198 = arith.constant 1 : i32
      %jit3A_199 = arith.constant 0 : i32
      %broadcast_in_dim3A_200 = vector.broadcast %jit3A_198 : i32 to vector<16xi32>
      %broadcast_in_dim3A_201 = vector.broadcast %jit3A_199 : i32 to vector<16xi32>
      %select_n3A_202 = arith.select %lt3A_197, %broadcast_in_dim3A_200, %broadcast_in_dim3A_201 : vector<16xi1>, vector<16xi32>
      %add3A_203 = arith.addi %add3A_196, %select_n3A_202 : vector<16xi32>
      %lt3A_204 = arith.cmpi slt, %get3A_46, %scan3A_104#0 : vector<16xi32>
      %jit3A_205 = arith.constant 1 : i32
      %jit3A_206 = arith.constant 0 : i32
      %broadcast_in_dim3A_207 = vector.broadcast %jit3A_205 : i32 to vector<16xi32>
      %broadcast_in_dim3A_208 = vector.broadcast %jit3A_206 : i32 to vector<16xi32>
      %select_n3A_209 = arith.select %lt3A_204, %broadcast_in_dim3A_207, %broadcast_in_dim3A_208 : vector<16xi1>, vector<16xi32>
      %add3A_210 = arith.addi %add3A_203, %select_n3A_209 : vector<16xi32>
      %lt3A_211 = arith.cmpi slt, %get3A_49, %scan3A_104#0 : vector<16xi32>
      %jit3A_212 = arith.constant 1 : i32
      %jit3A_213 = arith.constant 0 : i32
      %broadcast_in_dim3A_214 = vector.broadcast %jit3A_212 : i32 to vector<16xi32>
      %broadcast_in_dim3A_215 = vector.broadcast %jit3A_213 : i32 to vector<16xi32>
      %select_n3A_216 = arith.select %lt3A_211, %broadcast_in_dim3A_214, %broadcast_in_dim3A_215 : vector<16xi1>, vector<16xi32>
      %add3A_217 = arith.addi %add3A_210, %select_n3A_216 : vector<16xi32>
      %lt3A_218 = arith.cmpi slt, %get3A_52, %scan3A_104#0 : vector<16xi32>
      %jit3A_219 = arith.constant 1 : i32
      %jit3A_220 = arith.constant 0 : i32
      %broadcast_in_dim3A_221 = vector.broadcast %jit3A_219 : i32 to vector<16xi32>
      %broadcast_in_dim3A_222 = vector.broadcast %jit3A_220 : i32 to vector<16xi32>
      %select_n3A_223 = arith.select %lt3A_218, %broadcast_in_dim3A_221, %broadcast_in_dim3A_222 : vector<16xi1>, vector<16xi32>
      %add3A_224 = arith.addi %add3A_217, %select_n3A_223 : vector<16xi32>
      %lt3A_225 = arith.cmpi slt, %get3A_55, %scan3A_104#0 : vector<16xi32>
      %jit3A_226 = arith.constant 1 : i32
      %jit3A_227 = arith.constant 0 : i32
      %broadcast_in_dim3A_228 = vector.broadcast %jit3A_226 : i32 to vector<16xi32>
      %broadcast_in_dim3A_229 = vector.broadcast %jit3A_227 : i32 to vector<16xi32>
      %select_n3A_230 = arith.select %lt3A_225, %broadcast_in_dim3A_228, %broadcast_in_dim3A_229 : vector<16xi1>, vector<16xi32>
      %add3A_231 = arith.addi %add3A_224, %select_n3A_230 : vector<16xi32>
      %lt3A_232 = arith.cmpi slt, %get3A_58, %scan3A_104#0 : vector<16xi32>
      %jit3A_233 = arith.constant 1 : i32
      %jit3A_234 = arith.constant 0 : i32
      %broadcast_in_dim3A_235 = vector.broadcast %jit3A_233 : i32 to vector<16xi32>
      %broadcast_in_dim3A_236 = vector.broadcast %jit3A_234 : i32 to vector<16xi32>
      %select_n3A_237 = arith.select %lt3A_232, %broadcast_in_dim3A_235, %broadcast_in_dim3A_236 : vector<16xi1>, vector<16xi32>
      %add3A_238 = arith.addi %add3A_231, %select_n3A_237 : vector<16xi32>
      %lt3A_239 = arith.cmpi slt, %get3A_61, %scan3A_104#0 : vector<16xi32>
      %jit3A_240 = arith.constant 1 : i32
      %jit3A_241 = arith.constant 0 : i32
      %broadcast_in_dim3A_242 = vector.broadcast %jit3A_240 : i32 to vector<16xi32>
      %broadcast_in_dim3A_243 = vector.broadcast %jit3A_241 : i32 to vector<16xi32>
      %select_n3A_244 = arith.select %lt3A_239, %broadcast_in_dim3A_242, %broadcast_in_dim3A_243 : vector<16xi1>, vector<16xi32>
      %add3A_245 = arith.addi %add3A_238, %select_n3A_244 : vector<16xi32>
      %lt3A_246 = arith.cmpi slt, %get3A_64, %scan3A_104#0 : vector<16xi32>
      %jit3A_247 = arith.constant 1 : i32
      %jit3A_248 = arith.constant 0 : i32
      %broadcast_in_dim3A_249 = vector.broadcast %jit3A_247 : i32 to vector<16xi32>
      %broadcast_in_dim3A_250 = vector.broadcast %jit3A_248 : i32 to vector<16xi32>
      %select_n3A_251 = arith.select %lt3A_246, %broadcast_in_dim3A_249, %broadcast_in_dim3A_250 : vector<16xi1>, vector<16xi32>
      %add3A_252 = arith.addi %add3A_245, %select_n3A_251 : vector<16xi32>
      %lt3A_253 = arith.cmpi slt, %get3A_67, %scan3A_104#0 : vector<16xi32>
      %jit3A_254 = arith.constant 1 : i32
      %jit3A_255 = arith.constant 0 : i32
      %broadcast_in_dim3A_256 = vector.broadcast %jit3A_254 : i32 to vector<16xi32>
      %broadcast_in_dim3A_257 = vector.broadcast %jit3A_255 : i32 to vector<16xi32>
      %select_n3A_258 = arith.select %lt3A_253, %broadcast_in_dim3A_256, %broadcast_in_dim3A_257 : vector<16xi1>, vector<16xi32>
      %add3A_259 = arith.addi %add3A_252, %select_n3A_258 : vector<16xi32>
      %lt3A_260 = arith.cmpi slt, %get3A_70, %scan3A_104#0 : vector<16xi32>
      %jit3A_261 = arith.constant 1 : i32
      %jit3A_262 = arith.constant 0 : i32
      %broadcast_in_dim3A_263 = vector.broadcast %jit3A_261 : i32 to vector<16xi32>
      %broadcast_in_dim3A_264 = vector.broadcast %jit3A_262 : i32 to vector<16xi32>
      %select_n3A_265 = arith.select %lt3A_260, %broadcast_in_dim3A_263, %broadcast_in_dim3A_264 : vector<16xi1>, vector<16xi32>
      %add3A_266 = arith.addi %add3A_259, %select_n3A_265 : vector<16xi32>
      %lt3A_267 = arith.cmpi slt, %get3A_73, %scan3A_104#0 : vector<16xi32>
      %jit3A_268 = arith.constant 1 : i32
      %jit3A_269 = arith.constant 0 : i32
      %broadcast_in_dim3A_270 = vector.broadcast %jit3A_268 : i32 to vector<16xi32>
      %broadcast_in_dim3A_271 = vector.broadcast %jit3A_269 : i32 to vector<16xi32>
      %select_n3A_272 = arith.select %lt3A_267, %broadcast_in_dim3A_270, %broadcast_in_dim3A_271 : vector<16xi1>, vector<16xi32>
      %add3A_273 = arith.addi %add3A_266, %select_n3A_272 : vector<16xi32>
      %lt3A_274 = arith.cmpi slt, %get3A_76, %scan3A_104#0 : vector<16xi32>
      %jit3A_275 = arith.constant 1 : i32
      %jit3A_276 = arith.constant 0 : i32
      %broadcast_in_dim3A_277 = vector.broadcast %jit3A_275 : i32 to vector<16xi32>
      %broadcast_in_dim3A_278 = vector.broadcast %jit3A_276 : i32 to vector<16xi32>
      %select_n3A_279 = arith.select %lt3A_274, %broadcast_in_dim3A_277, %broadcast_in_dim3A_278 : vector<16xi1>, vector<16xi32>
      %add3A_280 = arith.addi %add3A_273, %select_n3A_279 : vector<16xi32>
      %lt3A_281 = arith.cmpi slt, %get3A_79, %scan3A_104#0 : vector<16xi32>
      %jit3A_282 = arith.constant 1 : i32
      %jit3A_283 = arith.constant 0 : i32
      %broadcast_in_dim3A_284 = vector.broadcast %jit3A_282 : i32 to vector<16xi32>
      %broadcast_in_dim3A_285 = vector.broadcast %jit3A_283 : i32 to vector<16xi32>
      %select_n3A_286 = arith.select %lt3A_281, %broadcast_in_dim3A_284, %broadcast_in_dim3A_285 : vector<16xi1>, vector<16xi32>
      %add3A_287 = arith.addi %add3A_280, %select_n3A_286 : vector<16xi32>
      %lt3A_288 = arith.cmpi slt, %get3A_82, %scan3A_104#0 : vector<16xi32>
      %jit3A_289 = arith.constant 1 : i32
      %jit3A_290 = arith.constant 0 : i32
      %broadcast_in_dim3A_291 = vector.broadcast %jit3A_289 : i32 to vector<16xi32>
      %broadcast_in_dim3A_292 = vector.broadcast %jit3A_290 : i32 to vector<16xi32>
      %select_n3A_293 = arith.select %lt3A_288, %broadcast_in_dim3A_291, %broadcast_in_dim3A_292 : vector<16xi1>, vector<16xi32>
      %add3A_294 = arith.addi %add3A_287, %select_n3A_293 : vector<16xi32>
      %lt3A_295 = arith.cmpi slt, %get3A_85, %scan3A_104#0 : vector<16xi32>
      %jit3A_296 = arith.constant 1 : i32
      %jit3A_297 = arith.constant 0 : i32
      %broadcast_in_dim3A_298 = vector.broadcast %jit3A_296 : i32 to vector<16xi32>
      %broadcast_in_dim3A_299 = vector.broadcast %jit3A_297 : i32 to vector<16xi32>
      %select_n3A_300 = arith.select %lt3A_295, %broadcast_in_dim3A_298, %broadcast_in_dim3A_299 : vector<16xi1>, vector<16xi32>
      %add3A_301 = arith.addi %add3A_294, %select_n3A_300 : vector<16xi32>
      %lt3A_302 = arith.cmpi slt, %get3A_88, %scan3A_104#0 : vector<16xi32>
      %jit3A_303 = arith.constant 1 : i32
      %jit3A_304 = arith.constant 0 : i32
      %broadcast_in_dim3A_305 = vector.broadcast %jit3A_303 : i32 to vector<16xi32>
      %broadcast_in_dim3A_306 = vector.broadcast %jit3A_304 : i32 to vector<16xi32>
      %select_n3A_307 = arith.select %lt3A_302, %broadcast_in_dim3A_305, %broadcast_in_dim3A_306 : vector<16xi1>, vector<16xi32>
      %add3A_308 = arith.addi %add3A_301, %select_n3A_307 : vector<16xi32>
      %lt3A_309 = arith.cmpi slt, %get3A_91, %scan3A_104#0 : vector<16xi32>
      %jit3A_310 = arith.constant 1 : i32
      %jit3A_311 = arith.constant 0 : i32
      %broadcast_in_dim3A_312 = vector.broadcast %jit3A_310 : i32 to vector<16xi32>
      %broadcast_in_dim3A_313 = vector.broadcast %jit3A_311 : i32 to vector<16xi32>
      %select_n3A_314 = arith.select %lt3A_309, %broadcast_in_dim3A_312, %broadcast_in_dim3A_313 : vector<16xi1>, vector<16xi32>
      %add3A_315 = arith.addi %add3A_308, %select_n3A_314 : vector<16xi32>
      %lt3A_316 = arith.cmpi slt, %get3A_94, %scan3A_104#0 : vector<16xi32>
      %jit3A_317 = arith.constant 1 : i32
      %jit3A_318 = arith.constant 0 : i32
      %broadcast_in_dim3A_319 = vector.broadcast %jit3A_317 : i32 to vector<16xi32>
      %broadcast_in_dim3A_320 = vector.broadcast %jit3A_318 : i32 to vector<16xi32>
      %select_n3A_321 = arith.select %lt3A_316, %broadcast_in_dim3A_319, %broadcast_in_dim3A_320 : vector<16xi1>, vector<16xi32>
      %add3A_322 = arith.addi %add3A_315, %select_n3A_321 : vector<16xi32>
      %lt3A_323 = arith.cmpi slt, %get3A_97, %scan3A_104#0 : vector<16xi32>
      %jit3A_324 = arith.constant 1 : i32
      %jit3A_325 = arith.constant 0 : i32
      %broadcast_in_dim3A_326 = vector.broadcast %jit3A_324 : i32 to vector<16xi32>
      %broadcast_in_dim3A_327 = vector.broadcast %jit3A_325 : i32 to vector<16xi32>
      %select_n3A_328 = arith.select %lt3A_323, %broadcast_in_dim3A_326, %broadcast_in_dim3A_327 : vector<16xi1>, vector<16xi32>
      %add3A_329 = arith.addi %add3A_322, %select_n3A_328 : vector<16xi32>
      %add3A_330 = arith.constant 1 : i32
      %add3A_331 = vector.broadcast %add3A_330 : i32 to vector<16xi32>
      %add3A_332 = arith.addi %iota3A, %add3A_331 : vector<16xi32>
      %and3A = arith.constant 15 : i32
      %and3A_333 = vector.broadcast %and3A : i32 to vector<16xi32>
      %and3A_334 = arith.andi %add3A_332, %and3A_333 : vector<16xi32>
      %lt3A_335 = arith.constant 0 : i32
      %lt3A_336 = vector.broadcast %lt3A_335 : i32 to vector<16xi32>
      %lt3A_337 = arith.cmpi slt, %and3A_334, %lt3A_336 : vector<16xi32>
      %add3A_338 = arith.constant 16 : i32
      %add3A_339 = vector.broadcast %add3A_338 : i32 to vector<16xi32>
      %add3A_340 = arith.addi %and3A_334, %add3A_339 : vector<16xi32>
      %select_n3A_341 = arith.select %lt3A_337, %add3A_340, %and3A_334 : vector<16xi1>, vector<16xi32>
      %broadcast_in_dim3A_342 = vector.shape_cast %select_n3A_341 : vector<16xi32> to vector<16x1xi32>
      %gather3A = vector.shape_cast %broadcast_in_dim3A_342 : vector<16x1xi32> to vector<16xi32>
      %gather3A_343 = tpu.dynamic_gather %add3A_329[%gather3A] in [0] : vector<16xi32>, vector<16xi32> -> vector<16xi32>
      %add3A_344 = arith.addi %add3A_329, %gather3A_343 : vector<16xi32>
      %add3A_345 = arith.constant 2 : i32
      %add3A_346 = vector.broadcast %add3A_345 : i32 to vector<16xi32>
      %add3A_347 = arith.addi %iota3A, %add3A_346 : vector<16xi32>
      %and3A_348 = arith.constant 15 : i32
      %and3A_349 = vector.broadcast %and3A_348 : i32 to vector<16xi32>
      %and3A_350 = arith.andi %add3A_347, %and3A_349 : vector<16xi32>
      %lt3A_351 = arith.constant 0 : i32
      %lt3A_352 = vector.broadcast %lt3A_351 : i32 to vector<16xi32>
      %lt3A_353 = arith.cmpi slt, %and3A_350, %lt3A_352 : vector<16xi32>
      %add3A_354 = arith.constant 16 : i32
      %add3A_355 = vector.broadcast %add3A_354 : i32 to vector<16xi32>
      %add3A_356 = arith.addi %and3A_350, %add3A_355 : vector<16xi32>
      %select_n3A_357 = arith.select %lt3A_353, %add3A_356, %and3A_350 : vector<16xi1>, vector<16xi32>
      %broadcast_in_dim3A_358 = vector.shape_cast %select_n3A_357 : vector<16xi32> to vector<16x1xi32>
      %gather3A_359 = vector.shape_cast %broadcast_in_dim3A_358 : vector<16x1xi32> to vector<16xi32>
      %gather3A_360 = tpu.dynamic_gather %add3A_344[%gather3A_359] in [0] : vector<16xi32>, vector<16xi32> -> vector<16xi32>
      %add3A_361 = arith.addi %add3A_344, %gather3A_360 : vector<16xi32>
      %add3A_362 = arith.constant 4 : i32
      %add3A_363 = vector.broadcast %add3A_362 : i32 to vector<16xi32>
      %add3A_364 = arith.addi %iota3A, %add3A_363 : vector<16xi32>
      %and3A_365 = arith.constant 15 : i32
      %and3A_366 = vector.broadcast %and3A_365 : i32 to vector<16xi32>
      %and3A_367 = arith.andi %add3A_364, %and3A_366 : vector<16xi32>
      %lt3A_368 = arith.constant 0 : i32
      %lt3A_369 = vector.broadcast %lt3A_368 : i32 to vector<16xi32>
      %lt3A_370 = arith.cmpi slt, %and3A_367, %lt3A_369 : vector<16xi32>
      %add3A_371 = arith.constant 16 : i32
      %add3A_372 = vector.broadcast %add3A_371 : i32 to vector<16xi32>
      %add3A_373 = arith.addi %and3A_367, %add3A_372 : vector<16xi32>
      %select_n3A_374 = arith.select %lt3A_370, %add3A_373, %and3A_367 : vector<16xi1>, vector<16xi32>
      %broadcast_in_dim3A_375 = vector.shape_cast %select_n3A_374 : vector<16xi32> to vector<16x1xi32>
      %gather3A_376 = vector.shape_cast %broadcast_in_dim3A_375 : vector<16x1xi32> to vector<16xi32>
      %gather3A_377 = tpu.dynamic_gather %add3A_361[%gather3A_376] in [0] : vector<16xi32>, vector<16xi32> -> vector<16xi32>
      %add3A_378 = arith.addi %add3A_361, %gather3A_377 : vector<16xi32>
      %add3A_379 = arith.constant 8 : i32
      %add3A_380 = vector.broadcast %add3A_379 : i32 to vector<16xi32>
      %add3A_381 = arith.addi %iota3A, %add3A_380 : vector<16xi32>
      %and3A_382 = arith.constant 15 : i32
      %and3A_383 = vector.broadcast %and3A_382 : i32 to vector<16xi32>
      %and3A_384 = arith.andi %add3A_381, %and3A_383 : vector<16xi32>
      %lt3A_385 = arith.constant 0 : i32
      %lt3A_386 = vector.broadcast %lt3A_385 : i32 to vector<16xi32>
      %lt3A_387 = arith.cmpi slt, %and3A_384, %lt3A_386 : vector<16xi32>
      %add3A_388 = arith.constant 16 : i32
      %add3A_389 = vector.broadcast %add3A_388 : i32 to vector<16xi32>
      %add3A_390 = arith.addi %and3A_384, %add3A_389 : vector<16xi32>
      %select_n3A_391 = arith.select %lt3A_387, %add3A_390, %and3A_384 : vector<16xi1>, vector<16xi32>
      %broadcast_in_dim3A_392 = vector.shape_cast %select_n3A_391 : vector<16xi32> to vector<16x1xi32>
      %gather3A_393 = vector.shape_cast %broadcast_in_dim3A_392 : vector<16x1xi32> to vector<16xi32>
      %gather3A_394 = tpu.dynamic_gather %add3A_378[%gather3A_393] in [0] : vector<16xi32>, vector<16xi32> -> vector<16xi32>
      %add3A_395 = arith.addi %add3A_378, %gather3A_394 : vector<16xi32>
      %broadcast_in_dim3A_396 = arith.constant 0 : i32
      %broadcast_in_dim3A_397 = vector.broadcast %broadcast_in_dim3A_396 : i32 to vector<16xi32>
      %le3A = arith.cmpi sle, %get3A_4, %scan3A_104#0 : vector<16xi32>
      %jit3A_398 = arith.constant 1 : i32
      %jit3A_399 = arith.constant 0 : i32
      %broadcast_in_dim3A_400 = vector.broadcast %jit3A_398 : i32 to vector<16xi32>
      %broadcast_in_dim3A_401 = vector.broadcast %jit3A_399 : i32 to vector<16xi32>
      %select_n3A_402 = arith.select %le3A, %broadcast_in_dim3A_400, %broadcast_in_dim3A_401 : vector<16xi1>, vector<16xi32>
      %add3A_403 = arith.addi %broadcast_in_dim3A_397, %select_n3A_402 : vector<16xi32>
      %le3A_404 = arith.cmpi sle, %get3A_7, %scan3A_104#0 : vector<16xi32>
      %jit3A_405 = arith.constant 1 : i32
      %jit3A_406 = arith.constant 0 : i32
      %broadcast_in_dim3A_407 = vector.broadcast %jit3A_405 : i32 to vector<16xi32>
      %broadcast_in_dim3A_408 = vector.broadcast %jit3A_406 : i32 to vector<16xi32>
      %select_n3A_409 = arith.select %le3A_404, %broadcast_in_dim3A_407, %broadcast_in_dim3A_408 : vector<16xi1>, vector<16xi32>
      %add3A_410 = arith.addi %add3A_403, %select_n3A_409 : vector<16xi32>
      %le3A_411 = arith.cmpi sle, %get3A_10, %scan3A_104#0 : vector<16xi32>
      %jit3A_412 = arith.constant 1 : i32
      %jit3A_413 = arith.constant 0 : i32
      %broadcast_in_dim3A_414 = vector.broadcast %jit3A_412 : i32 to vector<16xi32>
      %broadcast_in_dim3A_415 = vector.broadcast %jit3A_413 : i32 to vector<16xi32>
      %select_n3A_416 = arith.select %le3A_411, %broadcast_in_dim3A_414, %broadcast_in_dim3A_415 : vector<16xi1>, vector<16xi32>
      %add3A_417 = arith.addi %add3A_410, %select_n3A_416 : vector<16xi32>
      %le3A_418 = arith.cmpi sle, %get3A_13, %scan3A_104#0 : vector<16xi32>
      %jit3A_419 = arith.constant 1 : i32
      %jit3A_420 = arith.constant 0 : i32
      %broadcast_in_dim3A_421 = vector.broadcast %jit3A_419 : i32 to vector<16xi32>
      %broadcast_in_dim3A_422 = vector.broadcast %jit3A_420 : i32 to vector<16xi32>
      %select_n3A_423 = arith.select %le3A_418, %broadcast_in_dim3A_421, %broadcast_in_dim3A_422 : vector<16xi1>, vector<16xi32>
      %add3A_424 = arith.addi %add3A_417, %select_n3A_423 : vector<16xi32>
      %le3A_425 = arith.cmpi sle, %get3A_16, %scan3A_104#0 : vector<16xi32>
      %jit3A_426 = arith.constant 1 : i32
      %jit3A_427 = arith.constant 0 : i32
      %broadcast_in_dim3A_428 = vector.broadcast %jit3A_426 : i32 to vector<16xi32>
      %broadcast_in_dim3A_429 = vector.broadcast %jit3A_427 : i32 to vector<16xi32>
      %select_n3A_430 = arith.select %le3A_425, %broadcast_in_dim3A_428, %broadcast_in_dim3A_429 : vector<16xi1>, vector<16xi32>
      %add3A_431 = arith.addi %add3A_424, %select_n3A_430 : vector<16xi32>
      %le3A_432 = arith.cmpi sle, %get3A_19, %scan3A_104#0 : vector<16xi32>
      %jit3A_433 = arith.constant 1 : i32
      %jit3A_434 = arith.constant 0 : i32
      %broadcast_in_dim3A_435 = vector.broadcast %jit3A_433 : i32 to vector<16xi32>
      %broadcast_in_dim3A_436 = vector.broadcast %jit3A_434 : i32 to vector<16xi32>
      %select_n3A_437 = arith.select %le3A_432, %broadcast_in_dim3A_435, %broadcast_in_dim3A_436 : vector<16xi1>, vector<16xi32>
      %add3A_438 = arith.addi %add3A_431, %select_n3A_437 : vector<16xi32>
      %le3A_439 = arith.cmpi sle, %get3A_22, %scan3A_104#0 : vector<16xi32>
      %jit3A_440 = arith.constant 1 : i32
      %jit3A_441 = arith.constant 0 : i32
      %broadcast_in_dim3A_442 = vector.broadcast %jit3A_440 : i32 to vector<16xi32>
      %broadcast_in_dim3A_443 = vector.broadcast %jit3A_441 : i32 to vector<16xi32>
      %select_n3A_444 = arith.select %le3A_439, %broadcast_in_dim3A_442, %broadcast_in_dim3A_443 : vector<16xi1>, vector<16xi32>
      %add3A_445 = arith.addi %add3A_438, %select_n3A_444 : vector<16xi32>
      %le3A_446 = arith.cmpi sle, %get3A_25, %scan3A_104#0 : vector<16xi32>
      %jit3A_447 = arith.constant 1 : i32
      %jit3A_448 = arith.constant 0 : i32
      %broadcast_in_dim3A_449 = vector.broadcast %jit3A_447 : i32 to vector<16xi32>
      %broadcast_in_dim3A_450 = vector.broadcast %jit3A_448 : i32 to vector<16xi32>
      %select_n3A_451 = arith.select %le3A_446, %broadcast_in_dim3A_449, %broadcast_in_dim3A_450 : vector<16xi1>, vector<16xi32>
      %add3A_452 = arith.addi %add3A_445, %select_n3A_451 : vector<16xi32>
      %le3A_453 = arith.cmpi sle, %get3A_28, %scan3A_104#0 : vector<16xi32>
      %jit3A_454 = arith.constant 1 : i32
      %jit3A_455 = arith.constant 0 : i32
      %broadcast_in_dim3A_456 = vector.broadcast %jit3A_454 : i32 to vector<16xi32>
      %broadcast_in_dim3A_457 = vector.broadcast %jit3A_455 : i32 to vector<16xi32>
      %select_n3A_458 = arith.select %le3A_453, %broadcast_in_dim3A_456, %broadcast_in_dim3A_457 : vector<16xi1>, vector<16xi32>
      %add3A_459 = arith.addi %add3A_452, %select_n3A_458 : vector<16xi32>
      %le3A_460 = arith.cmpi sle, %get3A_31, %scan3A_104#0 : vector<16xi32>
      %jit3A_461 = arith.constant 1 : i32
      %jit3A_462 = arith.constant 0 : i32
      %broadcast_in_dim3A_463 = vector.broadcast %jit3A_461 : i32 to vector<16xi32>
      %broadcast_in_dim3A_464 = vector.broadcast %jit3A_462 : i32 to vector<16xi32>
      %select_n3A_465 = arith.select %le3A_460, %broadcast_in_dim3A_463, %broadcast_in_dim3A_464 : vector<16xi1>, vector<16xi32>
      %add3A_466 = arith.addi %add3A_459, %select_n3A_465 : vector<16xi32>
      %le3A_467 = arith.cmpi sle, %get3A_34, %scan3A_104#0 : vector<16xi32>
      %jit3A_468 = arith.constant 1 : i32
      %jit3A_469 = arith.constant 0 : i32
      %broadcast_in_dim3A_470 = vector.broadcast %jit3A_468 : i32 to vector<16xi32>
      %broadcast_in_dim3A_471 = vector.broadcast %jit3A_469 : i32 to vector<16xi32>
      %select_n3A_472 = arith.select %le3A_467, %broadcast_in_dim3A_470, %broadcast_in_dim3A_471 : vector<16xi1>, vector<16xi32>
      %add3A_473 = arith.addi %add3A_466, %select_n3A_472 : vector<16xi32>
      %le3A_474 = arith.cmpi sle, %get3A_37, %scan3A_104#0 : vector<16xi32>
      %jit3A_475 = arith.constant 1 : i32
      %jit3A_476 = arith.constant 0 : i32
      %broadcast_in_dim3A_477 = vector.broadcast %jit3A_475 : i32 to vector<16xi32>
      %broadcast_in_dim3A_478 = vector.broadcast %jit3A_476 : i32 to vector<16xi32>
      %select_n3A_479 = arith.select %le3A_474, %broadcast_in_dim3A_477, %broadcast_in_dim3A_478 : vector<16xi1>, vector<16xi32>
      %add3A_480 = arith.addi %add3A_473, %select_n3A_479 : vector<16xi32>
      %le3A_481 = arith.cmpi sle, %get3A_40, %scan3A_104#0 : vector<16xi32>
      %jit3A_482 = arith.constant 1 : i32
      %jit3A_483 = arith.constant 0 : i32
      %broadcast_in_dim3A_484 = vector.broadcast %jit3A_482 : i32 to vector<16xi32>
      %broadcast_in_dim3A_485 = vector.broadcast %jit3A_483 : i32 to vector<16xi32>
      %select_n3A_486 = arith.select %le3A_481, %broadcast_in_dim3A_484, %broadcast_in_dim3A_485 : vector<16xi1>, vector<16xi32>
      %add3A_487 = arith.addi %add3A_480, %select_n3A_486 : vector<16xi32>
      %le3A_488 = arith.cmpi sle, %get3A_43, %scan3A_104#0 : vector<16xi32>
      %jit3A_489 = arith.constant 1 : i32
      %jit3A_490 = arith.constant 0 : i32
      %broadcast_in_dim3A_491 = vector.broadcast %jit3A_489 : i32 to vector<16xi32>
      %broadcast_in_dim3A_492 = vector.broadcast %jit3A_490 : i32 to vector<16xi32>
      %select_n3A_493 = arith.select %le3A_488, %broadcast_in_dim3A_491, %broadcast_in_dim3A_492 : vector<16xi1>, vector<16xi32>
      %add3A_494 = arith.addi %add3A_487, %select_n3A_493 : vector<16xi32>
      %le3A_495 = arith.cmpi sle, %get3A_46, %scan3A_104#0 : vector<16xi32>
      %jit3A_496 = arith.constant 1 : i32
      %jit3A_497 = arith.constant 0 : i32
      %broadcast_in_dim3A_498 = vector.broadcast %jit3A_496 : i32 to vector<16xi32>
      %broadcast_in_dim3A_499 = vector.broadcast %jit3A_497 : i32 to vector<16xi32>
      %select_n3A_500 = arith.select %le3A_495, %broadcast_in_dim3A_498, %broadcast_in_dim3A_499 : vector<16xi1>, vector<16xi32>
      %add3A_501 = arith.addi %add3A_494, %select_n3A_500 : vector<16xi32>
      %le3A_502 = arith.cmpi sle, %get3A_49, %scan3A_104#0 : vector<16xi32>
      %jit3A_503 = arith.constant 1 : i32
      %jit3A_504 = arith.constant 0 : i32
      %broadcast_in_dim3A_505 = vector.broadcast %jit3A_503 : i32 to vector<16xi32>
      %broadcast_in_dim3A_506 = vector.broadcast %jit3A_504 : i32 to vector<16xi32>
      %select_n3A_507 = arith.select %le3A_502, %broadcast_in_dim3A_505, %broadcast_in_dim3A_506 : vector<16xi1>, vector<16xi32>
      %add3A_508 = arith.addi %add3A_501, %select_n3A_507 : vector<16xi32>
      %le3A_509 = arith.cmpi sle, %get3A_52, %scan3A_104#0 : vector<16xi32>
      %jit3A_510 = arith.constant 1 : i32
      %jit3A_511 = arith.constant 0 : i32
      %broadcast_in_dim3A_512 = vector.broadcast %jit3A_510 : i32 to vector<16xi32>
      %broadcast_in_dim3A_513 = vector.broadcast %jit3A_511 : i32 to vector<16xi32>
      %select_n3A_514 = arith.select %le3A_509, %broadcast_in_dim3A_512, %broadcast_in_dim3A_513 : vector<16xi1>, vector<16xi32>
      %add3A_515 = arith.addi %add3A_508, %select_n3A_514 : vector<16xi32>
      %le3A_516 = arith.cmpi sle, %get3A_55, %scan3A_104#0 : vector<16xi32>
      %jit3A_517 = arith.constant 1 : i32
      %jit3A_518 = arith.constant 0 : i32
      %broadcast_in_dim3A_519 = vector.broadcast %jit3A_517 : i32 to vector<16xi32>
      %broadcast_in_dim3A_520 = vector.broadcast %jit3A_518 : i32 to vector<16xi32>
      %select_n3A_521 = arith.select %le3A_516, %broadcast_in_dim3A_519, %broadcast_in_dim3A_520 : vector<16xi1>, vector<16xi32>
      %add3A_522 = arith.addi %add3A_515, %select_n3A_521 : vector<16xi32>
      %le3A_523 = arith.cmpi sle, %get3A_58, %scan3A_104#0 : vector<16xi32>
      %jit3A_524 = arith.constant 1 : i32
      %jit3A_525 = arith.constant 0 : i32
      %broadcast_in_dim3A_526 = vector.broadcast %jit3A_524 : i32 to vector<16xi32>
      %broadcast_in_dim3A_527 = vector.broadcast %jit3A_525 : i32 to vector<16xi32>
      %select_n3A_528 = arith.select %le3A_523, %broadcast_in_dim3A_526, %broadcast_in_dim3A_527 : vector<16xi1>, vector<16xi32>
      %add3A_529 = arith.addi %add3A_522, %select_n3A_528 : vector<16xi32>
      %le3A_530 = arith.cmpi sle, %get3A_61, %scan3A_104#0 : vector<16xi32>
      %jit3A_531 = arith.constant 1 : i32
      %jit3A_532 = arith.constant 0 : i32
      %broadcast_in_dim3A_533 = vector.broadcast %jit3A_531 : i32 to vector<16xi32>
      %broadcast_in_dim3A_534 = vector.broadcast %jit3A_532 : i32 to vector<16xi32>
      %select_n3A_535 = arith.select %le3A_530, %broadcast_in_dim3A_533, %broadcast_in_dim3A_534 : vector<16xi1>, vector<16xi32>
      %add3A_536 = arith.addi %add3A_529, %select_n3A_535 : vector<16xi32>
      %le3A_537 = arith.cmpi sle, %get3A_64, %scan3A_104#0 : vector<16xi32>
      %jit3A_538 = arith.constant 1 : i32
      %jit3A_539 = arith.constant 0 : i32
      %broadcast_in_dim3A_540 = vector.broadcast %jit3A_538 : i32 to vector<16xi32>
      %broadcast_in_dim3A_541 = vector.broadcast %jit3A_539 : i32 to vector<16xi32>
      %select_n3A_542 = arith.select %le3A_537, %broadcast_in_dim3A_540, %broadcast_in_dim3A_541 : vector<16xi1>, vector<16xi32>
      %add3A_543 = arith.addi %add3A_536, %select_n3A_542 : vector<16xi32>
      %le3A_544 = arith.cmpi sle, %get3A_67, %scan3A_104#0 : vector<16xi32>
      %jit3A_545 = arith.constant 1 : i32
      %jit3A_546 = arith.constant 0 : i32
      %broadcast_in_dim3A_547 = vector.broadcast %jit3A_545 : i32 to vector<16xi32>
      %broadcast_in_dim3A_548 = vector.broadcast %jit3A_546 : i32 to vector<16xi32>
      %select_n3A_549 = arith.select %le3A_544, %broadcast_in_dim3A_547, %broadcast_in_dim3A_548 : vector<16xi1>, vector<16xi32>
      %add3A_550 = arith.addi %add3A_543, %select_n3A_549 : vector<16xi32>
      %le3A_551 = arith.cmpi sle, %get3A_70, %scan3A_104#0 : vector<16xi32>
      %jit3A_552 = arith.constant 1 : i32
      %jit3A_553 = arith.constant 0 : i32
      %broadcast_in_dim3A_554 = vector.broadcast %jit3A_552 : i32 to vector<16xi32>
      %broadcast_in_dim3A_555 = vector.broadcast %jit3A_553 : i32 to vector<16xi32>
      %select_n3A_556 = arith.select %le3A_551, %broadcast_in_dim3A_554, %broadcast_in_dim3A_555 : vector<16xi1>, vector<16xi32>
      %add3A_557 = arith.addi %add3A_550, %select_n3A_556 : vector<16xi32>
      %le3A_558 = arith.cmpi sle, %get3A_73, %scan3A_104#0 : vector<16xi32>
      %jit3A_559 = arith.constant 1 : i32
      %jit3A_560 = arith.constant 0 : i32
      %broadcast_in_dim3A_561 = vector.broadcast %jit3A_559 : i32 to vector<16xi32>
      %broadcast_in_dim3A_562 = vector.broadcast %jit3A_560 : i32 to vector<16xi32>
      %select_n3A_563 = arith.select %le3A_558, %broadcast_in_dim3A_561, %broadcast_in_dim3A_562 : vector<16xi1>, vector<16xi32>
      %add3A_564 = arith.addi %add3A_557, %select_n3A_563 : vector<16xi32>
      %le3A_565 = arith.cmpi sle, %get3A_76, %scan3A_104#0 : vector<16xi32>
      %jit3A_566 = arith.constant 1 : i32
      %jit3A_567 = arith.constant 0 : i32
      %broadcast_in_dim3A_568 = vector.broadcast %jit3A_566 : i32 to vector<16xi32>
      %broadcast_in_dim3A_569 = vector.broadcast %jit3A_567 : i32 to vector<16xi32>
      %select_n3A_570 = arith.select %le3A_565, %broadcast_in_dim3A_568, %broadcast_in_dim3A_569 : vector<16xi1>, vector<16xi32>
      %add3A_571 = arith.addi %add3A_564, %select_n3A_570 : vector<16xi32>
      %le3A_572 = arith.cmpi sle, %get3A_79, %scan3A_104#0 : vector<16xi32>
      %jit3A_573 = arith.constant 1 : i32
      %jit3A_574 = arith.constant 0 : i32
      %broadcast_in_dim3A_575 = vector.broadcast %jit3A_573 : i32 to vector<16xi32>
      %broadcast_in_dim3A_576 = vector.broadcast %jit3A_574 : i32 to vector<16xi32>
      %select_n3A_577 = arith.select %le3A_572, %broadcast_in_dim3A_575, %broadcast_in_dim3A_576 : vector<16xi1>, vector<16xi32>
      %add3A_578 = arith.addi %add3A_571, %select_n3A_577 : vector<16xi32>
      %le3A_579 = arith.cmpi sle, %get3A_82, %scan3A_104#0 : vector<16xi32>
      %jit3A_580 = arith.constant 1 : i32
      %jit3A_581 = arith.constant 0 : i32
      %broadcast_in_dim3A_582 = vector.broadcast %jit3A_580 : i32 to vector<16xi32>
      %broadcast_in_dim3A_583 = vector.broadcast %jit3A_581 : i32 to vector<16xi32>
      %select_n3A_584 = arith.select %le3A_579, %broadcast_in_dim3A_582, %broadcast_in_dim3A_583 : vector<16xi1>, vector<16xi32>
      %add3A_585 = arith.addi %add3A_578, %select_n3A_584 : vector<16xi32>
      %le3A_586 = arith.cmpi sle, %get3A_85, %scan3A_104#0 : vector<16xi32>
      %jit3A_587 = arith.constant 1 : i32
      %jit3A_588 = arith.constant 0 : i32
      %broadcast_in_dim3A_589 = vector.broadcast %jit3A_587 : i32 to vector<16xi32>
      %broadcast_in_dim3A_590 = vector.broadcast %jit3A_588 : i32 to vector<16xi32>
      %select_n3A_591 = arith.select %le3A_586, %broadcast_in_dim3A_589, %broadcast_in_dim3A_590 : vector<16xi1>, vector<16xi32>
      %add3A_592 = arith.addi %add3A_585, %select_n3A_591 : vector<16xi32>
      %le3A_593 = arith.cmpi sle, %get3A_88, %scan3A_104#0 : vector<16xi32>
      %jit3A_594 = arith.constant 1 : i32
      %jit3A_595 = arith.constant 0 : i32
      %broadcast_in_dim3A_596 = vector.broadcast %jit3A_594 : i32 to vector<16xi32>
      %broadcast_in_dim3A_597 = vector.broadcast %jit3A_595 : i32 to vector<16xi32>
      %select_n3A_598 = arith.select %le3A_593, %broadcast_in_dim3A_596, %broadcast_in_dim3A_597 : vector<16xi1>, vector<16xi32>
      %add3A_599 = arith.addi %add3A_592, %select_n3A_598 : vector<16xi32>
      %le3A_600 = arith.cmpi sle, %get3A_91, %scan3A_104#0 : vector<16xi32>
      %jit3A_601 = arith.constant 1 : i32
      %jit3A_602 = arith.constant 0 : i32
      %broadcast_in_dim3A_603 = vector.broadcast %jit3A_601 : i32 to vector<16xi32>
      %broadcast_in_dim3A_604 = vector.broadcast %jit3A_602 : i32 to vector<16xi32>
      %select_n3A_605 = arith.select %le3A_600, %broadcast_in_dim3A_603, %broadcast_in_dim3A_604 : vector<16xi1>, vector<16xi32>
      %add3A_606 = arith.addi %add3A_599, %select_n3A_605 : vector<16xi32>
      %le3A_607 = arith.cmpi sle, %get3A_94, %scan3A_104#0 : vector<16xi32>
      %jit3A_608 = arith.constant 1 : i32
      %jit3A_609 = arith.constant 0 : i32
      %broadcast_in_dim3A_610 = vector.broadcast %jit3A_608 : i32 to vector<16xi32>
      %broadcast_in_dim3A_611 = vector.broadcast %jit3A_609 : i32 to vector<16xi32>
      %select_n3A_612 = arith.select %le3A_607, %broadcast_in_dim3A_610, %broadcast_in_dim3A_611 : vector<16xi1>, vector<16xi32>
      %add3A_613 = arith.addi %add3A_606, %select_n3A_612 : vector<16xi32>
      %le3A_614 = arith.cmpi sle, %get3A_97, %scan3A_104#0 : vector<16xi32>
      %jit3A_615 = arith.constant 1 : i32
      %jit3A_616 = arith.constant 0 : i32
      %broadcast_in_dim3A_617 = vector.broadcast %jit3A_615 : i32 to vector<16xi32>
      %broadcast_in_dim3A_618 = vector.broadcast %jit3A_616 : i32 to vector<16xi32>
      %select_n3A_619 = arith.select %le3A_614, %broadcast_in_dim3A_617, %broadcast_in_dim3A_618 : vector<16xi1>, vector<16xi32>
      %add3A_620 = arith.addi %add3A_613, %select_n3A_619 : vector<16xi32>
      %add3A_621 = arith.constant 1 : i32
      %add3A_622 = vector.broadcast %add3A_621 : i32 to vector<16xi32>
      %add3A_623 = arith.addi %iota3A, %add3A_622 : vector<16xi32>
      %and3A_624 = arith.constant 15 : i32
      %and3A_625 = vector.broadcast %and3A_624 : i32 to vector<16xi32>
      %and3A_626 = arith.andi %add3A_623, %and3A_625 : vector<16xi32>
      %lt3A_627 = arith.constant 0 : i32
      %lt3A_628 = vector.broadcast %lt3A_627 : i32 to vector<16xi32>
      %lt3A_629 = arith.cmpi slt, %and3A_626, %lt3A_628 : vector<16xi32>
      %add3A_630 = arith.constant 16 : i32
      %add3A_631 = vector.broadcast %add3A_630 : i32 to vector<16xi32>
      %add3A_632 = arith.addi %and3A_626, %add3A_631 : vector<16xi32>
      %select_n3A_633 = arith.select %lt3A_629, %add3A_632, %and3A_626 : vector<16xi1>, vector<16xi32>
      %broadcast_in_dim3A_634 = vector.shape_cast %select_n3A_633 : vector<16xi32> to vector<16x1xi32>
      %gather3A_635 = vector.shape_cast %broadcast_in_dim3A_634 : vector<16x1xi32> to vector<16xi32>
      %gather3A_636 = tpu.dynamic_gather %add3A_620[%gather3A_635] in [0] : vector<16xi32>, vector<16xi32> -> vector<16xi32>
      %add3A_637 = arith.addi %add3A_620, %gather3A_636 : vector<16xi32>
      %add3A_638 = arith.constant 2 : i32
      %add3A_639 = vector.broadcast %add3A_638 : i32 to vector<16xi32>
      %add3A_640 = arith.addi %iota3A, %add3A_639 : vector<16xi32>
      %and3A_641 = arith.constant 15 : i32
      %and3A_642 = vector.broadcast %and3A_641 : i32 to vector<16xi32>
      %and3A_643 = arith.andi %add3A_640, %and3A_642 : vector<16xi32>
      %lt3A_644 = arith.constant 0 : i32
      %lt3A_645 = vector.broadcast %lt3A_644 : i32 to vector<16xi32>
      %lt3A_646 = arith.cmpi slt, %and3A_643, %lt3A_645 : vector<16xi32>
      %add3A_647 = arith.constant 16 : i32
      %add3A_648 = vector.broadcast %add3A_647 : i32 to vector<16xi32>
      %add3A_649 = arith.addi %and3A_643, %add3A_648 : vector<16xi32>
      %select_n3A_650 = arith.select %lt3A_646, %add3A_649, %and3A_643 : vector<16xi1>, vector<16xi32>
      %broadcast_in_dim3A_651 = vector.shape_cast %select_n3A_650 : vector<16xi32> to vector<16x1xi32>
      %gather3A_652 = vector.shape_cast %broadcast_in_dim3A_651 : vector<16x1xi32> to vector<16xi32>
      %gather3A_653 = tpu.dynamic_gather %add3A_637[%gather3A_652] in [0] : vector<16xi32>, vector<16xi32> -> vector<16xi32>
      %add3A_654 = arith.addi %add3A_637, %gather3A_653 : vector<16xi32>
      %add3A_655 = arith.constant 4 : i32
      %add3A_656 = vector.broadcast %add3A_655 : i32 to vector<16xi32>
      %add3A_657 = arith.addi %iota3A, %add3A_656 : vector<16xi32>
      %and3A_658 = arith.constant 15 : i32
      %and3A_659 = vector.broadcast %and3A_658 : i32 to vector<16xi32>
      %and3A_660 = arith.andi %add3A_657, %and3A_659 : vector<16xi32>
      %lt3A_661 = arith.constant 0 : i32
      %lt3A_662 = vector.broadcast %lt3A_661 : i32 to vector<16xi32>
      %lt3A_663 = arith.cmpi slt, %and3A_660, %lt3A_662 : vector<16xi32>
      %add3A_664 = arith.constant 16 : i32
      %add3A_665 = vector.broadcast %add3A_664 : i32 to vector<16xi32>
      %add3A_666 = arith.addi %and3A_660, %add3A_665 : vector<16xi32>
      %select_n3A_667 = arith.select %lt3A_663, %add3A_666, %and3A_660 : vector<16xi1>, vector<16xi32>
      %broadcast_in_dim3A_668 = vector.shape_cast %select_n3A_667 : vector<16xi32> to vector<16x1xi32>
      %gather3A_669 = vector.shape_cast %broadcast_in_dim3A_668 : vector<16x1xi32> to vector<16xi32>
      %gather3A_670 = tpu.dynamic_gather %add3A_654[%gather3A_669] in [0] : vector<16xi32>, vector<16xi32> -> vector<16xi32>
      %add3A_671 = arith.addi %add3A_654, %gather3A_670 : vector<16xi32>
      %add3A_672 = arith.constant 8 : i32
      %add3A_673 = vector.broadcast %add3A_672 : i32 to vector<16xi32>
      %add3A_674 = arith.addi %iota3A, %add3A_673 : vector<16xi32>
      %and3A_675 = arith.constant 15 : i32
      %and3A_676 = vector.broadcast %and3A_675 : i32 to vector<16xi32>
      %and3A_677 = arith.andi %add3A_674, %and3A_676 : vector<16xi32>
      %lt3A_678 = arith.constant 0 : i32
      %lt3A_679 = vector.broadcast %lt3A_678 : i32 to vector<16xi32>
      %lt3A_680 = arith.cmpi slt, %and3A_677, %lt3A_679 : vector<16xi32>
      %add3A_681 = arith.constant 16 : i32
      %add3A_682 = vector.broadcast %add3A_681 : i32 to vector<16xi32>
      %add3A_683 = arith.addi %and3A_677, %add3A_682 : vector<16xi32>
      %select_n3A_684 = arith.select %lt3A_680, %add3A_683, %and3A_677 : vector<16xi1>, vector<16xi32>
      %broadcast_in_dim3A_685 = vector.shape_cast %select_n3A_684 : vector<16xi32> to vector<16x1xi32>
      %gather3A_686 = vector.shape_cast %broadcast_in_dim3A_685 : vector<16x1xi32> to vector<16xi32>
      %gather3A_687 = tpu.dynamic_gather %add3A_671[%gather3A_686] in [0] : vector<16xi32>, vector<16xi32> -> vector<16xi32>
      %add3A_688 = arith.addi %add3A_671, %gather3A_687 : vector<16xi32>
      %sub3A = arith.constant 205 : i32
      %sub3A_689 = vector.broadcast %sub3A : i32 to vector<16xi32>
      %sub3A_690 = arith.subi %sub3A_689, %add3A_395 : vector<16xi32>
      %slice3A = vector.extract_strided_slice %add3A_688 {offsets = [0], sizes = [1], strides = [1]} : vector<16xi32> to vector<1xi32>
      %squeeze3A = vector.extract %slice3A[0] : i32 from vector<1xi32>
      %eq3A = arith.constant 205 : i32
      %eq3A_691 = arith.cmpi eq, %squeeze3A, %eq3A : i32
      %convert_element_type3A_692 = arith.extui %eq3A_691 : i1 to i32
      %cond3A_693 = arith.constant 0 : i32
      %cond3A_694 = arith.cmpi ne, %convert_element_type3A_692, %cond3A_693 : i32
      scf.if %cond3A_694 {
        %le3A_695 = arith.cmpi sle, %get3A_4, %scan3A_104#0 : vector<16xi32>
        %jit3A_696 = arith.constant 0.000000e+00 : f32
        %jit3A_697 = arith.constant 1.000000e+00 : f32
        %broadcast_in_dim3A_698 = vector.broadcast %jit3A_696 : f32 to vector<16xf32>
        %broadcast_in_dim3A_699 = vector.broadcast %jit3A_697 : f32 to vector<16xf32>
        %select_n3A_700 = arith.select %le3A_695, %broadcast_in_dim3A_698, %broadcast_in_dim3A_699 : vector<16xi1>, vector<16xf32>
        %swap3A = arith.constant 0 : index
        %swap3A_701 = tpu.vector_load %arg5[%swap3A] {strides = array<i32>} : memref<512xf32, #tpu.memory_space<vmem>>, vector<16xf32>,
        %swap3A_702 = vector.shape_cast %swap3A_701 : vector<16xf32> to vector<16xf32>
        %swap3A_703 = vector.shape_cast %select_n3A_700 : vector<16xf32> to vector<16xf32>
        tpu.vector_store %arg5[%swap3A], %swap3A_703 {strides = array<i32>} : memref<512xf32, #tpu.memory_space<vmem>>, vector<16xf32>,
        %le3A_704 = arith.cmpi sle, %get3A_7, %scan3A_104#0 : vector<16xi32>
        %jit3A_705 = arith.constant 0.000000e+00 : f32
        %jit3A_706 = arith.constant 1.000000e+00 : f32
        %broadcast_in_dim3A_707 = vector.broadcast %jit3A_705 : f32 to vector<16xf32>
        %broadcast_in_dim3A_708 = vector.broadcast %jit3A_706 : f32 to vector<16xf32>
        %select_n3A_709 = arith.select %le3A_704, %broadcast_in_dim3A_707, %broadcast_in_dim3A_708 : vector<16xi1>, vector<16xf32>
        %swap3A_710 = arith.constant 16 : index
        %swap3A_711 = tpu.vector_load %arg5[%swap3A_710] {strides = array<i32>} : memref<512xf32, #tpu.memory_space<vmem>>, vector<16xf32>,
        %swap3A_712 = vector.shape_cast %swap3A_711 : vector<16xf32> to vector<16xf32>
        %swap3A_713 = vector.shape_cast %select_n3A_709 : vector<16xf32> to vector<16xf32>
        tpu.vector_store %arg5[%swap3A_710], %swap3A_713 {strides = array<i32>} : memref<512xf32, #tpu.memory_space<vmem>>, vector<16xf32>,
        %le3A_714 = arith.cmpi sle, %get3A_10, %scan3A_104#0 : vector<16xi32>
        %jit3A_715 = arith.constant 0.000000e+00 : f32
        %jit3A_716 = arith.constant 1.000000e+00 : f32
        %broadcast_in_dim3A_717 = vector.broadcast %jit3A_715 : f32 to vector<16xf32>
        %broadcast_in_dim3A_718 = vector.broadcast %jit3A_716 : f32 to vector<16xf32>
        %select_n3A_719 = arith.select %le3A_714, %broadcast_in_dim3A_717, %broadcast_in_dim3A_718 : vector<16xi1>, vector<16xf32>
        %swap3A_720 = arith.constant 32 : index
        %swap3A_721 = tpu.vector_load %arg5[%swap3A_720] {strides = array<i32>} : memref<512xf32, #tpu.memory_space<vmem>>, vector<16xf32>,
        %swap3A_722 = vector.shape_cast %swap3A_721 : vector<16xf32> to vector<16xf32>
        %swap3A_723 = vector.shape_cast %select_n3A_719 : vector<16xf32> to vector<16xf32>
        tpu.vector_store %arg5[%swap3A_720], %swap3A_723 {strides = array<i32>} : memref<512xf32, #tpu.memory_space<vmem>>, vector<16xf32>,
        %le3A_724 = arith.cmpi sle, %get3A_13, %scan3A_104#0 : vector<16xi32>
        %jit3A_725 = arith.constant 0.000000e+00 : f32
        %jit3A_726 = arith.constant 1.000000e+00 : f32
        %broadcast_in_dim3A_727 = vector.broadcast %jit3A_725 : f32 to vector<16xf32>
        %broadcast_in_dim3A_728 = vector.broadcast %jit3A_726 : f32 to vector<16xf32>
        %select_n3A_729 = arith.select %le3A_724, %broadcast_in_dim3A_727, %broadcast_in_dim3A_728 : vector<16xi1>, vector<16xf32>
        %swap3A_730 = arith.constant 48 : index
        %swap3A_731 = tpu.vector_load %arg5[%swap3A_730] {strides = array<i32>} : memref<512xf32, #tpu.memory_space<vmem>>, vector<16xf32>,
        %swap3A_732 = vector.shape_cast %swap3A_731 : vector<16xf32> to vector<16xf32>
        %swap3A_733 = vector.shape_cast %select_n3A_729 : vector<16xf32> to vector<16xf32>
        tpu.vector_store %arg5[%swap3A_730], %swap3A_733 {strides = array<i32>} : memref<512xf32, #tpu.memory_space<vmem>>, vector<16xf32>,
        %le3A_734 = arith.cmpi sle, %get3A_16, %scan3A_104#0 : vector<16xi32>
        %jit3A_735 = arith.constant 0.000000e+00 : f32
        %jit3A_736 = arith.constant 1.000000e+00 : f32
        %broadcast_in_dim3A_737 = vector.broadcast %jit3A_735 : f32 to vector<16xf32>
        %broadcast_in_dim3A_738 = vector.broadcast %jit3A_736 : f32 to vector<16xf32>
        %select_n3A_739 = arith.select %le3A_734, %broadcast_in_dim3A_737, %broadcast_in_dim3A_738 : vector<16xi1>, vector<16xf32>
        %swap3A_740 = arith.constant 64 : index
        %swap3A_741 = tpu.vector_load %arg5[%swap3A_740] {strides = array<i32>} : memref<512xf32, #tpu.memory_space<vmem>>, vector<16xf32>,
        %swap3A_742 = vector.shape_cast %swap3A_741 : vector<16xf32> to vector<16xf32>
        %swap3A_743 = vector.shape_cast %select_n3A_739 : vector<16xf32> to vector<16xf32>
        tpu.vector_store %arg5[%swap3A_740], %swap3A_743 {strides = array<i32>} : memref<512xf32, #tpu.memory_space<vmem>>, vector<16xf32>,
        %le3A_744 = arith.cmpi sle, %get3A_19, %scan3A_104#0 : vector<16xi32>
        %jit3A_745 = arith.constant 0.000000e+00 : f32
        %jit3A_746 = arith.constant 1.000000e+00 : f32
        %broadcast_in_dim3A_747 = vector.broadcast %jit3A_745 : f32 to vector<16xf32>
        %broadcast_in_dim3A_748 = vector.broadcast %jit3A_746 : f32 to vector<16xf32>
        %select_n3A_749 = arith.select %le3A_744, %broadcast_in_dim3A_747, %broadcast_in_dim3A_748 : vector<16xi1>, vector<16xf32>
        %swap3A_750 = arith.constant 80 : index
        %swap3A_751 = tpu.vector_load %arg5[%swap3A_750] {strides = array<i32>} : memref<512xf32, #tpu.memory_space<vmem>>, vector<16xf32>,
        %swap3A_752 = vector.shape_cast %swap3A_751 : vector<16xf32> to vector<16xf32>
        %swap3A_753 = vector.shape_cast %select_n3A_749 : vector<16xf32> to vector<16xf32>
        tpu.vector_store %arg5[%swap3A_750], %swap3A_753 {strides = array<i32>} : memref<512xf32, #tpu.memory_space<vmem>>, vector<16xf32>,
        %le3A_754 = arith.cmpi sle, %get3A_22, %scan3A_104#0 : vector<16xi32>
        %jit3A_755 = arith.constant 0.000000e+00 : f32
        %jit3A_756 = arith.constant 1.000000e+00 : f32
        %broadcast_in_dim3A_757 = vector.broadcast %jit3A_755 : f32 to vector<16xf32>
        %broadcast_in_dim3A_758 = vector.broadcast %jit3A_756 : f32 to vector<16xf32>
        %select_n3A_759 = arith.select %le3A_754, %broadcast_in_dim3A_757, %broadcast_in_dim3A_758 : vector<16xi1>, vector<16xf32>
        %swap3A_760 = arith.constant 96 : index
        %swap3A_761 = tpu.vector_load %arg5[%swap3A_760] {strides = array<i32>} : memref<512xf32, #tpu.memory_space<vmem>>, vector<16xf32>,
        %swap3A_762 = vector.shape_cast %swap3A_761 : vector<16xf32> to vector<16xf32>
        %swap3A_763 = vector.shape_cast %select_n3A_759 : vector<16xf32> to vector<16xf32>
        tpu.vector_store %arg5[%swap3A_760], %swap3A_763 {strides = array<i32>} : memref<512xf32, #tpu.memory_space<vmem>>, vector<16xf32>,
        %le3A_764 = arith.cmpi sle, %get3A_25, %scan3A_104#0 : vector<16xi32>
        %jit3A_765 = arith.constant 0.000000e+00 : f32
        %jit3A_766 = arith.constant 1.000000e+00 : f32
        %broadcast_in_dim3A_767 = vector.broadcast %jit3A_765 : f32 to vector<16xf32>
        %broadcast_in_dim3A_768 = vector.broadcast %jit3A_766 : f32 to vector<16xf32>
        %select_n3A_769 = arith.select %le3A_764, %broadcast_in_dim3A_767, %broadcast_in_dim3A_768 : vector<16xi1>, vector<16xf32>
        %swap3A_770 = arith.constant 112 : index
        %swap3A_771 = tpu.vector_load %arg5[%swap3A_770] {strides = array<i32>} : memref<512xf32, #tpu.memory_space<vmem>>, vector<16xf32>,
        %swap3A_772 = vector.shape_cast %swap3A_771 : vector<16xf32> to vector<16xf32>
        %swap3A_773 = vector.shape_cast %select_n3A_769 : vector<16xf32> to vector<16xf32>
        tpu.vector_store %arg5[%swap3A_770], %swap3A_773 {strides = array<i32>} : memref<512xf32, #tpu.memory_space<vmem>>, vector<16xf32>,
        %le3A_774 = arith.cmpi sle, %get3A_28, %scan3A_104#0 : vector<16xi32>
        %jit3A_775 = arith.constant 0.000000e+00 : f32
        %jit3A_776 = arith.constant 1.000000e+00 : f32
        %broadcast_in_dim3A_777 = vector.broadcast %jit3A_775 : f32 to vector<16xf32>
        %broadcast_in_dim3A_778 = vector.broadcast %jit3A_776 : f32 to vector<16xf32>
        %select_n3A_779 = arith.select %le3A_774, %broadcast_in_dim3A_777, %broadcast_in_dim3A_778 : vector<16xi1>, vector<16xf32>
        %swap3A_780 = arith.constant 128 : index
        %swap3A_781 = tpu.vector_load %arg5[%swap3A_780] {strides = array<i32>} : memref<512xf32, #tpu.memory_space<vmem>>, vector<16xf32>,
        %swap3A_782 = vector.shape_cast %swap3A_781 : vector<16xf32> to vector<16xf32>
        %swap3A_783 = vector.shape_cast %select_n3A_779 : vector<16xf32> to vector<16xf32>
        tpu.vector_store %arg5[%swap3A_780], %swap3A_783 {strides = array<i32>} : memref<512xf32, #tpu.memory_space<vmem>>, vector<16xf32>,
        %le3A_784 = arith.cmpi sle, %get3A_31, %scan3A_104#0 : vector<16xi32>
        %jit3A_785 = arith.constant 0.000000e+00 : f32
        %jit3A_786 = arith.constant 1.000000e+00 : f32
        %broadcast_in_dim3A_787 = vector.broadcast %jit3A_785 : f32 to vector<16xf32>
        %broadcast_in_dim3A_788 = vector.broadcast %jit3A_786 : f32 to vector<16xf32>
        %select_n3A_789 = arith.select %le3A_784, %broadcast_in_dim3A_787, %broadcast_in_dim3A_788 : vector<16xi1>, vector<16xf32>
        %swap3A_790 = arith.constant 144 : index
        %swap3A_791 = tpu.vector_load %arg5[%swap3A_790] {strides = array<i32>} : memref<512xf32, #tpu.memory_space<vmem>>, vector<16xf32>,
        %swap3A_792 = vector.shape_cast %swap3A_791 : vector<16xf32> to vector<16xf32>
        %swap3A_793 = vector.shape_cast %select_n3A_789 : vector<16xf32> to vector<16xf32>
        tpu.vector_store %arg5[%swap3A_790], %swap3A_793 {strides = array<i32>} : memref<512xf32, #tpu.memory_space<vmem>>, vector<16xf32>,
        %le3A_794 = arith.cmpi sle, %get3A_34, %scan3A_104#0 : vector<16xi32>
        %jit3A_795 = arith.constant 0.000000e+00 : f32
        %jit3A_796 = arith.constant 1.000000e+00 : f32
        %broadcast_in_dim3A_797 = vector.broadcast %jit3A_795 : f32 to vector<16xf32>
        %broadcast_in_dim3A_798 = vector.broadcast %jit3A_796 : f32 to vector<16xf32>
        %select_n3A_799 = arith.select %le3A_794, %broadcast_in_dim3A_797, %broadcast_in_dim3A_798 : vector<16xi1>, vector<16xf32>
        %swap3A_800 = arith.constant 160 : index
        %swap3A_801 = tpu.vector_load %arg5[%swap3A_800] {strides = array<i32>} : memref<512xf32, #tpu.memory_space<vmem>>, vector<16xf32>,
        %swap3A_802 = vector.shape_cast %swap3A_801 : vector<16xf32> to vector<16xf32>
        %swap3A_803 = vector.shape_cast %select_n3A_799 : vector<16xf32> to vector<16xf32>
        tpu.vector_store %arg5[%swap3A_800], %swap3A_803 {strides = array<i32>} : memref<512xf32, #tpu.memory_space<vmem>>, vector<16xf32>,
        %le3A_804 = arith.cmpi sle, %get3A_37, %scan3A_104#0 : vector<16xi32>
        %jit3A_805 = arith.constant 0.000000e+00 : f32
        %jit3A_806 = arith.constant 1.000000e+00 : f32
        %broadcast_in_dim3A_807 = vector.broadcast %jit3A_805 : f32 to vector<16xf32>
        %broadcast_in_dim3A_808 = vector.broadcast %jit3A_806 : f32 to vector<16xf32>
        %select_n3A_809 = arith.select %le3A_804, %broadcast_in_dim3A_807, %broadcast_in_dim3A_808 : vector<16xi1>, vector<16xf32>
        %swap3A_810 = arith.constant 176 : index
        %swap3A_811 = tpu.vector_load %arg5[%swap3A_810] {strides = array<i32>} : memref<512xf32, #tpu.memory_space<vmem>>, vector<16xf32>,
        %swap3A_812 = vector.shape_cast %swap3A_811 : vector<16xf32> to vector<16xf32>
        %swap3A_813 = vector.shape_cast %select_n3A_809 : vector<16xf32> to vector<16xf32>
        tpu.vector_store %arg5[%swap3A_810], %swap3A_813 {strides = array<i32>} : memref<512xf32, #tpu.memory_space<vmem>>, vector<16xf32>,
        %le3A_814 = arith.cmpi sle, %get3A_40, %scan3A_104#0 : vector<16xi32>
        %jit3A_815 = arith.constant 0.000000e+00 : f32
        %jit3A_816 = arith.constant 1.000000e+00 : f32
        %broadcast_in_dim3A_817 = vector.broadcast %jit3A_815 : f32 to vector<16xf32>
        %broadcast_in_dim3A_818 = vector.broadcast %jit3A_816 : f32 to vector<16xf32>
        %select_n3A_819 = arith.select %le3A_814, %broadcast_in_dim3A_817, %broadcast_in_dim3A_818 : vector<16xi1>, vector<16xf32>
        %swap3A_820 = arith.constant 192 : index
        %swap3A_821 = tpu.vector_load %arg5[%swap3A_820] {strides = array<i32>} : memref<512xf32, #tpu.memory_space<vmem>>, vector<16xf32>,
        %swap3A_822 = vector.shape_cast %swap3A_821 : vector<16xf32> to vector<16xf32>
        %swap3A_823 = vector.shape_cast %select_n3A_819 : vector<16xf32> to vector<16xf32>
        tpu.vector_store %arg5[%swap3A_820], %swap3A_823 {strides = array<i32>} : memref<512xf32, #tpu.memory_space<vmem>>, vector<16xf32>,
        %le3A_824 = arith.cmpi sle, %get3A_43, %scan3A_104#0 : vector<16xi32>
        %jit3A_825 = arith.constant 0.000000e+00 : f32
        %jit3A_826 = arith.constant 1.000000e+00 : f32
        %broadcast_in_dim3A_827 = vector.broadcast %jit3A_825 : f32 to vector<16xf32>
        %broadcast_in_dim3A_828 = vector.broadcast %jit3A_826 : f32 to vector<16xf32>
        %select_n3A_829 = arith.select %le3A_824, %broadcast_in_dim3A_827, %broadcast_in_dim3A_828 : vector<16xi1>, vector<16xf32>
        %swap3A_830 = arith.constant 208 : index
        %swap3A_831 = tpu.vector_load %arg5[%swap3A_830] {strides = array<i32>} : memref<512xf32, #tpu.memory_space<vmem>>, vector<16xf32>,
        %swap3A_832 = vector.shape_cast %swap3A_831 : vector<16xf32> to vector<16xf32>
        %swap3A_833 = vector.shape_cast %select_n3A_829 : vector<16xf32> to vector<16xf32>
        tpu.vector_store %arg5[%swap3A_830], %swap3A_833 {strides = array<i32>} : memref<512xf32, #tpu.memory_space<vmem>>, vector<16xf32>,
        %le3A_834 = arith.cmpi sle, %get3A_46, %scan3A_104#0 : vector<16xi32>
        %jit3A_835 = arith.constant 0.000000e+00 : f32
        %jit3A_836 = arith.constant 1.000000e+00 : f32
        %broadcast_in_dim3A_837 = vector.broadcast %jit3A_835 : f32 to vector<16xf32>
        %broadcast_in_dim3A_838 = vector.broadcast %jit3A_836 : f32 to vector<16xf32>
        %select_n3A_839 = arith.select %le3A_834, %broadcast_in_dim3A_837, %broadcast_in_dim3A_838 : vector<16xi1>, vector<16xf32>
        %swap3A_840 = arith.constant 224 : index
        %swap3A_841 = tpu.vector_load %arg5[%swap3A_840] {strides = array<i32>} : memref<512xf32, #tpu.memory_space<vmem>>, vector<16xf32>,
        %swap3A_842 = vector.shape_cast %swap3A_841 : vector<16xf32> to vector<16xf32>
        %swap3A_843 = vector.shape_cast %select_n3A_839 : vector<16xf32> to vector<16xf32>
        tpu.vector_store %arg5[%swap3A_840], %swap3A_843 {strides = array<i32>} : memref<512xf32, #tpu.memory_space<vmem>>, vector<16xf32>,
        %le3A_844 = arith.cmpi sle, %get3A_49, %scan3A_104#0 : vector<16xi32>
        %jit3A_845 = arith.constant 0.000000e+00 : f32
        %jit3A_846 = arith.constant 1.000000e+00 : f32
        %broadcast_in_dim3A_847 = vector.broadcast %jit3A_845 : f32 to vector<16xf32>
        %broadcast_in_dim3A_848 = vector.broadcast %jit3A_846 : f32 to vector<16xf32>
        %select_n3A_849 = arith.select %le3A_844, %broadcast_in_dim3A_847, %broadcast_in_dim3A_848 : vector<16xi1>, vector<16xf32>
        %swap3A_850 = arith.constant 240 : index
        %swap3A_851 = tpu.vector_load %arg5[%swap3A_850] {strides = array<i32>} : memref<512xf32, #tpu.memory_space<vmem>>, vector<16xf32>,
        %swap3A_852 = vector.shape_cast %swap3A_851 : vector<16xf32> to vector<16xf32>
        %swap3A_853 = vector.shape_cast %select_n3A_849 : vector<16xf32> to vector<16xf32>
        tpu.vector_store %arg5[%swap3A_850], %swap3A_853 {strides = array<i32>} : memref<512xf32, #tpu.memory_space<vmem>>, vector<16xf32>,
        %le3A_854 = arith.cmpi sle, %get3A_52, %scan3A_104#0 : vector<16xi32>
        %jit3A_855 = arith.constant 0.000000e+00 : f32
        %jit3A_856 = arith.constant 1.000000e+00 : f32
        %broadcast_in_dim3A_857 = vector.broadcast %jit3A_855 : f32 to vector<16xf32>
        %broadcast_in_dim3A_858 = vector.broadcast %jit3A_856 : f32 to vector<16xf32>
        %select_n3A_859 = arith.select %le3A_854, %broadcast_in_dim3A_857, %broadcast_in_dim3A_858 : vector<16xi1>, vector<16xf32>
        %swap3A_860 = arith.constant 256 : index
        %swap3A_861 = tpu.vector_load %arg5[%swap3A_860] {strides = array<i32>} : memref<512xf32, #tpu.memory_space<vmem>>, vector<16xf32>,
        %swap3A_862 = vector.shape_cast %swap3A_861 : vector<16xf32> to vector<16xf32>
        %swap3A_863 = vector.shape_cast %select_n3A_859 : vector<16xf32> to vector<16xf32>
        tpu.vector_store %arg5[%swap3A_860], %swap3A_863 {strides = array<i32>} : memref<512xf32, #tpu.memory_space<vmem>>, vector<16xf32>,
        %le3A_864 = arith.cmpi sle, %get3A_55, %scan3A_104#0 : vector<16xi32>
        %jit3A_865 = arith.constant 0.000000e+00 : f32
        %jit3A_866 = arith.constant 1.000000e+00 : f32
        %broadcast_in_dim3A_867 = vector.broadcast %jit3A_865 : f32 to vector<16xf32>
        %broadcast_in_dim3A_868 = vector.broadcast %jit3A_866 : f32 to vector<16xf32>
        %select_n3A_869 = arith.select %le3A_864, %broadcast_in_dim3A_867, %broadcast_in_dim3A_868 : vector<16xi1>, vector<16xf32>
        %swap3A_870 = arith.constant 272 : index
        %swap3A_871 = tpu.vector_load %arg5[%swap3A_870] {strides = array<i32>} : memref<512xf32, #tpu.memory_space<vmem>>, vector<16xf32>,
        %swap3A_872 = vector.shape_cast %swap3A_871 : vector<16xf32> to vector<16xf32>
        %swap3A_873 = vector.shape_cast %select_n3A_869 : vector<16xf32> to vector<16xf32>
        tpu.vector_store %arg5[%swap3A_870], %swap3A_873 {strides = array<i32>} : memref<512xf32, #tpu.memory_space<vmem>>, vector<16xf32>,
        %le3A_874 = arith.cmpi sle, %get3A_58, %scan3A_104#0 : vector<16xi32>
        %jit3A_875 = arith.constant 0.000000e+00 : f32
        %jit3A_876 = arith.constant 1.000000e+00 : f32
        %broadcast_in_dim3A_877 = vector.broadcast %jit3A_875 : f32 to vector<16xf32>
        %broadcast_in_dim3A_878 = vector.broadcast %jit3A_876 : f32 to vector<16xf32>
        %select_n3A_879 = arith.select %le3A_874, %broadcast_in_dim3A_877, %broadcast_in_dim3A_878 : vector<16xi1>, vector<16xf32>
        %swap3A_880 = arith.constant 288 : index
        %swap3A_881 = tpu.vector_load %arg5[%swap3A_880] {strides = array<i32>} : memref<512xf32, #tpu.memory_space<vmem>>, vector<16xf32>,
        %swap3A_882 = vector.shape_cast %swap3A_881 : vector<16xf32> to vector<16xf32>
        %swap3A_883 = vector.shape_cast %select_n3A_879 : vector<16xf32> to vector<16xf32>
        tpu.vector_store %arg5[%swap3A_880], %swap3A_883 {strides = array<i32>} : memref<512xf32, #tpu.memory_space<vmem>>, vector<16xf32>,
        %le3A_884 = arith.cmpi sle, %get3A_61, %scan3A_104#0 : vector<16xi32>
        %jit3A_885 = arith.constant 0.000000e+00 : f32
        %jit3A_886 = arith.constant 1.000000e+00 : f32
        %broadcast_in_dim3A_887 = vector.broadcast %jit3A_885 : f32 to vector<16xf32>
        %broadcast_in_dim3A_888 = vector.broadcast %jit3A_886 : f32 to vector<16xf32>
        %select_n3A_889 = arith.select %le3A_884, %broadcast_in_dim3A_887, %broadcast_in_dim3A_888 : vector<16xi1>, vector<16xf32>
        %swap3A_890 = arith.constant 304 : index
        %swap3A_891 = tpu.vector_load %arg5[%swap3A_890] {strides = array<i32>} : memref<512xf32, #tpu.memory_space<vmem>>, vector<16xf32>,
        %swap3A_892 = vector.shape_cast %swap3A_891 : vector<16xf32> to vector<16xf32>
        %swap3A_893 = vector.shape_cast %select_n3A_889 : vector<16xf32> to vector<16xf32>
        tpu.vector_store %arg5[%swap3A_890], %swap3A_893 {strides = array<i32>} : memref<512xf32, #tpu.memory_space<vmem>>, vector<16xf32>,
        %le3A_894 = arith.cmpi sle, %get3A_64, %scan3A_104#0 : vector<16xi32>
        %jit3A_895 = arith.constant 0.000000e+00 : f32
        %jit3A_896 = arith.constant 1.000000e+00 : f32
        %broadcast_in_dim3A_897 = vector.broadcast %jit3A_895 : f32 to vector<16xf32>
        %broadcast_in_dim3A_898 = vector.broadcast %jit3A_896 : f32 to vector<16xf32>
        %select_n3A_899 = arith.select %le3A_894, %broadcast_in_dim3A_897, %broadcast_in_dim3A_898 : vector<16xi1>, vector<16xf32>
        %swap3A_900 = arith.constant 320 : index
        %swap3A_901 = tpu.vector_load %arg5[%swap3A_900] {strides = array<i32>} : memref<512xf32, #tpu.memory_space<vmem>>, vector<16xf32>,
        %swap3A_902 = vector.shape_cast %swap3A_901 : vector<16xf32> to vector<16xf32>
        %swap3A_903 = vector.shape_cast %select_n3A_899 : vector<16xf32> to vector<16xf32>
        tpu.vector_store %arg5[%swap3A_900], %swap3A_903 {strides = array<i32>} : memref<512xf32, #tpu.memory_space<vmem>>, vector<16xf32>,
        %le3A_904 = arith.cmpi sle, %get3A_67, %scan3A_104#0 : vector<16xi32>
        %jit3A_905 = arith.constant 0.000000e+00 : f32
        %jit3A_906 = arith.constant 1.000000e+00 : f32
        %broadcast_in_dim3A_907 = vector.broadcast %jit3A_905 : f32 to vector<16xf32>
        %broadcast_in_dim3A_908 = vector.broadcast %jit3A_906 : f32 to vector<16xf32>
        %select_n3A_909 = arith.select %le3A_904, %broadcast_in_dim3A_907, %broadcast_in_dim3A_908 : vector<16xi1>, vector<16xf32>
        %swap3A_910 = arith.constant 336 : index
        %swap3A_911 = tpu.vector_load %arg5[%swap3A_910] {strides = array<i32>} : memref<512xf32, #tpu.memory_space<vmem>>, vector<16xf32>,
        %swap3A_912 = vector.shape_cast %swap3A_911 : vector<16xf32> to vector<16xf32>
        %swap3A_913 = vector.shape_cast %select_n3A_909 : vector<16xf32> to vector<16xf32>
        tpu.vector_store %arg5[%swap3A_910], %swap3A_913 {strides = array<i32>} : memref<512xf32, #tpu.memory_space<vmem>>, vector<16xf32>,
        %le3A_914 = arith.cmpi sle, %get3A_70, %scan3A_104#0 : vector<16xi32>
        %jit3A_915 = arith.constant 0.000000e+00 : f32
        %jit3A_916 = arith.constant 1.000000e+00 : f32
        %broadcast_in_dim3A_917 = vector.broadcast %jit3A_915 : f32 to vector<16xf32>
        %broadcast_in_dim3A_918 = vector.broadcast %jit3A_916 : f32 to vector<16xf32>
        %select_n3A_919 = arith.select %le3A_914, %broadcast_in_dim3A_917, %broadcast_in_dim3A_918 : vector<16xi1>, vector<16xf32>
        %swap3A_920 = arith.constant 352 : index
        %swap3A_921 = tpu.vector_load %arg5[%swap3A_920] {strides = array<i32>} : memref<512xf32, #tpu.memory_space<vmem>>, vector<16xf32>,
        %swap3A_922 = vector.shape_cast %swap3A_921 : vector<16xf32> to vector<16xf32>
        %swap3A_923 = vector.shape_cast %select_n3A_919 : vector<16xf32> to vector<16xf32>
        tpu.vector_store %arg5[%swap3A_920], %swap3A_923 {strides = array<i32>} : memref<512xf32, #tpu.memory_space<vmem>>, vector<16xf32>,
        %le3A_924 = arith.cmpi sle, %get3A_73, %scan3A_104#0 : vector<16xi32>
        %jit3A_925 = arith.constant 0.000000e+00 : f32
        %jit3A_926 = arith.constant 1.000000e+00 : f32
        %broadcast_in_dim3A_927 = vector.broadcast %jit3A_925 : f32 to vector<16xf32>
        %broadcast_in_dim3A_928 = vector.broadcast %jit3A_926 : f32 to vector<16xf32>
        %select_n3A_929 = arith.select %le3A_924, %broadcast_in_dim3A_927, %broadcast_in_dim3A_928 : vector<16xi1>, vector<16xf32>
        %swap3A_930 = arith.constant 368 : index
        %swap3A_931 = tpu.vector_load %arg5[%swap3A_930] {strides = array<i32>} : memref<512xf32, #tpu.memory_space<vmem>>, vector<16xf32>,
        %swap3A_932 = vector.shape_cast %swap3A_931 : vector<16xf32> to vector<16xf32>
        %swap3A_933 = vector.shape_cast %select_n3A_929 : vector<16xf32> to vector<16xf32>
        tpu.vector_store %arg5[%swap3A_930], %swap3A_933 {strides = array<i32>} : memref<512xf32, #tpu.memory_space<vmem>>, vector<16xf32>,
        %le3A_934 = arith.cmpi sle, %get3A_76, %scan3A_104#0 : vector<16xi32>
        %jit3A_935 = arith.constant 0.000000e+00 : f32
        %jit3A_936 = arith.constant 1.000000e+00 : f32
        %broadcast_in_dim3A_937 = vector.broadcast %jit3A_935 : f32 to vector<16xf32>
        %broadcast_in_dim3A_938 = vector.broadcast %jit3A_936 : f32 to vector<16xf32>
        %select_n3A_939 = arith.select %le3A_934, %broadcast_in_dim3A_937, %broadcast_in_dim3A_938 : vector<16xi1>, vector<16xf32>
        %swap3A_940 = arith.constant 384 : index
        %swap3A_941 = tpu.vector_load %arg5[%swap3A_940] {strides = array<i32>} : memref<512xf32, #tpu.memory_space<vmem>>, vector<16xf32>,
        %swap3A_942 = vector.shape_cast %swap3A_941 : vector<16xf32> to vector<16xf32>
        %swap3A_943 = vector.shape_cast %select_n3A_939 : vector<16xf32> to vector<16xf32>
        tpu.vector_store %arg5[%swap3A_940], %swap3A_943 {strides = array<i32>} : memref<512xf32, #tpu.memory_space<vmem>>, vector<16xf32>,
        %le3A_944 = arith.cmpi sle, %get3A_79, %scan3A_104#0 : vector<16xi32>
        %jit3A_945 = arith.constant 0.000000e+00 : f32
        %jit3A_946 = arith.constant 1.000000e+00 : f32
        %broadcast_in_dim3A_947 = vector.broadcast %jit3A_945 : f32 to vector<16xf32>
        %broadcast_in_dim3A_948 = vector.broadcast %jit3A_946 : f32 to vector<16xf32>
        %select_n3A_949 = arith.select %le3A_944, %broadcast_in_dim3A_947, %broadcast_in_dim3A_948 : vector<16xi1>, vector<16xf32>
        %swap3A_950 = arith.constant 400 : index
        %swap3A_951 = tpu.vector_load %arg5[%swap3A_950] {strides = array<i32>} : memref<512xf32, #tpu.memory_space<vmem>>, vector<16xf32>,
        %swap3A_952 = vector.shape_cast %swap3A_951 : vector<16xf32> to vector<16xf32>
        %swap3A_953 = vector.shape_cast %select_n3A_949 : vector<16xf32> to vector<16xf32>
        tpu.vector_store %arg5[%swap3A_950], %swap3A_953 {strides = array<i32>} : memref<512xf32, #tpu.memory_space<vmem>>, vector<16xf32>,
        %le3A_954 = arith.cmpi sle, %get3A_82, %scan3A_104#0 : vector<16xi32>
        %jit3A_955 = arith.constant 0.000000e+00 : f32
        %jit3A_956 = arith.constant 1.000000e+00 : f32
        %broadcast_in_dim3A_957 = vector.broadcast %jit3A_955 : f32 to vector<16xf32>
        %broadcast_in_dim3A_958 = vector.broadcast %jit3A_956 : f32 to vector<16xf32>
        %select_n3A_959 = arith.select %le3A_954, %broadcast_in_dim3A_957, %broadcast_in_dim3A_958 : vector<16xi1>, vector<16xf32>
        %swap3A_960 = arith.constant 416 : index
        %swap3A_961 = tpu.vector_load %arg5[%swap3A_960] {strides = array<i32>} : memref<512xf32, #tpu.memory_space<vmem>>, vector<16xf32>,
        %swap3A_962 = vector.shape_cast %swap3A_961 : vector<16xf32> to vector<16xf32>
        %swap3A_963 = vector.shape_cast %select_n3A_959 : vector<16xf32> to vector<16xf32>
        tpu.vector_store %arg5[%swap3A_960], %swap3A_963 {strides = array<i32>} : memref<512xf32, #tpu.memory_space<vmem>>, vector<16xf32>,
        %le3A_964 = arith.cmpi sle, %get3A_85, %scan3A_104#0 : vector<16xi32>
        %jit3A_965 = arith.constant 0.000000e+00 : f32
        %jit3A_966 = arith.constant 1.000000e+00 : f32
        %broadcast_in_dim3A_967 = vector.broadcast %jit3A_965 : f32 to vector<16xf32>
        %broadcast_in_dim3A_968 = vector.broadcast %jit3A_966 : f32 to vector<16xf32>
        %select_n3A_969 = arith.select %le3A_964, %broadcast_in_dim3A_967, %broadcast_in_dim3A_968 : vector<16xi1>, vector<16xf32>
        %swap3A_970 = arith.constant 432 : index
        %swap3A_971 = tpu.vector_load %arg5[%swap3A_970] {strides = array<i32>} : memref<512xf32, #tpu.memory_space<vmem>>, vector<16xf32>,
        %swap3A_972 = vector.shape_cast %swap3A_971 : vector<16xf32> to vector<16xf32>
        %swap3A_973 = vector.shape_cast %select_n3A_969 : vector<16xf32> to vector<16xf32>
        tpu.vector_store %arg5[%swap3A_970], %swap3A_973 {strides = array<i32>} : memref<512xf32, #tpu.memory_space<vmem>>, vector<16xf32>,
        %le3A_974 = arith.cmpi sle, %get3A_88, %scan3A_104#0 : vector<16xi32>
        %jit3A_975 = arith.constant 0.000000e+00 : f32
        %jit3A_976 = arith.constant 1.000000e+00 : f32
        %broadcast_in_dim3A_977 = vector.broadcast %jit3A_975 : f32 to vector<16xf32>
        %broadcast_in_dim3A_978 = vector.broadcast %jit3A_976 : f32 to vector<16xf32>
        %select_n3A_979 = arith.select %le3A_974, %broadcast_in_dim3A_977, %broadcast_in_dim3A_978 : vector<16xi1>, vector<16xf32>
        %swap3A_980 = arith.constant 448 : index
        %swap3A_981 = tpu.vector_load %arg5[%swap3A_980] {strides = array<i32>} : memref<512xf32, #tpu.memory_space<vmem>>, vector<16xf32>,
        %swap3A_982 = vector.shape_cast %swap3A_981 : vector<16xf32> to vector<16xf32>
        %swap3A_983 = vector.shape_cast %select_n3A_979 : vector<16xf32> to vector<16xf32>
        tpu.vector_store %arg5[%swap3A_980], %swap3A_983 {strides = array<i32>} : memref<512xf32, #tpu.memory_space<vmem>>, vector<16xf32>,
        %le3A_984 = arith.cmpi sle, %get3A_91, %scan3A_104#0 : vector<16xi32>
        %jit3A_985 = arith.constant 0.000000e+00 : f32
        %jit3A_986 = arith.constant 1.000000e+00 : f32
        %broadcast_in_dim3A_987 = vector.broadcast %jit3A_985 : f32 to vector<16xf32>
        %broadcast_in_dim3A_988 = vector.broadcast %jit3A_986 : f32 to vector<16xf32>
        %select_n3A_989 = arith.select %le3A_984, %broadcast_in_dim3A_987, %broadcast_in_dim3A_988 : vector<16xi1>, vector<16xf32>
        %swap3A_990 = arith.constant 464 : index
        %swap3A_991 = tpu.vector_load %arg5[%swap3A_990] {strides = array<i32>} : memref<512xf32, #tpu.memory_space<vmem>>, vector<16xf32>,
        %swap3A_992 = vector.shape_cast %swap3A_991 : vector<16xf32> to vector<16xf32>
        %swap3A_993 = vector.shape_cast %select_n3A_989 : vector<16xf32> to vector<16xf32>
        tpu.vector_store %arg5[%swap3A_990], %swap3A_993 {strides = array<i32>} : memref<512xf32, #tpu.memory_space<vmem>>, vector<16xf32>,
        %le3A_994 = arith.cmpi sle, %get3A_94, %scan3A_104#0 : vector<16xi32>
        %jit3A_995 = arith.constant 0.000000e+00 : f32
        %jit3A_996 = arith.constant 1.000000e+00 : f32
        %broadcast_in_dim3A_997 = vector.broadcast %jit3A_995 : f32 to vector<16xf32>
        %broadcast_in_dim3A_998 = vector.broadcast %jit3A_996 : f32 to vector<16xf32>
        %select_n3A_999 = arith.select %le3A_994, %broadcast_in_dim3A_997, %broadcast_in_dim3A_998 : vector<16xi1>, vector<16xf32>
        %swap3A_1000 = arith.constant 480 : index
        %swap3A_1001 = tpu.vector_load %arg5[%swap3A_1000] {strides = array<i32>} : memref<512xf32, #tpu.memory_space<vmem>>, vector<16xf32>,
        %swap3A_1002 = vector.shape_cast %swap3A_1001 : vector<16xf32> to vector<16xf32>
        %swap3A_1003 = vector.shape_cast %select_n3A_999 : vector<16xf32> to vector<16xf32>
        tpu.vector_store %arg5[%swap3A_1000], %swap3A_1003 {strides = array<i32>} : memref<512xf32, #tpu.memory_space<vmem>>, vector<16xf32>,
        %le3A_1004 = arith.cmpi sle, %get3A_97, %scan3A_104#0 : vector<16xi32>
        %jit3A_1005 = arith.constant 0.000000e+00 : f32
        %jit3A_1006 = arith.constant 1.000000e+00 : f32
        %broadcast_in_dim3A_1007 = vector.broadcast %jit3A_1005 : f32 to vector<16xf32>
        %broadcast_in_dim3A_1008 = vector.broadcast %jit3A_1006 : f32 to vector<16xf32>
        %select_n3A_1009 = arith.select %le3A_1004, %broadcast_in_dim3A_1007, %broadcast_in_dim3A_1008 : vector<16xi1>, vector<16xf32>
        %swap3A_1010 = arith.constant 496 : index
        %swap3A_1011 = tpu.vector_load %arg5[%swap3A_1010] {strides = array<i32>} : memref<512xf32, #tpu.memory_space<vmem>>, vector<16xf32>,
        %swap3A_1012 = vector.shape_cast %swap3A_1011 : vector<16xf32> to vector<16xf32>
        %swap3A_1013 = vector.shape_cast %select_n3A_1009 : vector<16xf32> to vector<16xf32>
        tpu.vector_store %arg5[%swap3A_1010], %swap3A_1013 {strides = array<i32>} : memref<512xf32, #tpu.memory_space<vmem>>, vector<16xf32>,
      } else {
        %broadcast_in_dim3A_695 = arith.constant 0 : i32
        %broadcast_in_dim3A_696 = vector.broadcast %broadcast_in_dim3A_695 : i32 to vector<16xi32>
        %scan3A_697 = arith.constant 0 : i32
        %scan3A_698 = arith.constant 32 : i32
        %scan3A_699 = arith.addi %scan3A_697, %scan3A_698 : i32
        %scan3A_700 = arith.constant 1 : i32
        %scan3A_701 = scf.for %scan3A_703 = %scan3A_697 to %scan3A_699 step %scan3A_700 iter_args(%scan3A_704 = %broadcast_in_dim3A_696) -> (vector<16xi32>)  : i32 {
          %mul3A_705 = arith.constant 16 : i32
          %mul3A_706 = arith.muli %scan3A_703, %mul3A_705 : i32
          %get3A_707 = arith.index_cast %mul3A_706 : i32 to index
          %get3A_708 = tpu.vector_load %arg4[%get3A_707] {strides = array<i32>} : memref<512xi32, #tpu.memory_space<vmem>>, vector<16xi32>,
          %get3A_709 = vector.shape_cast %get3A_708 : vector<16xi32> to vector<16xi32>
          %eq3A_710 = arith.cmpi eq, %get3A_709, %scan3A_104#0 : vector<16xi32>
          %jit3A_711 = arith.constant 1 : i32
          %jit3A_712 = arith.constant 0 : i32
          %broadcast_in_dim3A_713 = vector.broadcast %jit3A_711 : i32 to vector<16xi32>
          %broadcast_in_dim3A_714 = vector.broadcast %jit3A_712 : i32 to vector<16xi32>
          %select_n3A_715 = arith.select %eq3A_710, %broadcast_in_dim3A_713, %broadcast_in_dim3A_714 : vector<16xi1>, vector<16xi32>
          %sub3A_716 = arith.constant 1 : i32
          %sub3A_717 = vector.broadcast %sub3A_716 : i32 to vector<16xi32>
          %sub3A_718 = arith.subi %iota3A, %sub3A_717 : vector<16xi32>
          %max3A = arith.constant 0 : i32
          %max3A_719 = vector.broadcast %max3A : i32 to vector<16xi32>
          %max3A_720 = arith.maxsi %sub3A_718, %max3A_719 : vector<16xi32>
          %lt3A_721 = arith.constant 0 : i32
          %lt3A_722 = vector.broadcast %lt3A_721 : i32 to vector<16xi32>
          %lt3A_723 = arith.cmpi slt, %max3A_720, %lt3A_722 : vector<16xi32>
          %add3A_724 = arith.constant 16 : i32
          %add3A_725 = vector.broadcast %add3A_724 : i32 to vector<16xi32>
          %add3A_726 = arith.addi %max3A_720, %add3A_725 : vector<16xi32>
          %select_n3A_727 = arith.select %lt3A_723, %add3A_726, %max3A_720 : vector<16xi1>, vector<16xi32>
          %broadcast_in_dim3A_728 = vector.shape_cast %select_n3A_727 : vector<16xi32> to vector<16x1xi32>
          %gather3A_729 = vector.shape_cast %broadcast_in_dim3A_728 : vector<16x1xi32> to vector<16xi32>
          %gather3A_730 = tpu.dynamic_gather %select_n3A_715[%gather3A_729] in [0] : vector<16xi32>, vector<16xi32> -> vector<16xi32>
          %ge3A = arith.constant 1 : i32
          %ge3A_731 = vector.broadcast %ge3A : i32 to vector<16xi32>
          %ge3A_732 = arith.cmpi sge, %iota3A, %ge3A_731 : vector<16xi32>
          %jit3A_733 = arith.constant 0 : i32
          %broadcast_in_dim3A_734 = vector.broadcast %jit3A_733 : i32 to vector<16xi32>
          %select_n3A_735 = arith.select %ge3A_732, %gather3A_730, %broadcast_in_dim3A_734 : vector<16xi1>, vector<16xi32>
          %add3A_736 = arith.addi %select_n3A_715, %select_n3A_735 : vector<16xi32>
          %sub3A_737 = arith.constant 2 : i32
          %sub3A_738 = vector.broadcast %sub3A_737 : i32 to vector<16xi32>
          %sub3A_739 = arith.subi %iota3A, %sub3A_738 : vector<16xi32>
          %max3A_740 = arith.constant 0 : i32
          %max3A_741 = vector.broadcast %max3A_740 : i32 to vector<16xi32>
          %max3A_742 = arith.maxsi %sub3A_739, %max3A_741 : vector<16xi32>
          %lt3A_743 = arith.constant 0 : i32
          %lt3A_744 = vector.broadcast %lt3A_743 : i32 to vector<16xi32>
          %lt3A_745 = arith.cmpi slt, %max3A_742, %lt3A_744 : vector<16xi32>
          %add3A_746 = arith.constant 16 : i32
          %add3A_747 = vector.broadcast %add3A_746 : i32 to vector<16xi32>
          %add3A_748 = arith.addi %max3A_742, %add3A_747 : vector<16xi32>
          %select_n3A_749 = arith.select %lt3A_745, %add3A_748, %max3A_742 : vector<16xi1>, vector<16xi32>
          %broadcast_in_dim3A_750 = vector.shape_cast %select_n3A_749 : vector<16xi32> to vector<16x1xi32>
          %gather3A_751 = vector.shape_cast %broadcast_in_dim3A_750 : vector<16x1xi32> to vector<16xi32>
          %gather3A_752 = tpu.dynamic_gather %add3A_736[%gather3A_751] in [0] : vector<16xi32>, vector<16xi32> -> vector<16xi32>
          %ge3A_753 = arith.constant 2 : i32
          %ge3A_754 = vector.broadcast %ge3A_753 : i32 to vector<16xi32>
          %ge3A_755 = arith.cmpi sge, %iota3A, %ge3A_754 : vector<16xi32>
          %jit3A_756 = arith.constant 0 : i32
          %broadcast_in_dim3A_757 = vector.broadcast %jit3A_756 : i32 to vector<16xi32>
          %select_n3A_758 = arith.select %ge3A_755, %gather3A_752, %broadcast_in_dim3A_757 : vector<16xi1>, vector<16xi32>
          %add3A_759 = arith.addi %add3A_736, %select_n3A_758 : vector<16xi32>
          %sub3A_760 = arith.constant 4 : i32
          %sub3A_761 = vector.broadcast %sub3A_760 : i32 to vector<16xi32>
          %sub3A_762 = arith.subi %iota3A, %sub3A_761 : vector<16xi32>
          %max3A_763 = arith.constant 0 : i32
          %max3A_764 = vector.broadcast %max3A_763 : i32 to vector<16xi32>
          %max3A_765 = arith.maxsi %sub3A_762, %max3A_764 : vector<16xi32>
          %lt3A_766 = arith.constant 0 : i32
          %lt3A_767 = vector.broadcast %lt3A_766 : i32 to vector<16xi32>
          %lt3A_768 = arith.cmpi slt, %max3A_765, %lt3A_767 : vector<16xi32>
          %add3A_769 = arith.constant 16 : i32
          %add3A_770 = vector.broadcast %add3A_769 : i32 to vector<16xi32>
          %add3A_771 = arith.addi %max3A_765, %add3A_770 : vector<16xi32>
          %select_n3A_772 = arith.select %lt3A_768, %add3A_771, %max3A_765 : vector<16xi1>, vector<16xi32>
          %broadcast_in_dim3A_773 = vector.shape_cast %select_n3A_772 : vector<16xi32> to vector<16x1xi32>
          %gather3A_774 = vector.shape_cast %broadcast_in_dim3A_773 : vector<16x1xi32> to vector<16xi32>
          %gather3A_775 = tpu.dynamic_gather %add3A_759[%gather3A_774] in [0] : vector<16xi32>, vector<16xi32> -> vector<16xi32>
          %ge3A_776 = arith.constant 4 : i32
          %ge3A_777 = vector.broadcast %ge3A_776 : i32 to vector<16xi32>
          %ge3A_778 = arith.cmpi sge, %iota3A, %ge3A_777 : vector<16xi32>
          %jit3A_779 = arith.constant 0 : i32
          %broadcast_in_dim3A_780 = vector.broadcast %jit3A_779 : i32 to vector<16xi32>
          %select_n3A_781 = arith.select %ge3A_778, %gather3A_775, %broadcast_in_dim3A_780 : vector<16xi1>, vector<16xi32>
          %add3A_782 = arith.addi %add3A_759, %select_n3A_781 : vector<16xi32>
          %sub3A_783 = arith.constant 8 : i32
          %sub3A_784 = vector.broadcast %sub3A_783 : i32 to vector<16xi32>
          %sub3A_785 = arith.subi %iota3A, %sub3A_784 : vector<16xi32>
          %max3A_786 = arith.constant 0 : i32
          %max3A_787 = vector.broadcast %max3A_786 : i32 to vector<16xi32>
          %max3A_788 = arith.maxsi %sub3A_785, %max3A_787 : vector<16xi32>
          %lt3A_789 = arith.constant 0 : i32
          %lt3A_790 = vector.broadcast %lt3A_789 : i32 to vector<16xi32>
          %lt3A_791 = arith.cmpi slt, %max3A_788, %lt3A_790 : vector<16xi32>
          %add3A_792 = arith.constant 16 : i32
          %add3A_793 = vector.broadcast %add3A_792 : i32 to vector<16xi32>
          %add3A_794 = arith.addi %max3A_788, %add3A_793 : vector<16xi32>
          %select_n3A_795 = arith.select %lt3A_791, %add3A_794, %max3A_788 : vector<16xi1>, vector<16xi32>
          %broadcast_in_dim3A_796 = vector.shape_cast %select_n3A_795 : vector<16xi32> to vector<16x1xi32>
          %gather3A_797 = vector.shape_cast %broadcast_in_dim3A_796 : vector<16x1xi32> to vector<16xi32>
          %gather3A_798 = tpu.dynamic_gather %add3A_782[%gather3A_797] in [0] : vector<16xi32>, vector<16xi32> -> vector<16xi32>
          %ge3A_799 = arith.constant 8 : i32
          %ge3A_800 = vector.broadcast %ge3A_799 : i32 to vector<16xi32>
          %ge3A_801 = arith.cmpi sge, %iota3A, %ge3A_800 : vector<16xi32>
          %jit3A_802 = arith.constant 0 : i32
          %broadcast_in_dim3A_803 = vector.broadcast %jit3A_802 : i32 to vector<16xi32>
          %select_n3A_804 = arith.select %ge3A_801, %gather3A_798, %broadcast_in_dim3A_803 : vector<16xi1>, vector<16xi32>
          %add3A_805 = arith.addi %add3A_782, %select_n3A_804 : vector<16xi32>
          %sub3A_806 = arith.subi %add3A_805, %select_n3A_715 : vector<16xi32>
          %add3A_807 = arith.addi %scan3A_704, %sub3A_806 : vector<16xi32>
          %lt3A_808 = arith.cmpi slt, %get3A_709, %scan3A_104#0 : vector<16xi32>
          %lt3A_809 = arith.cmpi slt, %add3A_807, %sub3A_690 : vector<16xi32>
          %and3A_810 = arith.andi %eq3A_710, %lt3A_809 : vector<16xi1>
          %or3A = arith.ori %lt3A_808, %and3A_810 : vector<16xi1>
          %jit3A_811 = arith.constant 0.000000e+00 : f32
          %jit3A_812 = arith.constant 1.000000e+00 : f32
          %broadcast_in_dim3A_813 = vector.broadcast %jit3A_811 : f32 to vector<16xf32>
          %broadcast_in_dim3A_814 = vector.broadcast %jit3A_812 : f32 to vector<16xf32>
          %select_n3A_815 = arith.select %or3A, %broadcast_in_dim3A_813, %broadcast_in_dim3A_814 : vector<16xi1>, vector<16xf32>
          %mul3A_816 = arith.constant 16 : i32
          %mul3A_817 = arith.muli %scan3A_703, %mul3A_816 : i32
          %swap3A = arith.index_cast %mul3A_817 : i32 to index
          %swap3A_818 = tpu.vector_load %arg5[%swap3A] {strides = array<i32>} : memref<512xf32, #tpu.memory_space<vmem>>, vector<16xf32>,
          %swap3A_819 = vector.shape_cast %swap3A_818 : vector<16xf32> to vector<16xf32>
          %swap3A_820 = vector.shape_cast %select_n3A_815 : vector<16xf32> to vector<16xf32>
          tpu.vector_store %arg5[%swap3A], %swap3A_820 {strides = array<i32>} : memref<512xf32, #tpu.memory_space<vmem>>, vector<16xf32>,
          %add3A_821 = arith.constant 1 : i32
          %add3A_822 = vector.broadcast %add3A_821 : i32 to vector<16xi32>
          %add3A_823 = arith.addi %iota3A, %add3A_822 : vector<16xi32>
          %and3A_824 = arith.constant 15 : i32
          %and3A_825 = vector.broadcast %and3A_824 : i32 to vector<16xi32>
          %and3A_826 = arith.andi %add3A_823, %and3A_825 : vector<16xi32>
          %lt3A_827 = arith.constant 0 : i32
          %lt3A_828 = vector.broadcast %lt3A_827 : i32 to vector<16xi32>
          %lt3A_829 = arith.cmpi slt, %and3A_826, %lt3A_828 : vector<16xi32>
          %add3A_830 = arith.constant 16 : i32
          %add3A_831 = vector.broadcast %add3A_830 : i32 to vector<16xi32>
          %add3A_832 = arith.addi %and3A_826, %add3A_831 : vector<16xi32>
          %select_n3A_833 = arith.select %lt3A_829, %add3A_832, %and3A_826 : vector<16xi1>, vector<16xi32>
          %broadcast_in_dim3A_834 = vector.shape_cast %select_n3A_833 : vector<16xi32> to vector<16x1xi32>
          %gather3A_835 = vector.shape_cast %broadcast_in_dim3A_834 : vector<16x1xi32> to vector<16xi32>
          %gather3A_836 = tpu.dynamic_gather %select_n3A_715[%gather3A_835] in [0] : vector<16xi32>, vector<16xi32> -> vector<16xi32>
          %add3A_837 = arith.addi %select_n3A_715, %gather3A_836 : vector<16xi32>
          %add3A_838 = arith.constant 2 : i32
          %add3A_839 = vector.broadcast %add3A_838 : i32 to vector<16xi32>
          %add3A_840 = arith.addi %iota3A, %add3A_839 : vector<16xi32>
          %and3A_841 = arith.constant 15 : i32
          %and3A_842 = vector.broadcast %and3A_841 : i32 to vector<16xi32>
          %and3A_843 = arith.andi %add3A_840, %and3A_842 : vector<16xi32>
          %lt3A_844 = arith.constant 0 : i32
          %lt3A_845 = vector.broadcast %lt3A_844 : i32 to vector<16xi32>
          %lt3A_846 = arith.cmpi slt, %and3A_843, %lt3A_845 : vector<16xi32>
          %add3A_847 = arith.constant 16 : i32
          %add3A_848 = vector.broadcast %add3A_847 : i32 to vector<16xi32>
          %add3A_849 = arith.addi %and3A_843, %add3A_848 : vector<16xi32>
          %select_n3A_850 = arith.select %lt3A_846, %add3A_849, %and3A_843 : vector<16xi1>, vector<16xi32>
          %broadcast_in_dim3A_851 = vector.shape_cast %select_n3A_850 : vector<16xi32> to vector<16x1xi32>
          %gather3A_852 = vector.shape_cast %broadcast_in_dim3A_851 : vector<16x1xi32> to vector<16xi32>
          %gather3A_853 = tpu.dynamic_gather %add3A_837[%gather3A_852] in [0] : vector<16xi32>, vector<16xi32> -> vector<16xi32>
          %add3A_854 = arith.addi %add3A_837, %gather3A_853 : vector<16xi32>
          %add3A_855 = arith.constant 4 : i32
          %add3A_856 = vector.broadcast %add3A_855 : i32 to vector<16xi32>
          %add3A_857 = arith.addi %iota3A, %add3A_856 : vector<16xi32>
          %and3A_858 = arith.constant 15 : i32
          %and3A_859 = vector.broadcast %and3A_858 : i32 to vector<16xi32>
          %and3A_860 = arith.andi %add3A_857, %and3A_859 : vector<16xi32>
          %lt3A_861 = arith.constant 0 : i32
          %lt3A_862 = vector.broadcast %lt3A_861 : i32 to vector<16xi32>
          %lt3A_863 = arith.cmpi slt, %and3A_860, %lt3A_862 : vector<16xi32>
          %add3A_864 = arith.constant 16 : i32
          %add3A_865 = vector.broadcast %add3A_864 : i32 to vector<16xi32>
          %add3A_866 = arith.addi %and3A_860, %add3A_865 : vector<16xi32>
          %select_n3A_867 = arith.select %lt3A_863, %add3A_866, %and3A_860 : vector<16xi1>, vector<16xi32>
          %broadcast_in_dim3A_868 = vector.shape_cast %select_n3A_867 : vector<16xi32> to vector<16x1xi32>
          %gather3A_869 = vector.shape_cast %broadcast_in_dim3A_868 : vector<16x1xi32> to vector<16xi32>
          %gather3A_870 = tpu.dynamic_gather %add3A_854[%gather3A_869] in [0] : vector<16xi32>, vector<16xi32> -> vector<16xi32>
          %add3A_871 = arith.addi %add3A_854, %gather3A_870 : vector<16xi32>
          %add3A_872 = arith.constant 8 : i32
          %add3A_873 = vector.broadcast %add3A_872 : i32 to vector<16xi32>
          %add3A_874 = arith.addi %iota3A, %add3A_873 : vector<16xi32>
          %and3A_875 = arith.constant 15 : i32
          %and3A_876 = vector.broadcast %and3A_875 : i32 to vector<16xi32>
          %and3A_877 = arith.andi %add3A_874, %and3A_876 : vector<16xi32>
          %lt3A_878 = arith.constant 0 : i32
          %lt3A_879 = vector.broadcast %lt3A_878 : i32 to vector<16xi32>
          %lt3A_880 = arith.cmpi slt, %and3A_877, %lt3A_879 : vector<16xi32>
          %add3A_881 = arith.constant 16 : i32
          %add3A_882 = vector.broadcast %add3A_881 : i32 to vector<16xi32>
          %add3A_883 = arith.addi %and3A_877, %add3A_882 : vector<16xi32>
          %select_n3A_884 = arith.select %lt3A_880, %add3A_883, %and3A_877 : vector<16xi1>, vector<16xi32>
          %broadcast_in_dim3A_885 = vector.shape_cast %select_n3A_884 : vector<16xi32> to vector<16x1xi32>
          %gather3A_886 = vector.shape_cast %broadcast_in_dim3A_885 : vector<16x1xi32> to vector<16xi32>
          %gather3A_887 = tpu.dynamic_gather %add3A_871[%gather3A_886] in [0] : vector<16xi32>, vector<16xi32> -> vector<16xi32>
          %add3A_888 = arith.addi %add3A_871, %gather3A_887 : vector<16xi32>
          %add3A_889 = arith.addi %scan3A_704, %add3A_888 : vector<16xi32>
          scf.yield %add3A_889 : vector<16xi32>
        }
        %scan3A_702 = arith.constant 32 : i32
      }
      "tpu.region"() ({
        %run_scoped3A = tpu.sem_alloc : memref<!tpu.dma_semaphore, #tpu.memory_space<semaphore_mem>>
        %dma_start3A = arith.constant 0 : i32
        %dma_start3A_695 = tpu.memref_slice %arg3[%add3A, %dma_start3A] : memref<4x512xf32, #tpu.memory_space<hbm>> -> memref<1x512xf32, #tpu.memory_space<hbm>>
        %dma_start3A_696 = tpu.memref_squeeze %dma_start3A_695 : memref<1x512xf32, #tpu.memory_space<hbm>> -> memref<512xf32, #tpu.memory_space<hbm>>
        %dma_start3A_697 = arith.constant 0 : i32
        %dma_start3A_698 = tpu.memref_slice %arg3[%add3A, %dma_start3A_697] : memref<4x512xf32, #tpu.memory_space<hbm>> -> memref<1x512xf32, #tpu.memory_space<hbm>>
        %dma_start3A_699 = tpu.memref_squeeze %dma_start3A_698 : memref<1x512xf32, #tpu.memory_space<hbm>> -> memref<512xf32, #tpu.memory_space<hbm>>
        tpu.enqueue_dma source(%arg5 : memref<512xf32, #tpu.memory_space<vmem>>) target(%dma_start3A_699 : memref<512xf32, #tpu.memory_space<hbm>>) target_semaphore(%run_scoped3A : memref<!tpu.dma_semaphore, #tpu.memory_space<semaphore_mem>>)
        %dma_wait3A = arith.constant 0 : i32
        %dma_wait3A_700 = tpu.memref_slice %arg3[%add3A, %dma_wait3A] : memref<4x512xf32, #tpu.memory_space<hbm>> -> memref<1x512xf32, #tpu.memory_space<hbm>>
        %dma_wait3A_701 = tpu.memref_squeeze %dma_wait3A_700 : memref<1x512xf32, #tpu.memory_space<hbm>> -> memref<512xf32, #tpu.memory_space<hbm>>
        %dma_wait3A_702 = arith.constant 0 : i32
        %dma_wait3A_703 = tpu.memref_slice %arg3[%add3A, %dma_wait3A_702] : memref<4x512xf32, #tpu.memory_space<hbm>> -> memref<1x512xf32, #tpu.memory_space<hbm>>
        %dma_wait3A_704 = tpu.memref_squeeze %dma_wait3A_703 : memref<1x512xf32, #tpu.memory_space<hbm>> -> memref<512xf32, #tpu.memory_space<hbm>>
        tpu.wait_dma2 semaphore(%run_scoped3A : memref<!tpu.dma_semaphore, #tpu.memory_space<semaphore_mem>>) src(%arg5 : memref<512xf32, #tpu.memory_space<vmem>>) dst(%dma_wait3A_704 : memref<512xf32, #tpu.memory_space<hbm>>)
        tpu.yield
      }) : () -> ()
    } else {
    }
    return
  }
}

module attributes {stable_mosaic.version = 14 : i64} {
  func.func @_loss_kernel(%arg0: memref<4x512xf32, #tpu.memory_space<vmem>>, %arg1: memref<4x512xf32, #tpu.memory_space<vmem>>, %arg2: memref<1x1xf32, #tpu.memory_space<vmem>>) attributes {dimension_semantics = [], scalar_prefetch = 0 : i64, scratch_operands = 0 : i64, tpu.core_type = #tpu.core_type<tc>} {
    %get3A = arith.constant 0 : index
    %get3A_0 = arith.constant 0 : index
    %get3A_1 = vector.load %arg0[%get3A, %get3A_0] : memref<4x512xf32, #tpu.memory_space<vmem>>, vector<4x512xf32>
    %get3A_2 = arith.constant 0 : index
    %get3A_3 = arith.constant 0 : index
    %get3A_4 = vector.load %arg1[%get3A_2, %get3A_3] : memref<4x512xf32, #tpu.memory_space<vmem>>, vector<4x512xf32>
    %mul3A = arith.mulf %get3A_1, %get3A_4 : vector<4x512xf32>
    %reduce_sum3A = vector.shape_cast %mul3A : vector<4x512xf32> to vector<1x4x512xf32>
    %reduce_sum3A_5 = arith.constant dense<0.000000e+00> : vector<1xf32>
    %reduce_sum3A_6 = vector.multi_reduction <add>, %reduce_sum3A, %reduce_sum3A_5 [1, 2] : vector<1x4x512xf32> to vector<1xf32>
    %reduce_sum3A_7 = vector.shape_cast %reduce_sum3A_6 : vector<1xf32> to vector<1x1x1xf32>
    %reduce_sum3A_8 = vector.extract %reduce_sum3A_7[0, 0, 0] : f32 from vector<1x1x1xf32>
    %broadcast_in_dim3A = vector.broadcast %reduce_sum3A_8 : f32 to vector<1x1xf32>
    %get3A_9 = arith.constant 0 : index
    %get3A_10 = arith.constant 0 : index
    %get3A_11 = vector.load %arg1[%get3A_9, %get3A_10] : memref<4x512xf32, #tpu.memory_space<vmem>>, vector<4x512xf32>
    %reduce_sum3A_12 = vector.shape_cast %get3A_11 : vector<4x512xf32> to vector<1x4x512xf32>
    %reduce_sum3A_13 = arith.constant dense<0.000000e+00> : vector<1xf32>
    %reduce_sum3A_14 = vector.multi_reduction <add>, %reduce_sum3A_12, %reduce_sum3A_13 [1, 2] : vector<1x4x512xf32> to vector<1xf32>
    %reduce_sum3A_15 = vector.shape_cast %reduce_sum3A_14 : vector<1xf32> to vector<1x1x1xf32>
    %reduce_sum3A_16 = vector.extract %reduce_sum3A_15[0, 0, 0] : f32 from vector<1x1x1xf32>
    %broadcast_in_dim3A_17 = vector.broadcast %reduce_sum3A_16 : f32 to vector<1x1xf32>
    %add3A = arith.constant 9.99999993E-9 : f32
    %add3A_18 = vector.broadcast %add3A : f32 to vector<1x1xf32>
    %add3A_19 = arith.addf %broadcast_in_dim3A_17, %add3A_18 : vector<1x1xf32>
    %div3A = arith.divf %broadcast_in_dim3A, %add3A_19 : vector<1x1xf32>
    %swap3A = arith.constant 0 : index
    %swap3A_20 = arith.constant 0 : index
    %swap3A_21 = vector.load %arg2[%swap3A, %swap3A_20] : memref<1x1xf32, #tpu.memory_space<vmem>>, vector<1x1xf32>
    tpu.vector_store %arg2[%swap3A, %swap3A_20], %div3A {strides = array<i32>} : memref<1x1xf32, #tpu.memory_space<vmem>>, vector<1x1xf32>,
    return
  }
}

module attributes {stable_mosaic.version = 14 : i64} {
  func.func @_stats_kernel(%arg0: i32, %arg1: i32, %arg2: memref<1x64x128x128xf32, #tpu.memory_space<vmem>>, %arg3: memref<1x64x128x128xf32, #tpu.memory_space<vmem>>, %arg4: memref<1x4x8x8xf32, #tpu.memory_space<vmem>>) attributes {dimension_semantics = [#tpu.dimension_semantics<parallel>, #tpu.dimension_semantics<parallel>], iteration_bounds = array<i64: 4, 2>, scalar_prefetch = 0 : i64, scratch_operands = 0 : i64, tpu.core_type = #tpu.core_type<tc>, window_params = [{transform_indices = @transform_0, window_bounds = array<i64: 1, 64, 128, 128>}, {transform_indices = @transform_1, window_bounds = array<i64: 1, 64, 128, 128>}, {transform_indices = @transform_2, window_bounds = array<i64: 1, 4, 8, 8>}]} {
    %iota3A = tpu.iota {dimensions = array<i32: 1>} : vector<8x128xi32>
    %iota3A_0 = tpu.iota {dimensions = array<i32: 0>} : vector<8x128xi32>
    %jit3A = arith.constant 16 : i32
    %div3A = vector.broadcast %jit3A : i32 to vector<8x128xi32>
    %div3A_1 = arith.divsi %iota3A, %div3A : vector<8x128xi32>
    %sign3A = arith.constant 0 : i32
    %sign3A_2 = vector.broadcast %sign3A : i32 to vector<8x128xi32>
    %sign3A_3 = arith.cmpi sgt, %iota3A, %sign3A_2 : vector<8x128xi32>
    %sign3A_4 = arith.extui %sign3A_3 : vector<8x128xi1> to vector<8x128xi32>
    %sign3A_5 = arith.constant 0 : i32
    %sign3A_6 = vector.broadcast %sign3A_5 : i32 to vector<8x128xi32>
    %sign3A_7 = arith.cmpi slt, %iota3A, %sign3A_6 : vector<8x128xi32>
    %sign3A_8 = arith.extui %sign3A_7 : vector<8x128xi1> to vector<8x128xi32>
    %sign3A_9 = arith.subi %sign3A_4, %sign3A_8 : vector<8x128xi32>
    %sign3A_10 = arith.constant 0 : i32
    %sign3A_11 = arith.cmpi sgt, %jit3A, %sign3A_10 : i32
    %sign3A_12 = arith.extui %sign3A_11 : i1 to i32
    %sign3A_13 = arith.constant 0 : i32
    %sign3A_14 = arith.cmpi slt, %jit3A, %sign3A_13 : i32
    %sign3A_15 = arith.extui %sign3A_14 : i1 to i32
    %sign3A_16 = arith.subi %sign3A_12, %sign3A_15 : i32
    %ne3A = vector.broadcast %sign3A_16 : i32 to vector<8x128xi32>
    %ne3A_17 = arith.cmpi ne, %sign3A_9, %ne3A : vector<8x128xi32>
    %rem3A = vector.broadcast %jit3A : i32 to vector<8x128xi32>
    %rem3A_18 = arith.remsi %iota3A, %rem3A : vector<8x128xi32>
    %ne3A_19 = arith.constant 0 : i32
    %ne3A_20 = vector.broadcast %ne3A_19 : i32 to vector<8x128xi32>
    %ne3A_21 = arith.cmpi ne, %rem3A_18, %ne3A_20 : vector<8x128xi32>
    %and3A = arith.andi %ne3A_17, %ne3A_21 : vector<8x128xi1>
    %sub3A = arith.constant 1 : i32
    %sub3A_22 = vector.broadcast %sub3A : i32 to vector<8x128xi32>
    %sub3A_23 = arith.subi %div3A_1, %sub3A_22 : vector<8x128xi32>
    %select_n3A = arith.select %and3A, %sub3A_23, %div3A_1 : vector<8x128xi1>, vector<8x128xi32>
    %eq3A = arith.cmpi eq, %select_n3A, %iota3A_0 : vector<8x128xi32>
    %convert_element_type3A = arith.extui %eq3A : vector<8x128xi1> to vector<8x128xi32>
    %convert_element_type3A_24 = arith.sitofp %convert_element_type3A : vector<8x128xi32> to vector<8x128xf32>
    %transpose3A = tpu.transpose %convert_element_type3A_24, [1, 0] : vector<8x128xf32> -> vector<128x8xf32>
    %get3A = arith.constant 0 : index
    %get3A_25 = arith.constant 0 : index
    %get3A_26 = arith.constant 0 : index
    %get3A_27 = arith.constant 0 : index
    %get3A_28 = vector.load %arg2[%get3A, %get3A_25, %get3A_26, %get3A_27] : memref<1x64x128x128xf32, #tpu.memory_space<vmem>>, vector<1x1x128x128xf32>
    %get3A_29 = vector.shape_cast %get3A_28 : vector<1x1x128x128xf32> to vector<128x128xf32>
    %get3A_30 = arith.constant 0 : index
    %get3A_31 = arith.constant 0 : index
    %get3A_32 = arith.constant 0 : index
    %get3A_33 = arith.constant 0 : index
    %get3A_34 = vector.load %arg3[%get3A_30, %get3A_31, %get3A_32, %get3A_33] : memref<1x64x128x128xf32, #tpu.memory_space<vmem>>, vector<1x1x128x128xf32>
    %get3A_35 = vector.shape_cast %get3A_34 : vector<1x1x128x128xf32> to vector<128x128xf32>
    %mul3A = arith.mulf %get3A_29, %get3A_29 : vector<128x128xf32>
    %mul3A_36 = arith.mulf %get3A_35, %get3A_35 : vector<128x128xf32>
    %mul3A_37 = arith.mulf %get3A_29, %get3A_35 : vector<128x128xf32>
    %get3A_38 = arith.constant 0 : index
    %get3A_39 = arith.constant 1 : index
    %get3A_40 = arith.constant 0 : index
    %get3A_41 = arith.constant 0 : index
    %get3A_42 = vector.load %arg2[%get3A_38, %get3A_39, %get3A_40, %get3A_41] : memref<1x64x128x128xf32, #tpu.memory_space<vmem>>, vector<1x1x128x128xf32>
    %get3A_43 = vector.shape_cast %get3A_42 : vector<1x1x128x128xf32> to vector<128x128xf32>
    %get3A_44 = arith.constant 0 : index
    %get3A_45 = arith.constant 1 : index
    %get3A_46 = arith.constant 0 : index
    %get3A_47 = arith.constant 0 : index
    %get3A_48 = vector.load %arg3[%get3A_44, %get3A_45, %get3A_46, %get3A_47] : memref<1x64x128x128xf32, #tpu.memory_space<vmem>>, vector<1x1x128x128xf32>
    %get3A_49 = vector.shape_cast %get3A_48 : vector<1x1x128x128xf32> to vector<128x128xf32>
    %add3A = arith.addf %get3A_29, %get3A_43 : vector<128x128xf32>
    %mul3A_50 = arith.mulf %get3A_43, %get3A_43 : vector<128x128xf32>
    %add3A_51 = arith.addf %mul3A, %mul3A_50 : vector<128x128xf32>
    %add3A_52 = arith.addf %get3A_35, %get3A_49 : vector<128x128xf32>
    %mul3A_53 = arith.mulf %get3A_49, %get3A_49 : vector<128x128xf32>
    %add3A_54 = arith.addf %mul3A_36, %mul3A_53 : vector<128x128xf32>
    %mul3A_55 = arith.mulf %get3A_43, %get3A_49 : vector<128x128xf32>
    %add3A_56 = arith.addf %mul3A_37, %mul3A_55 : vector<128x128xf32>
    %get3A_57 = arith.constant 0 : index
    %get3A_58 = arith.constant 2 : index
    %get3A_59 = arith.constant 0 : index
    %get3A_60 = arith.constant 0 : index
    %get3A_61 = vector.load %arg2[%get3A_57, %get3A_58, %get3A_59, %get3A_60] : memref<1x64x128x128xf32, #tpu.memory_space<vmem>>, vector<1x1x128x128xf32>
    %get3A_62 = vector.shape_cast %get3A_61 : vector<1x1x128x128xf32> to vector<128x128xf32>
    %get3A_63 = arith.constant 0 : index
    %get3A_64 = arith.constant 2 : index
    %get3A_65 = arith.constant 0 : index
    %get3A_66 = arith.constant 0 : index
    %get3A_67 = vector.load %arg3[%get3A_63, %get3A_64, %get3A_65, %get3A_66] : memref<1x64x128x128xf32, #tpu.memory_space<vmem>>, vector<1x1x128x128xf32>
    %get3A_68 = vector.shape_cast %get3A_67 : vector<1x1x128x128xf32> to vector<128x128xf32>
    %add3A_69 = arith.addf %add3A, %get3A_62 : vector<128x128xf32>
    %mul3A_70 = arith.mulf %get3A_62, %get3A_62 : vector<128x128xf32>
    %add3A_71 = arith.addf %add3A_51, %mul3A_70 : vector<128x128xf32>
    %add3A_72 = arith.addf %add3A_52, %get3A_68 : vector<128x128xf32>
    %mul3A_73 = arith.mulf %get3A_68, %get3A_68 : vector<128x128xf32>
    %add3A_74 = arith.addf %add3A_54, %mul3A_73 : vector<128x128xf32>
    %mul3A_75 = arith.mulf %get3A_62, %get3A_68 : vector<128x128xf32>
    %add3A_76 = arith.addf %add3A_56, %mul3A_75 : vector<128x128xf32>
    %get3A_77 = arith.constant 0 : index
    %get3A_78 = arith.constant 3 : index
    %get3A_79 = arith.constant 0 : index
    %get3A_80 = arith.constant 0 : index
    %get3A_81 = vector.load %arg2[%get3A_77, %get3A_78, %get3A_79, %get3A_80] : memref<1x64x128x128xf32, #tpu.memory_space<vmem>>, vector<1x1x128x128xf32>
    %get3A_82 = vector.shape_cast %get3A_81 : vector<1x1x128x128xf32> to vector<128x128xf32>
    %get3A_83 = arith.constant 0 : index
    %get3A_84 = arith.constant 3 : index
    %get3A_85 = arith.constant 0 : index
    %get3A_86 = arith.constant 0 : index
    %get3A_87 = vector.load %arg3[%get3A_83, %get3A_84, %get3A_85, %get3A_86] : memref<1x64x128x128xf32, #tpu.memory_space<vmem>>, vector<1x1x128x128xf32>
    %get3A_88 = vector.shape_cast %get3A_87 : vector<1x1x128x128xf32> to vector<128x128xf32>
    %add3A_89 = arith.addf %add3A_69, %get3A_82 : vector<128x128xf32>
    %mul3A_90 = arith.mulf %get3A_82, %get3A_82 : vector<128x128xf32>
    %add3A_91 = arith.addf %add3A_71, %mul3A_90 : vector<128x128xf32>
    %add3A_92 = arith.addf %add3A_72, %get3A_88 : vector<128x128xf32>
    %mul3A_93 = arith.mulf %get3A_88, %get3A_88 : vector<128x128xf32>
    %add3A_94 = arith.addf %add3A_74, %mul3A_93 : vector<128x128xf32>
    %mul3A_95 = arith.mulf %get3A_82, %get3A_88 : vector<128x128xf32>
    %add3A_96 = arith.addf %add3A_76, %mul3A_95 : vector<128x128xf32>
    %get3A_97 = arith.constant 0 : index
    %get3A_98 = arith.constant 4 : index
    %get3A_99 = arith.constant 0 : index
    %get3A_100 = arith.constant 0 : index
    %get3A_101 = vector.load %arg2[%get3A_97, %get3A_98, %get3A_99, %get3A_100] : memref<1x64x128x128xf32, #tpu.memory_space<vmem>>, vector<1x1x128x128xf32>
    %get3A_102 = vector.shape_cast %get3A_101 : vector<1x1x128x128xf32> to vector<128x128xf32>
    %get3A_103 = arith.constant 0 : index
    %get3A_104 = arith.constant 4 : index
    %get3A_105 = arith.constant 0 : index
    %get3A_106 = arith.constant 0 : index
    %get3A_107 = vector.load %arg3[%get3A_103, %get3A_104, %get3A_105, %get3A_106] : memref<1x64x128x128xf32, #tpu.memory_space<vmem>>, vector<1x1x128x128xf32>
    %get3A_108 = vector.shape_cast %get3A_107 : vector<1x1x128x128xf32> to vector<128x128xf32>
    %add3A_109 = arith.addf %add3A_89, %get3A_102 : vector<128x128xf32>
    %mul3A_110 = arith.mulf %get3A_102, %get3A_102 : vector<128x128xf32>
    %add3A_111 = arith.addf %add3A_91, %mul3A_110 : vector<128x128xf32>
    %add3A_112 = arith.addf %add3A_92, %get3A_108 : vector<128x128xf32>
    %mul3A_113 = arith.mulf %get3A_108, %get3A_108 : vector<128x128xf32>
    %add3A_114 = arith.addf %add3A_94, %mul3A_113 : vector<128x128xf32>
    %mul3A_115 = arith.mulf %get3A_102, %get3A_108 : vector<128x128xf32>
    %add3A_116 = arith.addf %add3A_96, %mul3A_115 : vector<128x128xf32>
    %get3A_117 = arith.constant 0 : index
    %get3A_118 = arith.constant 5 : index
    %get3A_119 = arith.constant 0 : index
    %get3A_120 = arith.constant 0 : index
    %get3A_121 = vector.load %arg2[%get3A_117, %get3A_118, %get3A_119, %get3A_120] : memref<1x64x128x128xf32, #tpu.memory_space<vmem>>, vector<1x1x128x128xf32>
    %get3A_122 = vector.shape_cast %get3A_121 : vector<1x1x128x128xf32> to vector<128x128xf32>
    %get3A_123 = arith.constant 0 : index
    %get3A_124 = arith.constant 5 : index
    %get3A_125 = arith.constant 0 : index
    %get3A_126 = arith.constant 0 : index
    %get3A_127 = vector.load %arg3[%get3A_123, %get3A_124, %get3A_125, %get3A_126] : memref<1x64x128x128xf32, #tpu.memory_space<vmem>>, vector<1x1x128x128xf32>
    %get3A_128 = vector.shape_cast %get3A_127 : vector<1x1x128x128xf32> to vector<128x128xf32>
    %add3A_129 = arith.addf %add3A_109, %get3A_122 : vector<128x128xf32>
    %mul3A_130 = arith.mulf %get3A_122, %get3A_122 : vector<128x128xf32>
    %add3A_131 = arith.addf %add3A_111, %mul3A_130 : vector<128x128xf32>
    %add3A_132 = arith.addf %add3A_112, %get3A_128 : vector<128x128xf32>
    %mul3A_133 = arith.mulf %get3A_128, %get3A_128 : vector<128x128xf32>
    %add3A_134 = arith.addf %add3A_114, %mul3A_133 : vector<128x128xf32>
    %mul3A_135 = arith.mulf %get3A_122, %get3A_128 : vector<128x128xf32>
    %add3A_136 = arith.addf %add3A_116, %mul3A_135 : vector<128x128xf32>
    %get3A_137 = arith.constant 0 : index
    %get3A_138 = arith.constant 6 : index
    %get3A_139 = arith.constant 0 : index
    %get3A_140 = arith.constant 0 : index
    %get3A_141 = vector.load %arg2[%get3A_137, %get3A_138, %get3A_139, %get3A_140] : memref<1x64x128x128xf32, #tpu.memory_space<vmem>>, vector<1x1x128x128xf32>
    %get3A_142 = vector.shape_cast %get3A_141 : vector<1x1x128x128xf32> to vector<128x128xf32>
    %get3A_143 = arith.constant 0 : index
    %get3A_144 = arith.constant 6 : index
    %get3A_145 = arith.constant 0 : index
    %get3A_146 = arith.constant 0 : index
    %get3A_147 = vector.load %arg3[%get3A_143, %get3A_144, %get3A_145, %get3A_146] : memref<1x64x128x128xf32, #tpu.memory_space<vmem>>, vector<1x1x128x128xf32>
    %get3A_148 = vector.shape_cast %get3A_147 : vector<1x1x128x128xf32> to vector<128x128xf32>
    %add3A_149 = arith.addf %add3A_129, %get3A_142 : vector<128x128xf32>
    %mul3A_150 = arith.mulf %get3A_142, %get3A_142 : vector<128x128xf32>
    %add3A_151 = arith.addf %add3A_131, %mul3A_150 : vector<128x128xf32>
    %add3A_152 = arith.addf %add3A_132, %get3A_148 : vector<128x128xf32>
    %mul3A_153 = arith.mulf %get3A_148, %get3A_148 : vector<128x128xf32>
    %add3A_154 = arith.addf %add3A_134, %mul3A_153 : vector<128x128xf32>
    %mul3A_155 = arith.mulf %get3A_142, %get3A_148 : vector<128x128xf32>
    %add3A_156 = arith.addf %add3A_136, %mul3A_155 : vector<128x128xf32>
    %get3A_157 = arith.constant 0 : index
    %get3A_158 = arith.constant 7 : index
    %get3A_159 = arith.constant 0 : index
    %get3A_160 = arith.constant 0 : index
    %get3A_161 = vector.load %arg2[%get3A_157, %get3A_158, %get3A_159, %get3A_160] : memref<1x64x128x128xf32, #tpu.memory_space<vmem>>, vector<1x1x128x128xf32>
    %get3A_162 = vector.shape_cast %get3A_161 : vector<1x1x128x128xf32> to vector<128x128xf32>
    %get3A_163 = arith.constant 0 : index
    %get3A_164 = arith.constant 7 : index
    %get3A_165 = arith.constant 0 : index
    %get3A_166 = arith.constant 0 : index
    %get3A_167 = vector.load %arg3[%get3A_163, %get3A_164, %get3A_165, %get3A_166] : memref<1x64x128x128xf32, #tpu.memory_space<vmem>>, vector<1x1x128x128xf32>
    %get3A_168 = vector.shape_cast %get3A_167 : vector<1x1x128x128xf32> to vector<128x128xf32>
    %add3A_169 = arith.addf %add3A_149, %get3A_162 : vector<128x128xf32>
    %mul3A_170 = arith.mulf %get3A_162, %get3A_162 : vector<128x128xf32>
    %add3A_171 = arith.addf %add3A_151, %mul3A_170 : vector<128x128xf32>
    %add3A_172 = arith.addf %add3A_152, %get3A_168 : vector<128x128xf32>
    %mul3A_173 = arith.mulf %get3A_168, %get3A_168 : vector<128x128xf32>
    %add3A_174 = arith.addf %add3A_154, %mul3A_173 : vector<128x128xf32>
    %mul3A_175 = arith.mulf %get3A_162, %get3A_168 : vector<128x128xf32>
    %add3A_176 = arith.addf %add3A_156, %mul3A_175 : vector<128x128xf32>
    %get3A_177 = arith.constant 0 : index
    %get3A_178 = arith.constant 8 : index
    %get3A_179 = arith.constant 0 : index
    %get3A_180 = arith.constant 0 : index
    %get3A_181 = vector.load %arg2[%get3A_177, %get3A_178, %get3A_179, %get3A_180] : memref<1x64x128x128xf32, #tpu.memory_space<vmem>>, vector<1x1x128x128xf32>
    %get3A_182 = vector.shape_cast %get3A_181 : vector<1x1x128x128xf32> to vector<128x128xf32>
    %get3A_183 = arith.constant 0 : index
    %get3A_184 = arith.constant 8 : index
    %get3A_185 = arith.constant 0 : index
    %get3A_186 = arith.constant 0 : index
    %get3A_187 = vector.load %arg3[%get3A_183, %get3A_184, %get3A_185, %get3A_186] : memref<1x64x128x128xf32, #tpu.memory_space<vmem>>, vector<1x1x128x128xf32>
    %get3A_188 = vector.shape_cast %get3A_187 : vector<1x1x128x128xf32> to vector<128x128xf32>
    %add3A_189 = arith.addf %add3A_169, %get3A_182 : vector<128x128xf32>
    %mul3A_190 = arith.mulf %get3A_182, %get3A_182 : vector<128x128xf32>
    %add3A_191 = arith.addf %add3A_171, %mul3A_190 : vector<128x128xf32>
    %add3A_192 = arith.addf %add3A_172, %get3A_188 : vector<128x128xf32>
    %mul3A_193 = arith.mulf %get3A_188, %get3A_188 : vector<128x128xf32>
    %add3A_194 = arith.addf %add3A_174, %mul3A_193 : vector<128x128xf32>
    %mul3A_195 = arith.mulf %get3A_182, %get3A_188 : vector<128x128xf32>
    %add3A_196 = arith.addf %add3A_176, %mul3A_195 : vector<128x128xf32>
    %get3A_197 = arith.constant 0 : index
    %get3A_198 = arith.constant 9 : index
    %get3A_199 = arith.constant 0 : index
    %get3A_200 = arith.constant 0 : index
    %get3A_201 = vector.load %arg2[%get3A_197, %get3A_198, %get3A_199, %get3A_200] : memref<1x64x128x128xf32, #tpu.memory_space<vmem>>, vector<1x1x128x128xf32>
    %get3A_202 = vector.shape_cast %get3A_201 : vector<1x1x128x128xf32> to vector<128x128xf32>
    %get3A_203 = arith.constant 0 : index
    %get3A_204 = arith.constant 9 : index
    %get3A_205 = arith.constant 0 : index
    %get3A_206 = arith.constant 0 : index
    %get3A_207 = vector.load %arg3[%get3A_203, %get3A_204, %get3A_205, %get3A_206] : memref<1x64x128x128xf32, #tpu.memory_space<vmem>>, vector<1x1x128x128xf32>
    %get3A_208 = vector.shape_cast %get3A_207 : vector<1x1x128x128xf32> to vector<128x128xf32>
    %add3A_209 = arith.addf %add3A_189, %get3A_202 : vector<128x128xf32>
    %mul3A_210 = arith.mulf %get3A_202, %get3A_202 : vector<128x128xf32>
    %add3A_211 = arith.addf %add3A_191, %mul3A_210 : vector<128x128xf32>
    %add3A_212 = arith.addf %add3A_192, %get3A_208 : vector<128x128xf32>
    %mul3A_213 = arith.mulf %get3A_208, %get3A_208 : vector<128x128xf32>
    %add3A_214 = arith.addf %add3A_194, %mul3A_213 : vector<128x128xf32>
    %mul3A_215 = arith.mulf %get3A_202, %get3A_208 : vector<128x128xf32>
    %add3A_216 = arith.addf %add3A_196, %mul3A_215 : vector<128x128xf32>
    %get3A_217 = arith.constant 0 : index
    %get3A_218 = arith.constant 10 : index
    %get3A_219 = arith.constant 0 : index
    %get3A_220 = arith.constant 0 : index
    %get3A_221 = vector.load %arg2[%get3A_217, %get3A_218, %get3A_219, %get3A_220] : memref<1x64x128x128xf32, #tpu.memory_space<vmem>>, vector<1x1x128x128xf32>
    %get3A_222 = vector.shape_cast %get3A_221 : vector<1x1x128x128xf32> to vector<128x128xf32>
    %get3A_223 = arith.constant 0 : index
    %get3A_224 = arith.constant 10 : index
    %get3A_225 = arith.constant 0 : index
    %get3A_226 = arith.constant 0 : index
    %get3A_227 = vector.load %arg3[%get3A_223, %get3A_224, %get3A_225, %get3A_226] : memref<1x64x128x128xf32, #tpu.memory_space<vmem>>, vector<1x1x128x128xf32>
    %get3A_228 = vector.shape_cast %get3A_227 : vector<1x1x128x128xf32> to vector<128x128xf32>
    %add3A_229 = arith.addf %add3A_209, %get3A_222 : vector<128x128xf32>
    %mul3A_230 = arith.mulf %get3A_222, %get3A_222 : vector<128x128xf32>
    %add3A_231 = arith.addf %add3A_211, %mul3A_230 : vector<128x128xf32>
    %add3A_232 = arith.addf %add3A_212, %get3A_228 : vector<128x128xf32>
    %mul3A_233 = arith.mulf %get3A_228, %get3A_228 : vector<128x128xf32>
    %add3A_234 = arith.addf %add3A_214, %mul3A_233 : vector<128x128xf32>
    %mul3A_235 = arith.mulf %get3A_222, %get3A_228 : vector<128x128xf32>
    %add3A_236 = arith.addf %add3A_216, %mul3A_235 : vector<128x128xf32>
    %get3A_237 = arith.constant 0 : index
    %get3A_238 = arith.constant 11 : index
    %get3A_239 = arith.constant 0 : index
    %get3A_240 = arith.constant 0 : index
    %get3A_241 = vector.load %arg2[%get3A_237, %get3A_238, %get3A_239, %get3A_240] : memref<1x64x128x128xf32, #tpu.memory_space<vmem>>, vector<1x1x128x128xf32>
    %get3A_242 = vector.shape_cast %get3A_241 : vector<1x1x128x128xf32> to vector<128x128xf32>
    %get3A_243 = arith.constant 0 : index
    %get3A_244 = arith.constant 11 : index
    %get3A_245 = arith.constant 0 : index
    %get3A_246 = arith.constant 0 : index
    %get3A_247 = vector.load %arg3[%get3A_243, %get3A_244, %get3A_245, %get3A_246] : memref<1x64x128x128xf32, #tpu.memory_space<vmem>>, vector<1x1x128x128xf32>
    %get3A_248 = vector.shape_cast %get3A_247 : vector<1x1x128x128xf32> to vector<128x128xf32>
    %add3A_249 = arith.addf %add3A_229, %get3A_242 : vector<128x128xf32>
    %mul3A_250 = arith.mulf %get3A_242, %get3A_242 : vector<128x128xf32>
    %add3A_251 = arith.addf %add3A_231, %mul3A_250 : vector<128x128xf32>
    %add3A_252 = arith.addf %add3A_232, %get3A_248 : vector<128x128xf32>
    %mul3A_253 = arith.mulf %get3A_248, %get3A_248 : vector<128x128xf32>
    %add3A_254 = arith.addf %add3A_234, %mul3A_253 : vector<128x128xf32>
    %mul3A_255 = arith.mulf %get3A_242, %get3A_248 : vector<128x128xf32>
    %add3A_256 = arith.addf %add3A_236, %mul3A_255 : vector<128x128xf32>
    %get3A_257 = arith.constant 0 : index
    %get3A_258 = arith.constant 12 : index
    %get3A_259 = arith.constant 0 : index
    %get3A_260 = arith.constant 0 : index
    %get3A_261 = vector.load %arg2[%get3A_257, %get3A_258, %get3A_259, %get3A_260] : memref<1x64x128x128xf32, #tpu.memory_space<vmem>>, vector<1x1x128x128xf32>
    %get3A_262 = vector.shape_cast %get3A_261 : vector<1x1x128x128xf32> to vector<128x128xf32>
    %get3A_263 = arith.constant 0 : index
    %get3A_264 = arith.constant 12 : index
    %get3A_265 = arith.constant 0 : index
    %get3A_266 = arith.constant 0 : index
    %get3A_267 = vector.load %arg3[%get3A_263, %get3A_264, %get3A_265, %get3A_266] : memref<1x64x128x128xf32, #tpu.memory_space<vmem>>, vector<1x1x128x128xf32>
    %get3A_268 = vector.shape_cast %get3A_267 : vector<1x1x128x128xf32> to vector<128x128xf32>
    %add3A_269 = arith.addf %add3A_249, %get3A_262 : vector<128x128xf32>
    %mul3A_270 = arith.mulf %get3A_262, %get3A_262 : vector<128x128xf32>
    %add3A_271 = arith.addf %add3A_251, %mul3A_270 : vector<128x128xf32>
    %add3A_272 = arith.addf %add3A_252, %get3A_268 : vector<128x128xf32>
    %mul3A_273 = arith.mulf %get3A_268, %get3A_268 : vector<128x128xf32>
    %add3A_274 = arith.addf %add3A_254, %mul3A_273 : vector<128x128xf32>
    %mul3A_275 = arith.mulf %get3A_262, %get3A_268 : vector<128x128xf32>
    %add3A_276 = arith.addf %add3A_256, %mul3A_275 : vector<128x128xf32>
    %get3A_277 = arith.constant 0 : index
    %get3A_278 = arith.constant 13 : index
    %get3A_279 = arith.constant 0 : index
    %get3A_280 = arith.constant 0 : index
    %get3A_281 = vector.load %arg2[%get3A_277, %get3A_278, %get3A_279, %get3A_280] : memref<1x64x128x128xf32, #tpu.memory_space<vmem>>, vector<1x1x128x128xf32>
    %get3A_282 = vector.shape_cast %get3A_281 : vector<1x1x128x128xf32> to vector<128x128xf32>
    %get3A_283 = arith.constant 0 : index
    %get3A_284 = arith.constant 13 : index
    %get3A_285 = arith.constant 0 : index
    %get3A_286 = arith.constant 0 : index
    %get3A_287 = vector.load %arg3[%get3A_283, %get3A_284, %get3A_285, %get3A_286] : memref<1x64x128x128xf32, #tpu.memory_space<vmem>>, vector<1x1x128x128xf32>
    %get3A_288 = vector.shape_cast %get3A_287 : vector<1x1x128x128xf32> to vector<128x128xf32>
    %add3A_289 = arith.addf %add3A_269, %get3A_282 : vector<128x128xf32>
    %mul3A_290 = arith.mulf %get3A_282, %get3A_282 : vector<128x128xf32>
    %add3A_291 = arith.addf %add3A_271, %mul3A_290 : vector<128x128xf32>
    %add3A_292 = arith.addf %add3A_272, %get3A_288 : vector<128x128xf32>
    %mul3A_293 = arith.mulf %get3A_288, %get3A_288 : vector<128x128xf32>
    %add3A_294 = arith.addf %add3A_274, %mul3A_293 : vector<128x128xf32>
    %mul3A_295 = arith.mulf %get3A_282, %get3A_288 : vector<128x128xf32>
    %add3A_296 = arith.addf %add3A_276, %mul3A_295 : vector<128x128xf32>
    %get3A_297 = arith.constant 0 : index
    %get3A_298 = arith.constant 14 : index
    %get3A_299 = arith.constant 0 : index
    %get3A_300 = arith.constant 0 : index
    %get3A_301 = vector.load %arg2[%get3A_297, %get3A_298, %get3A_299, %get3A_300] : memref<1x64x128x128xf32, #tpu.memory_space<vmem>>, vector<1x1x128x128xf32>
    %get3A_302 = vector.shape_cast %get3A_301 : vector<1x1x128x128xf32> to vector<128x128xf32>
    %get3A_303 = arith.constant 0 : index
    %get3A_304 = arith.constant 14 : index
    %get3A_305 = arith.constant 0 : index
    %get3A_306 = arith.constant 0 : index
    %get3A_307 = vector.load %arg3[%get3A_303, %get3A_304, %get3A_305, %get3A_306] : memref<1x64x128x128xf32, #tpu.memory_space<vmem>>, vector<1x1x128x128xf32>
    %get3A_308 = vector.shape_cast %get3A_307 : vector<1x1x128x128xf32> to vector<128x128xf32>
    %add3A_309 = arith.addf %add3A_289, %get3A_302 : vector<128x128xf32>
    %mul3A_310 = arith.mulf %get3A_302, %get3A_302 : vector<128x128xf32>
    %add3A_311 = arith.addf %add3A_291, %mul3A_310 : vector<128x128xf32>
    %add3A_312 = arith.addf %add3A_292, %get3A_308 : vector<128x128xf32>
    %mul3A_313 = arith.mulf %get3A_308, %get3A_308 : vector<128x128xf32>
    %add3A_314 = arith.addf %add3A_294, %mul3A_313 : vector<128x128xf32>
    %mul3A_315 = arith.mulf %get3A_302, %get3A_308 : vector<128x128xf32>
    %add3A_316 = arith.addf %add3A_296, %mul3A_315 : vector<128x128xf32>
    %get3A_317 = arith.constant 0 : index
    %get3A_318 = arith.constant 15 : index
    %get3A_319 = arith.constant 0 : index
    %get3A_320 = arith.constant 0 : index
    %get3A_321 = vector.load %arg2[%get3A_317, %get3A_318, %get3A_319, %get3A_320] : memref<1x64x128x128xf32, #tpu.memory_space<vmem>>, vector<1x1x128x128xf32>
    %get3A_322 = vector.shape_cast %get3A_321 : vector<1x1x128x128xf32> to vector<128x128xf32>
    %get3A_323 = arith.constant 0 : index
    %get3A_324 = arith.constant 15 : index
    %get3A_325 = arith.constant 0 : index
    %get3A_326 = arith.constant 0 : index
    %get3A_327 = vector.load %arg3[%get3A_323, %get3A_324, %get3A_325, %get3A_326] : memref<1x64x128x128xf32, #tpu.memory_space<vmem>>, vector<1x1x128x128xf32>
    %get3A_328 = vector.shape_cast %get3A_327 : vector<1x1x128x128xf32> to vector<128x128xf32>
    %add3A_329 = arith.addf %add3A_309, %get3A_322 : vector<128x128xf32>
    %mul3A_330 = arith.mulf %get3A_322, %get3A_322 : vector<128x128xf32>
    %add3A_331 = arith.addf %add3A_311, %mul3A_330 : vector<128x128xf32>
    %add3A_332 = arith.addf %add3A_312, %get3A_328 : vector<128x128xf32>
    %mul3A_333 = arith.mulf %get3A_328, %get3A_328 : vector<128x128xf32>
    %add3A_334 = arith.addf %add3A_314, %mul3A_333 : vector<128x128xf32>
    %mul3A_335 = arith.mulf %get3A_322, %get3A_328 : vector<128x128xf32>
    %add3A_336 = arith.addf %add3A_316, %mul3A_335 : vector<128x128xf32>
    %dot_general3A = arith.constant dense<0.000000e+00> : vector<8x128xf32>
    %dot_general3A_337 = tpu.matmul %convert_element_type3A_24, %add3A_329, %dot_general3A {dimension_numbers = #tpu.dot_dimension_numbers<[1], [0], [0], [1], [0, 0, 1, 1], [], []>, transpose_lhs_hint = false} : vector<8x128xf32>, vector<128x128xf32>, vector<8x128xf32> -> vector<8x128xf32>
    %dot_general3A_338 = arith.constant dense<0.000000e+00> : vector<8x8xf32>
    %dot_general3A_339 = tpu.matmul %dot_general3A_337, %transpose3A, %dot_general3A_338 {dimension_numbers = #tpu.dot_dimension_numbers<[1], [0], [0], [1], [0, 0, 1, 1], [], []>, transpose_lhs_hint = false} : vector<8x128xf32>, vector<128x8xf32>, vector<8x8xf32> -> vector<8x8xf32>
    %dot_general3A_340 = arith.constant dense<0.000000e+00> : vector<8x128xf32>
    %dot_general3A_341 = tpu.matmul %convert_element_type3A_24, %add3A_331, %dot_general3A_340 {dimension_numbers = #tpu.dot_dimension_numbers<[1], [0], [0], [1], [0, 0, 1, 1], [], []>, transpose_lhs_hint = false} : vector<8x128xf32>, vector<128x128xf32>, vector<8x128xf32> -> vector<8x128xf32>
    %dot_general3A_342 = arith.constant dense<0.000000e+00> : vector<8x8xf32>
    %dot_general3A_343 = tpu.matmul %dot_general3A_341, %transpose3A, %dot_general3A_342 {dimension_numbers = #tpu.dot_dimension_numbers<[1], [0], [0], [1], [0, 0, 1, 1], [], []>, transpose_lhs_hint = false} : vector<8x128xf32>, vector<128x8xf32>, vector<8x8xf32> -> vector<8x8xf32>
    %dot_general3A_344 = arith.constant dense<0.000000e+00> : vector<8x128xf32>
    %dot_general3A_345 = tpu.matmul %convert_element_type3A_24, %add3A_332, %dot_general3A_344 {dimension_numbers = #tpu.dot_dimension_numbers<[1], [0], [0], [1], [0, 0, 1, 1], [], []>, transpose_lhs_hint = false} : vector<8x128xf32>, vector<128x128xf32>, vector<8x128xf32> -> vector<8x128xf32>
    %dot_general3A_346 = arith.constant dense<0.000000e+00> : vector<8x8xf32>
    %dot_general3A_347 = tpu.matmul %dot_general3A_345, %transpose3A, %dot_general3A_346 {dimension_numbers = #tpu.dot_dimension_numbers<[1], [0], [0], [1], [0, 0, 1, 1], [], []>, transpose_lhs_hint = false} : vector<8x128xf32>, vector<128x8xf32>, vector<8x8xf32> -> vector<8x8xf32>
    %dot_general3A_348 = arith.constant dense<0.000000e+00> : vector<8x128xf32>
    %dot_general3A_349 = tpu.matmul %convert_element_type3A_24, %add3A_334, %dot_general3A_348 {dimension_numbers = #tpu.dot_dimension_numbers<[1], [0], [0], [1], [0, 0, 1, 1], [], []>, transpose_lhs_hint = false} : vector<8x128xf32>, vector<128x128xf32>, vector<8x128xf32> -> vector<8x128xf32>
    %dot_general3A_350 = arith.constant dense<0.000000e+00> : vector<8x8xf32>
    %dot_general3A_351 = tpu.matmul %dot_general3A_349, %transpose3A, %dot_general3A_350 {dimension_numbers = #tpu.dot_dimension_numbers<[1], [0], [0], [1], [0, 0, 1, 1], [], []>, transpose_lhs_hint = false} : vector<8x128xf32>, vector<128x8xf32>, vector<8x8xf32> -> vector<8x8xf32>
    %dot_general3A_352 = arith.constant dense<0.000000e+00> : vector<8x128xf32>
    %dot_general3A_353 = tpu.matmul %convert_element_type3A_24, %add3A_336, %dot_general3A_352 {dimension_numbers = #tpu.dot_dimension_numbers<[1], [0], [0], [1], [0, 0, 1, 1], [], []>, transpose_lhs_hint = false} : vector<8x128xf32>, vector<128x128xf32>, vector<8x128xf32> -> vector<8x128xf32>
    %dot_general3A_354 = arith.constant dense<0.000000e+00> : vector<8x8xf32>
    %dot_general3A_355 = tpu.matmul %dot_general3A_353, %transpose3A, %dot_general3A_354 {dimension_numbers = #tpu.dot_dimension_numbers<[1], [0], [0], [1], [0, 0, 1, 1], [], []>, transpose_lhs_hint = false} : vector<8x128xf32>, vector<128x8xf32>, vector<8x8xf32> -> vector<8x8xf32>
    %div3A_356 = arith.constant 4.096000e+03 : f32
    %div3A_357 = vector.broadcast %div3A_356 : f32 to vector<8x8xf32>
    %div3A_358 = arith.divf %dot_general3A_339, %div3A_357 : vector<8x8xf32>
    %div3A_359 = arith.constant 4.096000e+03 : f32
    %div3A_360 = vector.broadcast %div3A_359 : f32 to vector<8x8xf32>
    %div3A_361 = arith.divf %dot_general3A_343, %div3A_360 : vector<8x8xf32>
    %mul3A_362 = arith.mulf %div3A_358, %div3A_358 : vector<8x8xf32>
    %sub3A_363 = arith.subf %div3A_361, %mul3A_362 : vector<8x8xf32>
    %add3A_364 = arith.constant 9.99999997E-7 : f32
    %add3A_365 = vector.broadcast %add3A_364 : f32 to vector<8x8xf32>
    %add3A_366 = arith.addf %sub3A_363, %add3A_365 : vector<8x8xf32>
    %sqrt3A = math.sqrt %add3A_366 : vector<8x8xf32>
    %div3A_367 = arith.constant 4.096000e+03 : f32
    %div3A_368 = vector.broadcast %div3A_367 : f32 to vector<8x8xf32>
    %div3A_369 = arith.divf %dot_general3A_351, %div3A_368 : vector<8x8xf32>
    %div3A_370 = arith.constant 4.096000e+03 : f32
    %div3A_371 = vector.broadcast %div3A_370 : f32 to vector<8x8xf32>
    %div3A_372 = arith.divf %dot_general3A_355, %div3A_371 : vector<8x8xf32>
    %div3A_373 = arith.constant 4.096000e+03 : f32
    %div3A_374 = vector.broadcast %div3A_373 : f32 to vector<8x8xf32>
    %div3A_375 = arith.divf %dot_general3A_347, %div3A_374 : vector<8x8xf32>
    %mul3A_376 = arith.mulf %div3A_358, %div3A_375 : vector<8x8xf32>
    %sub3A_377 = arith.subf %div3A_372, %mul3A_376 : vector<8x8xf32>
    %mul3A_378 = arith.constant 2.000000e+00 : f32
    %mul3A_379 = vector.broadcast %mul3A_378 : f32 to vector<8x8xf32>
    %mul3A_380 = arith.mulf %mul3A_379, %sub3A_377 : vector<8x8xf32>
    %div3A_381 = arith.divf %mul3A_380, %sqrt3A : vector<8x8xf32>
    %sub3A_382 = arith.subf %div3A_369, %div3A_381 : vector<8x8xf32>
    %add3A_383 = arith.constant 9.99999997E-7 : f32
    %add3A_384 = vector.broadcast %add3A_383 : f32 to vector<8x8xf32>
    %add3A_385 = arith.addf %sub3A_363, %add3A_384 : vector<8x8xf32>
    %div3A_386 = arith.divf %sub3A_363, %add3A_385 : vector<8x8xf32>
    %add3A_387 = arith.addf %sub3A_382, %div3A_386 : vector<8x8xf32>
    %swap3A = arith.constant 0 : index
    %swap3A_388 = arith.constant 0 : index
    %swap3A_389 = arith.constant 0 : index
    %swap3A_390 = arith.constant 0 : index
    %swap3A_391 = vector.load %arg4[%swap3A, %swap3A_388, %swap3A_389, %swap3A_390] : memref<1x4x8x8xf32, #tpu.memory_space<vmem>>, vector<1x1x8x8xf32>
    %swap3A_392 = vector.shape_cast %swap3A_391 : vector<1x1x8x8xf32> to vector<8x8xf32>
    %swap3A_393 = vector.shape_cast %add3A_387 : vector<8x8xf32> to vector<1x1x8x8xf32>
    tpu.vector_store %arg4[%swap3A, %swap3A_388, %swap3A_389, %swap3A_390], %swap3A_393 {strides = array<i32>} : memref<1x4x8x8xf32, #tpu.memory_space<vmem>>, vector<1x1x8x8xf32>,
    %get3A_394 = arith.constant 0 : index
    %get3A_395 = arith.constant 16 : index
    %get3A_396 = arith.constant 0 : index
    %get3A_397 = arith.constant 0 : index
    %get3A_398 = vector.load %arg2[%get3A_394, %get3A_395, %get3A_396, %get3A_397] : memref<1x64x128x128xf32, #tpu.memory_space<vmem>>, vector<1x1x128x128xf32>
    %get3A_399 = vector.shape_cast %get3A_398 : vector<1x1x128x128xf32> to vector<128x128xf32>
    %get3A_400 = arith.constant 0 : index
    %get3A_401 = arith.constant 16 : index
    %get3A_402 = arith.constant 0 : index
    %get3A_403 = arith.constant 0 : index
    %get3A_404 = vector.load %arg3[%get3A_400, %get3A_401, %get3A_402, %get3A_403] : memref<1x64x128x128xf32, #tpu.memory_space<vmem>>, vector<1x1x128x128xf32>
    %get3A_405 = vector.shape_cast %get3A_404 : vector<1x1x128x128xf32> to vector<128x128xf32>
    %mul3A_406 = arith.mulf %get3A_399, %get3A_399 : vector<128x128xf32>
    %mul3A_407 = arith.mulf %get3A_405, %get3A_405 : vector<128x128xf32>
    %mul3A_408 = arith.mulf %get3A_399, %get3A_405 : vector<128x128xf32>
    %get3A_409 = arith.constant 0 : index
    %get3A_410 = arith.constant 17 : index
    %get3A_411 = arith.constant 0 : index
    %get3A_412 = arith.constant 0 : index
    %get3A_413 = vector.load %arg2[%get3A_409, %get3A_410, %get3A_411, %get3A_412] : memref<1x64x128x128xf32, #tpu.memory_space<vmem>>, vector<1x1x128x128xf32>
    %get3A_414 = vector.shape_cast %get3A_413 : vector<1x1x128x128xf32> to vector<128x128xf32>
    %get3A_415 = arith.constant 0 : index
    %get3A_416 = arith.constant 17 : index
    %get3A_417 = arith.constant 0 : index
    %get3A_418 = arith.constant 0 : index
    %get3A_419 = vector.load %arg3[%get3A_415, %get3A_416, %get3A_417, %get3A_418] : memref<1x64x128x128xf32, #tpu.memory_space<vmem>>, vector<1x1x128x128xf32>
    %get3A_420 = vector.shape_cast %get3A_419 : vector<1x1x128x128xf32> to vector<128x128xf32>
    %add3A_421 = arith.addf %get3A_399, %get3A_414 : vector<128x128xf32>
    %mul3A_422 = arith.mulf %get3A_414, %get3A_414 : vector<128x128xf32>
    %add3A_423 = arith.addf %mul3A_406, %mul3A_422 : vector<128x128xf32>
    %add3A_424 = arith.addf %get3A_405, %get3A_420 : vector<128x128xf32>
    %mul3A_425 = arith.mulf %get3A_420, %get3A_420 : vector<128x128xf32>
    %add3A_426 = arith.addf %mul3A_407, %mul3A_425 : vector<128x128xf32>
    %mul3A_427 = arith.mulf %get3A_414, %get3A_420 : vector<128x128xf32>
    %add3A_428 = arith.addf %mul3A_408, %mul3A_427 : vector<128x128xf32>
    %get3A_429 = arith.constant 0 : index
    %get3A_430 = arith.constant 18 : index
    %get3A_431 = arith.constant 0 : index
    %get3A_432 = arith.constant 0 : index
    %get3A_433 = vector.load %arg2[%get3A_429, %get3A_430, %get3A_431, %get3A_432] : memref<1x64x128x128xf32, #tpu.memory_space<vmem>>, vector<1x1x128x128xf32>
    %get3A_434 = vector.shape_cast %get3A_433 : vector<1x1x128x128xf32> to vector<128x128xf32>
    %get3A_435 = arith.constant 0 : index
    %get3A_436 = arith.constant 18 : index
    %get3A_437 = arith.constant 0 : index
    %get3A_438 = arith.constant 0 : index
    %get3A_439 = vector.load %arg3[%get3A_435, %get3A_436, %get3A_437, %get3A_438] : memref<1x64x128x128xf32, #tpu.memory_space<vmem>>, vector<1x1x128x128xf32>
    %get3A_440 = vector.shape_cast %get3A_439 : vector<1x1x128x128xf32> to vector<128x128xf32>
    %add3A_441 = arith.addf %add3A_421, %get3A_434 : vector<128x128xf32>
    %mul3A_442 = arith.mulf %get3A_434, %get3A_434 : vector<128x128xf32>
    %add3A_443 = arith.addf %add3A_423, %mul3A_442 : vector<128x128xf32>
    %add3A_444 = arith.addf %add3A_424, %get3A_440 : vector<128x128xf32>
    %mul3A_445 = arith.mulf %get3A_440, %get3A_440 : vector<128x128xf32>
    %add3A_446 = arith.addf %add3A_426, %mul3A_445 : vector<128x128xf32>
    %mul3A_447 = arith.mulf %get3A_434, %get3A_440 : vector<128x128xf32>
    %add3A_448 = arith.addf %add3A_428, %mul3A_447 : vector<128x128xf32>
    %get3A_449 = arith.constant 0 : index
    %get3A_450 = arith.constant 19 : index
    %get3A_451 = arith.constant 0 : index
    %get3A_452 = arith.constant 0 : index
    %get3A_453 = vector.load %arg2[%get3A_449, %get3A_450, %get3A_451, %get3A_452] : memref<1x64x128x128xf32, #tpu.memory_space<vmem>>, vector<1x1x128x128xf32>
    %get3A_454 = vector.shape_cast %get3A_453 : vector<1x1x128x128xf32> to vector<128x128xf32>
    %get3A_455 = arith.constant 0 : index
    %get3A_456 = arith.constant 19 : index
    %get3A_457 = arith.constant 0 : index
    %get3A_458 = arith.constant 0 : index
    %get3A_459 = vector.load %arg3[%get3A_455, %get3A_456, %get3A_457, %get3A_458] : memref<1x64x128x128xf32, #tpu.memory_space<vmem>>, vector<1x1x128x128xf32>
    %get3A_460 = vector.shape_cast %get3A_459 : vector<1x1x128x128xf32> to vector<128x128xf32>
    %add3A_461 = arith.addf %add3A_441, %get3A_454 : vector<128x128xf32>
    %mul3A_462 = arith.mulf %get3A_454, %get3A_454 : vector<128x128xf32>
    %add3A_463 = arith.addf %add3A_443, %mul3A_462 : vector<128x128xf32>
    %add3A_464 = arith.addf %add3A_444, %get3A_460 : vector<128x128xf32>
    %mul3A_465 = arith.mulf %get3A_460, %get3A_460 : vector<128x128xf32>
    %add3A_466 = arith.addf %add3A_446, %mul3A_465 : vector<128x128xf32>
    %mul3A_467 = arith.mulf %get3A_454, %get3A_460 : vector<128x128xf32>
    %add3A_468 = arith.addf %add3A_448, %mul3A_467 : vector<128x128xf32>
    %get3A_469 = arith.constant 0 : index
    %get3A_470 = arith.constant 20 : index
    %get3A_471 = arith.constant 0 : index
    %get3A_472 = arith.constant 0 : index
    %get3A_473 = vector.load %arg2[%get3A_469, %get3A_470, %get3A_471, %get3A_472] : memref<1x64x128x128xf32, #tpu.memory_space<vmem>>, vector<1x1x128x128xf32>
    %get3A_474 = vector.shape_cast %get3A_473 : vector<1x1x128x128xf32> to vector<128x128xf32>
    %get3A_475 = arith.constant 0 : index
    %get3A_476 = arith.constant 20 : index
    %get3A_477 = arith.constant 0 : index
    %get3A_478 = arith.constant 0 : index
    %get3A_479 = vector.load %arg3[%get3A_475, %get3A_476, %get3A_477, %get3A_478] : memref<1x64x128x128xf32, #tpu.memory_space<vmem>>, vector<1x1x128x128xf32>
    %get3A_480 = vector.shape_cast %get3A_479 : vector<1x1x128x128xf32> to vector<128x128xf32>
    %add3A_481 = arith.addf %add3A_461, %get3A_474 : vector<128x128xf32>
    %mul3A_482 = arith.mulf %get3A_474, %get3A_474 : vector<128x128xf32>
    %add3A_483 = arith.addf %add3A_463, %mul3A_482 : vector<128x128xf32>
    %add3A_484 = arith.addf %add3A_464, %get3A_480 : vector<128x128xf32>
    %mul3A_485 = arith.mulf %get3A_480, %get3A_480 : vector<128x128xf32>
    %add3A_486 = arith.addf %add3A_466, %mul3A_485 : vector<128x128xf32>
    %mul3A_487 = arith.mulf %get3A_474, %get3A_480 : vector<128x128xf32>
    %add3A_488 = arith.addf %add3A_468, %mul3A_487 : vector<128x128xf32>
    %get3A_489 = arith.constant 0 : index
    %get3A_490 = arith.constant 21 : index
    %get3A_491 = arith.constant 0 : index
    %get3A_492 = arith.constant 0 : index
    %get3A_493 = vector.load %arg2[%get3A_489, %get3A_490, %get3A_491, %get3A_492] : memref<1x64x128x128xf32, #tpu.memory_space<vmem>>, vector<1x1x128x128xf32>
    %get3A_494 = vector.shape_cast %get3A_493 : vector<1x1x128x128xf32> to vector<128x128xf32>
    %get3A_495 = arith.constant 0 : index
    %get3A_496 = arith.constant 21 : index
    %get3A_497 = arith.constant 0 : index
    %get3A_498 = arith.constant 0 : index
    %get3A_499 = vector.load %arg3[%get3A_495, %get3A_496, %get3A_497, %get3A_498] : memref<1x64x128x128xf32, #tpu.memory_space<vmem>>, vector<1x1x128x128xf32>
    %get3A_500 = vector.shape_cast %get3A_499 : vector<1x1x128x128xf32> to vector<128x128xf32>
    %add3A_501 = arith.addf %add3A_481, %get3A_494 : vector<128x128xf32>
    %mul3A_502 = arith.mulf %get3A_494, %get3A_494 : vector<128x128xf32>
    %add3A_503 = arith.addf %add3A_483, %mul3A_502 : vector<128x128xf32>
    %add3A_504 = arith.addf %add3A_484, %get3A_500 : vector<128x128xf32>
    %mul3A_505 = arith.mulf %get3A_500, %get3A_500 : vector<128x128xf32>
    %add3A_506 = arith.addf %add3A_486, %mul3A_505 : vector<128x128xf32>
    %mul3A_507 = arith.mulf %get3A_494, %get3A_500 : vector<128x128xf32>
    %add3A_508 = arith.addf %add3A_488, %mul3A_507 : vector<128x128xf32>
    %get3A_509 = arith.constant 0 : index
    %get3A_510 = arith.constant 22 : index
    %get3A_511 = arith.constant 0 : index
    %get3A_512 = arith.constant 0 : index
    %get3A_513 = vector.load %arg2[%get3A_509, %get3A_510, %get3A_511, %get3A_512] : memref<1x64x128x128xf32, #tpu.memory_space<vmem>>, vector<1x1x128x128xf32>
    %get3A_514 = vector.shape_cast %get3A_513 : vector<1x1x128x128xf32> to vector<128x128xf32>
    %get3A_515 = arith.constant 0 : index
    %get3A_516 = arith.constant 22 : index
    %get3A_517 = arith.constant 0 : index
    %get3A_518 = arith.constant 0 : index
    %get3A_519 = vector.load %arg3[%get3A_515, %get3A_516, %get3A_517, %get3A_518] : memref<1x64x128x128xf32, #tpu.memory_space<vmem>>, vector<1x1x128x128xf32>
    %get3A_520 = vector.shape_cast %get3A_519 : vector<1x1x128x128xf32> to vector<128x128xf32>
    %add3A_521 = arith.addf %add3A_501, %get3A_514 : vector<128x128xf32>
    %mul3A_522 = arith.mulf %get3A_514, %get3A_514 : vector<128x128xf32>
    %add3A_523 = arith.addf %add3A_503, %mul3A_522 : vector<128x128xf32>
    %add3A_524 = arith.addf %add3A_504, %get3A_520 : vector<128x128xf32>
    %mul3A_525 = arith.mulf %get3A_520, %get3A_520 : vector<128x128xf32>
    %add3A_526 = arith.addf %add3A_506, %mul3A_525 : vector<128x128xf32>
    %mul3A_527 = arith.mulf %get3A_514, %get3A_520 : vector<128x128xf32>
    %add3A_528 = arith.addf %add3A_508, %mul3A_527 : vector<128x128xf32>
    %get3A_529 = arith.constant 0 : index
    %get3A_530 = arith.constant 23 : index
    %get3A_531 = arith.constant 0 : index
    %get3A_532 = arith.constant 0 : index
    %get3A_533 = vector.load %arg2[%get3A_529, %get3A_530, %get3A_531, %get3A_532] : memref<1x64x128x128xf32, #tpu.memory_space<vmem>>, vector<1x1x128x128xf32>
    %get3A_534 = vector.shape_cast %get3A_533 : vector<1x1x128x128xf32> to vector<128x128xf32>
    %get3A_535 = arith.constant 0 : index
    %get3A_536 = arith.constant 23 : index
    %get3A_537 = arith.constant 0 : index
    %get3A_538 = arith.constant 0 : index
    %get3A_539 = vector.load %arg3[%get3A_535, %get3A_536, %get3A_537, %get3A_538] : memref<1x64x128x128xf32, #tpu.memory_space<vmem>>, vector<1x1x128x128xf32>
    %get3A_540 = vector.shape_cast %get3A_539 : vector<1x1x128x128xf32> to vector<128x128xf32>
    %add3A_541 = arith.addf %add3A_521, %get3A_534 : vector<128x128xf32>
    %mul3A_542 = arith.mulf %get3A_534, %get3A_534 : vector<128x128xf32>
    %add3A_543 = arith.addf %add3A_523, %mul3A_542 : vector<128x128xf32>
    %add3A_544 = arith.addf %add3A_524, %get3A_540 : vector<128x128xf32>
    %mul3A_545 = arith.mulf %get3A_540, %get3A_540 : vector<128x128xf32>
    %add3A_546 = arith.addf %add3A_526, %mul3A_545 : vector<128x128xf32>
    %mul3A_547 = arith.mulf %get3A_534, %get3A_540 : vector<128x128xf32>
    %add3A_548 = arith.addf %add3A_528, %mul3A_547 : vector<128x128xf32>
    %get3A_549 = arith.constant 0 : index
    %get3A_550 = arith.constant 24 : index
    %get3A_551 = arith.constant 0 : index
    %get3A_552 = arith.constant 0 : index
    %get3A_553 = vector.load %arg2[%get3A_549, %get3A_550, %get3A_551, %get3A_552] : memref<1x64x128x128xf32, #tpu.memory_space<vmem>>, vector<1x1x128x128xf32>
    %get3A_554 = vector.shape_cast %get3A_553 : vector<1x1x128x128xf32> to vector<128x128xf32>
    %get3A_555 = arith.constant 0 : index
    %get3A_556 = arith.constant 24 : index
    %get3A_557 = arith.constant 0 : index
    %get3A_558 = arith.constant 0 : index
    %get3A_559 = vector.load %arg3[%get3A_555, %get3A_556, %get3A_557, %get3A_558] : memref<1x64x128x128xf32, #tpu.memory_space<vmem>>, vector<1x1x128x128xf32>
    %get3A_560 = vector.shape_cast %get3A_559 : vector<1x1x128x128xf32> to vector<128x128xf32>
    %add3A_561 = arith.addf %add3A_541, %get3A_554 : vector<128x128xf32>
    %mul3A_562 = arith.mulf %get3A_554, %get3A_554 : vector<128x128xf32>
    %add3A_563 = arith.addf %add3A_543, %mul3A_562 : vector<128x128xf32>
    %add3A_564 = arith.addf %add3A_544, %get3A_560 : vector<128x128xf32>
    %mul3A_565 = arith.mulf %get3A_560, %get3A_560 : vector<128x128xf32>
    %add3A_566 = arith.addf %add3A_546, %mul3A_565 : vector<128x128xf32>
    %mul3A_567 = arith.mulf %get3A_554, %get3A_560 : vector<128x128xf32>
    %add3A_568 = arith.addf %add3A_548, %mul3A_567 : vector<128x128xf32>
    %get3A_569 = arith.constant 0 : index
    %get3A_570 = arith.constant 25 : index
    %get3A_571 = arith.constant 0 : index
    %get3A_572 = arith.constant 0 : index
    %get3A_573 = vector.load %arg2[%get3A_569, %get3A_570, %get3A_571, %get3A_572] : memref<1x64x128x128xf32, #tpu.memory_space<vmem>>, vector<1x1x128x128xf32>
    %get3A_574 = vector.shape_cast %get3A_573 : vector<1x1x128x128xf32> to vector<128x128xf32>
    %get3A_575 = arith.constant 0 : index
    %get3A_576 = arith.constant 25 : index
    %get3A_577 = arith.constant 0 : index
    %get3A_578 = arith.constant 0 : index
    %get3A_579 = vector.load %arg3[%get3A_575, %get3A_576, %get3A_577, %get3A_578] : memref<1x64x128x128xf32, #tpu.memory_space<vmem>>, vector<1x1x128x128xf32>
    %get3A_580 = vector.shape_cast %get3A_579 : vector<1x1x128x128xf32> to vector<128x128xf32>
    %add3A_581 = arith.addf %add3A_561, %get3A_574 : vector<128x128xf32>
    %mul3A_582 = arith.mulf %get3A_574, %get3A_574 : vector<128x128xf32>
    %add3A_583 = arith.addf %add3A_563, %mul3A_582 : vector<128x128xf32>
    %add3A_584 = arith.addf %add3A_564, %get3A_580 : vector<128x128xf32>
    %mul3A_585 = arith.mulf %get3A_580, %get3A_580 : vector<128x128xf32>
    %add3A_586 = arith.addf %add3A_566, %mul3A_585 : vector<128x128xf32>
    %mul3A_587 = arith.mulf %get3A_574, %get3A_580 : vector<128x128xf32>
    %add3A_588 = arith.addf %add3A_568, %mul3A_587 : vector<128x128xf32>
    %get3A_589 = arith.constant 0 : index
    %get3A_590 = arith.constant 26 : index
    %get3A_591 = arith.constant 0 : index
    %get3A_592 = arith.constant 0 : index
    %get3A_593 = vector.load %arg2[%get3A_589, %get3A_590, %get3A_591, %get3A_592] : memref<1x64x128x128xf32, #tpu.memory_space<vmem>>, vector<1x1x128x128xf32>
    %get3A_594 = vector.shape_cast %get3A_593 : vector<1x1x128x128xf32> to vector<128x128xf32>
    %get3A_595 = arith.constant 0 : index
    %get3A_596 = arith.constant 26 : index
    %get3A_597 = arith.constant 0 : index
    %get3A_598 = arith.constant 0 : index
    %get3A_599 = vector.load %arg3[%get3A_595, %get3A_596, %get3A_597, %get3A_598] : memref<1x64x128x128xf32, #tpu.memory_space<vmem>>, vector<1x1x128x128xf32>
    %get3A_600 = vector.shape_cast %get3A_599 : vector<1x1x128x128xf32> to vector<128x128xf32>
    %add3A_601 = arith.addf %add3A_581, %get3A_594 : vector<128x128xf32>
    %mul3A_602 = arith.mulf %get3A_594, %get3A_594 : vector<128x128xf32>
    %add3A_603 = arith.addf %add3A_583, %mul3A_602 : vector<128x128xf32>
    %add3A_604 = arith.addf %add3A_584, %get3A_600 : vector<128x128xf32>
    %mul3A_605 = arith.mulf %get3A_600, %get3A_600 : vector<128x128xf32>
    %add3A_606 = arith.addf %add3A_586, %mul3A_605 : vector<128x128xf32>
    %mul3A_607 = arith.mulf %get3A_594, %get3A_600 : vector<128x128xf32>
    %add3A_608 = arith.addf %add3A_588, %mul3A_607 : vector<128x128xf32>
    %get3A_609 = arith.constant 0 : index
    %get3A_610 = arith.constant 27 : index
    %get3A_611 = arith.constant 0 : index
    %get3A_612 = arith.constant 0 : index
    %get3A_613 = vector.load %arg2[%get3A_609, %get3A_610, %get3A_611, %get3A_612] : memref<1x64x128x128xf32, #tpu.memory_space<vmem>>, vector<1x1x128x128xf32>
    %get3A_614 = vector.shape_cast %get3A_613 : vector<1x1x128x128xf32> to vector<128x128xf32>
    %get3A_615 = arith.constant 0 : index
    %get3A_616 = arith.constant 27 : index
    %get3A_617 = arith.constant 0 : index
    %get3A_618 = arith.constant 0 : index
    %get3A_619 = vector.load %arg3[%get3A_615, %get3A_616, %get3A_617, %get3A_618] : memref<1x64x128x128xf32, #tpu.memory_space<vmem>>, vector<1x1x128x128xf32>
    %get3A_620 = vector.shape_cast %get3A_619 : vector<1x1x128x128xf32> to vector<128x128xf32>
    %add3A_621 = arith.addf %add3A_601, %get3A_614 : vector<128x128xf32>
    %mul3A_622 = arith.mulf %get3A_614, %get3A_614 : vector<128x128xf32>
    %add3A_623 = arith.addf %add3A_603, %mul3A_622 : vector<128x128xf32>
    %add3A_624 = arith.addf %add3A_604, %get3A_620 : vector<128x128xf32>
    %mul3A_625 = arith.mulf %get3A_620, %get3A_620 : vector<128x128xf32>
    %add3A_626 = arith.addf %add3A_606, %mul3A_625 : vector<128x128xf32>
    %mul3A_627 = arith.mulf %get3A_614, %get3A_620 : vector<128x128xf32>
    %add3A_628 = arith.addf %add3A_608, %mul3A_627 : vector<128x128xf32>
    %get3A_629 = arith.constant 0 : index
    %get3A_630 = arith.constant 28 : index
    %get3A_631 = arith.constant 0 : index
    %get3A_632 = arith.constant 0 : index
    %get3A_633 = vector.load %arg2[%get3A_629, %get3A_630, %get3A_631, %get3A_632] : memref<1x64x128x128xf32, #tpu.memory_space<vmem>>, vector<1x1x128x128xf32>
    %get3A_634 = vector.shape_cast %get3A_633 : vector<1x1x128x128xf32> to vector<128x128xf32>
    %get3A_635 = arith.constant 0 : index
    %get3A_636 = arith.constant 28 : index
    %get3A_637 = arith.constant 0 : index
    %get3A_638 = arith.constant 0 : index
    %get3A_639 = vector.load %arg3[%get3A_635, %get3A_636, %get3A_637, %get3A_638] : memref<1x64x128x128xf32, #tpu.memory_space<vmem>>, vector<1x1x128x128xf32>
    %get3A_640 = vector.shape_cast %get3A_639 : vector<1x1x128x128xf32> to vector<128x128xf32>
    %add3A_641 = arith.addf %add3A_621, %get3A_634 : vector<128x128xf32>
    %mul3A_642 = arith.mulf %get3A_634, %get3A_634 : vector<128x128xf32>
    %add3A_643 = arith.addf %add3A_623, %mul3A_642 : vector<128x128xf32>
    %add3A_644 = arith.addf %add3A_624, %get3A_640 : vector<128x128xf32>
    %mul3A_645 = arith.mulf %get3A_640, %get3A_640 : vector<128x128xf32>
    %add3A_646 = arith.addf %add3A_626, %mul3A_645 : vector<128x128xf32>
    %mul3A_647 = arith.mulf %get3A_634, %get3A_640 : vector<128x128xf32>
    %add3A_648 = arith.addf %add3A_628, %mul3A_647 : vector<128x128xf32>
    %get3A_649 = arith.constant 0 : index
    %get3A_650 = arith.constant 29 : index
    %get3A_651 = arith.constant 0 : index
    %get3A_652 = arith.constant 0 : index
    %get3A_653 = vector.load %arg2[%get3A_649, %get3A_650, %get3A_651, %get3A_652] : memref<1x64x128x128xf32, #tpu.memory_space<vmem>>, vector<1x1x128x128xf32>
    %get3A_654 = vector.shape_cast %get3A_653 : vector<1x1x128x128xf32> to vector<128x128xf32>
    %get3A_655 = arith.constant 0 : index
    %get3A_656 = arith.constant 29 : index
    %get3A_657 = arith.constant 0 : index
    %get3A_658 = arith.constant 0 : index
    %get3A_659 = vector.load %arg3[%get3A_655, %get3A_656, %get3A_657, %get3A_658] : memref<1x64x128x128xf32, #tpu.memory_space<vmem>>, vector<1x1x128x128xf32>
    %get3A_660 = vector.shape_cast %get3A_659 : vector<1x1x128x128xf32> to vector<128x128xf32>
    %add3A_661 = arith.addf %add3A_641, %get3A_654 : vector<128x128xf32>
    %mul3A_662 = arith.mulf %get3A_654, %get3A_654 : vector<128x128xf32>
    %add3A_663 = arith.addf %add3A_643, %mul3A_662 : vector<128x128xf32>
    %add3A_664 = arith.addf %add3A_644, %get3A_660 : vector<128x128xf32>
    %mul3A_665 = arith.mulf %get3A_660, %get3A_660 : vector<128x128xf32>
    %add3A_666 = arith.addf %add3A_646, %mul3A_665 : vector<128x128xf32>
    %mul3A_667 = arith.mulf %get3A_654, %get3A_660 : vector<128x128xf32>
    %add3A_668 = arith.addf %add3A_648, %mul3A_667 : vector<128x128xf32>
    %get3A_669 = arith.constant 0 : index
    %get3A_670 = arith.constant 30 : index
    %get3A_671 = arith.constant 0 : index
    %get3A_672 = arith.constant 0 : index
    %get3A_673 = vector.load %arg2[%get3A_669, %get3A_670, %get3A_671, %get3A_672] : memref<1x64x128x128xf32, #tpu.memory_space<vmem>>, vector<1x1x128x128xf32>
    %get3A_674 = vector.shape_cast %get3A_673 : vector<1x1x128x128xf32> to vector<128x128xf32>
    %get3A_675 = arith.constant 0 : index
    %get3A_676 = arith.constant 30 : index
    %get3A_677 = arith.constant 0 : index
    %get3A_678 = arith.constant 0 : index
    %get3A_679 = vector.load %arg3[%get3A_675, %get3A_676, %get3A_677, %get3A_678] : memref<1x64x128x128xf32, #tpu.memory_space<vmem>>, vector<1x1x128x128xf32>
    %get3A_680 = vector.shape_cast %get3A_679 : vector<1x1x128x128xf32> to vector<128x128xf32>
    %add3A_681 = arith.addf %add3A_661, %get3A_674 : vector<128x128xf32>
    %mul3A_682 = arith.mulf %get3A_674, %get3A_674 : vector<128x128xf32>
    %add3A_683 = arith.addf %add3A_663, %mul3A_682 : vector<128x128xf32>
    %add3A_684 = arith.addf %add3A_664, %get3A_680 : vector<128x128xf32>
    %mul3A_685 = arith.mulf %get3A_680, %get3A_680 : vector<128x128xf32>
    %add3A_686 = arith.addf %add3A_666, %mul3A_685 : vector<128x128xf32>
    %mul3A_687 = arith.mulf %get3A_674, %get3A_680 : vector<128x128xf32>
    %add3A_688 = arith.addf %add3A_668, %mul3A_687 : vector<128x128xf32>
    %get3A_689 = arith.constant 0 : index
    %get3A_690 = arith.constant 31 : index
    %get3A_691 = arith.constant 0 : index
    %get3A_692 = arith.constant 0 : index
    %get3A_693 = vector.load %arg2[%get3A_689, %get3A_690, %get3A_691, %get3A_692] : memref<1x64x128x128xf32, #tpu.memory_space<vmem>>, vector<1x1x128x128xf32>
    %get3A_694 = vector.shape_cast %get3A_693 : vector<1x1x128x128xf32> to vector<128x128xf32>
    %get3A_695 = arith.constant 0 : index
    %get3A_696 = arith.constant 31 : index
    %get3A_697 = arith.constant 0 : index
    %get3A_698 = arith.constant 0 : index
    %get3A_699 = vector.load %arg3[%get3A_695, %get3A_696, %get3A_697, %get3A_698] : memref<1x64x128x128xf32, #tpu.memory_space<vmem>>, vector<1x1x128x128xf32>
    %get3A_700 = vector.shape_cast %get3A_699 : vector<1x1x128x128xf32> to vector<128x128xf32>
    %add3A_701 = arith.addf %add3A_681, %get3A_694 : vector<128x128xf32>
    %mul3A_702 = arith.mulf %get3A_694, %get3A_694 : vector<128x128xf32>
    %add3A_703 = arith.addf %add3A_683, %mul3A_702 : vector<128x128xf32>
    %add3A_704 = arith.addf %add3A_684, %get3A_700 : vector<128x128xf32>
    %mul3A_705 = arith.mulf %get3A_700, %get3A_700 : vector<128x128xf32>
    %add3A_706 = arith.addf %add3A_686, %mul3A_705 : vector<128x128xf32>
    %mul3A_707 = arith.mulf %get3A_694, %get3A_700 : vector<128x128xf32>
    %add3A_708 = arith.addf %add3A_688, %mul3A_707 : vector<128x128xf32>
    %dot_general3A_709 = arith.constant dense<0.000000e+00> : vector<8x128xf32>
    %dot_general3A_710 = tpu.matmul %convert_element_type3A_24, %add3A_701, %dot_general3A_709 {dimension_numbers = #tpu.dot_dimension_numbers<[1], [0], [0], [1], [0, 0, 1, 1], [], []>, transpose_lhs_hint = false} : vector<8x128xf32>, vector<128x128xf32>, vector<8x128xf32> -> vector<8x128xf32>
    %dot_general3A_711 = arith.constant dense<0.000000e+00> : vector<8x8xf32>
    %dot_general3A_712 = tpu.matmul %dot_general3A_710, %transpose3A, %dot_general3A_711 {dimension_numbers = #tpu.dot_dimension_numbers<[1], [0], [0], [1], [0, 0, 1, 1], [], []>, transpose_lhs_hint = false} : vector<8x128xf32>, vector<128x8xf32>, vector<8x8xf32> -> vector<8x8xf32>
    %dot_general3A_713 = arith.constant dense<0.000000e+00> : vector<8x128xf32>
    %dot_general3A_714 = tpu.matmul %convert_element_type3A_24, %add3A_703, %dot_general3A_713 {dimension_numbers = #tpu.dot_dimension_numbers<[1], [0], [0], [1], [0, 0, 1, 1], [], []>, transpose_lhs_hint = false} : vector<8x128xf32>, vector<128x128xf32>, vector<8x128xf32> -> vector<8x128xf32>
    %dot_general3A_715 = arith.constant dense<0.000000e+00> : vector<8x8xf32>
    %dot_general3A_716 = tpu.matmul %dot_general3A_714, %transpose3A, %dot_general3A_715 {dimension_numbers = #tpu.dot_dimension_numbers<[1], [0], [0], [1], [0, 0, 1, 1], [], []>, transpose_lhs_hint = false} : vector<8x128xf32>, vector<128x8xf32>, vector<8x8xf32> -> vector<8x8xf32>
    %dot_general3A_717 = arith.constant dense<0.000000e+00> : vector<8x128xf32>
    %dot_general3A_718 = tpu.matmul %convert_element_type3A_24, %add3A_704, %dot_general3A_717 {dimension_numbers = #tpu.dot_dimension_numbers<[1], [0], [0], [1], [0, 0, 1, 1], [], []>, transpose_lhs_hint = false} : vector<8x128xf32>, vector<128x128xf32>, vector<8x128xf32> -> vector<8x128xf32>
    %dot_general3A_719 = arith.constant dense<0.000000e+00> : vector<8x8xf32>
    %dot_general3A_720 = tpu.matmul %dot_general3A_718, %transpose3A, %dot_general3A_719 {dimension_numbers = #tpu.dot_dimension_numbers<[1], [0], [0], [1], [0, 0, 1, 1], [], []>, transpose_lhs_hint = false} : vector<8x128xf32>, vector<128x8xf32>, vector<8x8xf32> -> vector<8x8xf32>
    %dot_general3A_721 = arith.constant dense<0.000000e+00> : vector<8x128xf32>
    %dot_general3A_722 = tpu.matmul %convert_element_type3A_24, %add3A_706, %dot_general3A_721 {dimension_numbers = #tpu.dot_dimension_numbers<[1], [0], [0], [1], [0, 0, 1, 1], [], []>, transpose_lhs_hint = false} : vector<8x128xf32>, vector<128x128xf32>, vector<8x128xf32> -> vector<8x128xf32>
    %dot_general3A_723 = arith.constant dense<0.000000e+00> : vector<8x8xf32>
    %dot_general3A_724 = tpu.matmul %dot_general3A_722, %transpose3A, %dot_general3A_723 {dimension_numbers = #tpu.dot_dimension_numbers<[1], [0], [0], [1], [0, 0, 1, 1], [], []>, transpose_lhs_hint = false} : vector<8x128xf32>, vector<128x8xf32>, vector<8x8xf32> -> vector<8x8xf32>
    %dot_general3A_725 = arith.constant dense<0.000000e+00> : vector<8x128xf32>
    %dot_general3A_726 = tpu.matmul %convert_element_type3A_24, %add3A_708, %dot_general3A_725 {dimension_numbers = #tpu.dot_dimension_numbers<[1], [0], [0], [1], [0, 0, 1, 1], [], []>, transpose_lhs_hint = false} : vector<8x128xf32>, vector<128x128xf32>, vector<8x128xf32> -> vector<8x128xf32>
    %dot_general3A_727 = arith.constant dense<0.000000e+00> : vector<8x8xf32>
    %dot_general3A_728 = tpu.matmul %dot_general3A_726, %transpose3A, %dot_general3A_727 {dimension_numbers = #tpu.dot_dimension_numbers<[1], [0], [0], [1], [0, 0, 1, 1], [], []>, transpose_lhs_hint = false} : vector<8x128xf32>, vector<128x8xf32>, vector<8x8xf32> -> vector<8x8xf32>
    %div3A_729 = arith.constant 4.096000e+03 : f32
    %div3A_730 = vector.broadcast %div3A_729 : f32 to vector<8x8xf32>
    %div3A_731 = arith.divf %dot_general3A_712, %div3A_730 : vector<8x8xf32>
    %div3A_732 = arith.constant 4.096000e+03 : f32
    %div3A_733 = vector.broadcast %div3A_732 : f32 to vector<8x8xf32>
    %div3A_734 = arith.divf %dot_general3A_716, %div3A_733 : vector<8x8xf32>
    %mul3A_735 = arith.mulf %div3A_731, %div3A_731 : vector<8x8xf32>
    %sub3A_736 = arith.subf %div3A_734, %mul3A_735 : vector<8x8xf32>
    %add3A_737 = arith.constant 9.99999997E-7 : f32
    %add3A_738 = vector.broadcast %add3A_737 : f32 to vector<8x8xf32>
    %add3A_739 = arith.addf %sub3A_736, %add3A_738 : vector<8x8xf32>
    %sqrt3A_740 = math.sqrt %add3A_739 : vector<8x8xf32>
    %div3A_741 = arith.constant 4.096000e+03 : f32
    %div3A_742 = vector.broadcast %div3A_741 : f32 to vector<8x8xf32>
    %div3A_743 = arith.divf %dot_general3A_724, %div3A_742 : vector<8x8xf32>
    %div3A_744 = arith.constant 4.096000e+03 : f32
    %div3A_745 = vector.broadcast %div3A_744 : f32 to vector<8x8xf32>
    %div3A_746 = arith.divf %dot_general3A_728, %div3A_745 : vector<8x8xf32>
    %div3A_747 = arith.constant 4.096000e+03 : f32
    %div3A_748 = vector.broadcast %div3A_747 : f32 to vector<8x8xf32>
    %div3A_749 = arith.divf %dot_general3A_720, %div3A_748 : vector<8x8xf32>
    %mul3A_750 = arith.mulf %div3A_731, %div3A_749 : vector<8x8xf32>
    %sub3A_751 = arith.subf %div3A_746, %mul3A_750 : vector<8x8xf32>
    %mul3A_752 = arith.constant 2.000000e+00 : f32
    %mul3A_753 = vector.broadcast %mul3A_752 : f32 to vector<8x8xf32>
    %mul3A_754 = arith.mulf %mul3A_753, %sub3A_751 : vector<8x8xf32>
    %div3A_755 = arith.divf %mul3A_754, %sqrt3A_740 : vector<8x8xf32>
    %sub3A_756 = arith.subf %div3A_743, %div3A_755 : vector<8x8xf32>
    %add3A_757 = arith.constant 9.99999997E-7 : f32
    %add3A_758 = vector.broadcast %add3A_757 : f32 to vector<8x8xf32>
    %add3A_759 = arith.addf %sub3A_736, %add3A_758 : vector<8x8xf32>
    %div3A_760 = arith.divf %sub3A_736, %add3A_759 : vector<8x8xf32>
    %add3A_761 = arith.addf %sub3A_756, %div3A_760 : vector<8x8xf32>
    %swap3A_762 = arith.constant 0 : index
    %swap3A_763 = arith.constant 1 : index
    %swap3A_764 = arith.constant 0 : index
    %swap3A_765 = arith.constant 0 : index
    %swap3A_766 = vector.load %arg4[%swap3A_762, %swap3A_763, %swap3A_764, %swap3A_765] : memref<1x4x8x8xf32, #tpu.memory_space<vmem>>, vector<1x1x8x8xf32>
    %swap3A_767 = vector.shape_cast %swap3A_766 : vector<1x1x8x8xf32> to vector<8x8xf32>
    %swap3A_768 = vector.shape_cast %add3A_761 : vector<8x8xf32> to vector<1x1x8x8xf32>
    tpu.vector_store %arg4[%swap3A_762, %swap3A_763, %swap3A_764, %swap3A_765], %swap3A_768 {strides = array<i32>} : memref<1x4x8x8xf32, #tpu.memory_space<vmem>>, vector<1x1x8x8xf32>,
    %get3A_769 = arith.constant 0 : index
    %get3A_770 = arith.constant 32 : index
    %get3A_771 = arith.constant 0 : index
    %get3A_772 = arith.constant 0 : index
    %get3A_773 = vector.load %arg2[%get3A_769, %get3A_770, %get3A_771, %get3A_772] : memref<1x64x128x128xf32, #tpu.memory_space<vmem>>, vector<1x1x128x128xf32>
    %get3A_774 = vector.shape_cast %get3A_773 : vector<1x1x128x128xf32> to vector<128x128xf32>
    %get3A_775 = arith.constant 0 : index
    %get3A_776 = arith.constant 32 : index
    %get3A_777 = arith.constant 0 : index
    %get3A_778 = arith.constant 0 : index
    %get3A_779 = vector.load %arg3[%get3A_775, %get3A_776, %get3A_777, %get3A_778] : memref<1x64x128x128xf32, #tpu.memory_space<vmem>>, vector<1x1x128x128xf32>
    %get3A_780 = vector.shape_cast %get3A_779 : vector<1x1x128x128xf32> to vector<128x128xf32>
    %mul3A_781 = arith.mulf %get3A_774, %get3A_774 : vector<128x128xf32>
    %mul3A_782 = arith.mulf %get3A_780, %get3A_780 : vector<128x128xf32>
    %mul3A_783 = arith.mulf %get3A_774, %get3A_780 : vector<128x128xf32>
    %get3A_784 = arith.constant 0 : index
    %get3A_785 = arith.constant 33 : index
    %get3A_786 = arith.constant 0 : index
    %get3A_787 = arith.constant 0 : index
    %get3A_788 = vector.load %arg2[%get3A_784, %get3A_785, %get3A_786, %get3A_787] : memref<1x64x128x128xf32, #tpu.memory_space<vmem>>, vector<1x1x128x128xf32>
    %get3A_789 = vector.shape_cast %get3A_788 : vector<1x1x128x128xf32> to vector<128x128xf32>
    %get3A_790 = arith.constant 0 : index
    %get3A_791 = arith.constant 33 : index
    %get3A_792 = arith.constant 0 : index
    %get3A_793 = arith.constant 0 : index
    %get3A_794 = vector.load %arg3[%get3A_790, %get3A_791, %get3A_792, %get3A_793] : memref<1x64x128x128xf32, #tpu.memory_space<vmem>>, vector<1x1x128x128xf32>
    %get3A_795 = vector.shape_cast %get3A_794 : vector<1x1x128x128xf32> to vector<128x128xf32>
    %add3A_796 = arith.addf %get3A_774, %get3A_789 : vector<128x128xf32>
    %mul3A_797 = arith.mulf %get3A_789, %get3A_789 : vector<128x128xf32>
    %add3A_798 = arith.addf %mul3A_781, %mul3A_797 : vector<128x128xf32>
    %add3A_799 = arith.addf %get3A_780, %get3A_795 : vector<128x128xf32>
    %mul3A_800 = arith.mulf %get3A_795, %get3A_795 : vector<128x128xf32>
    %add3A_801 = arith.addf %mul3A_782, %mul3A_800 : vector<128x128xf32>
    %mul3A_802 = arith.mulf %get3A_789, %get3A_795 : vector<128x128xf32>
    %add3A_803 = arith.addf %mul3A_783, %mul3A_802 : vector<128x128xf32>
    %get3A_804 = arith.constant 0 : index
    %get3A_805 = arith.constant 34 : index
    %get3A_806 = arith.constant 0 : index
    %get3A_807 = arith.constant 0 : index
    %get3A_808 = vector.load %arg2[%get3A_804, %get3A_805, %get3A_806, %get3A_807] : memref<1x64x128x128xf32, #tpu.memory_space<vmem>>, vector<1x1x128x128xf32>
    %get3A_809 = vector.shape_cast %get3A_808 : vector<1x1x128x128xf32> to vector<128x128xf32>
    %get3A_810 = arith.constant 0 : index
    %get3A_811 = arith.constant 34 : index
    %get3A_812 = arith.constant 0 : index
    %get3A_813 = arith.constant 0 : index
    %get3A_814 = vector.load %arg3[%get3A_810, %get3A_811, %get3A_812, %get3A_813] : memref<1x64x128x128xf32, #tpu.memory_space<vmem>>, vector<1x1x128x128xf32>
    %get3A_815 = vector.shape_cast %get3A_814 : vector<1x1x128x128xf32> to vector<128x128xf32>
    %add3A_816 = arith.addf %add3A_796, %get3A_809 : vector<128x128xf32>
    %mul3A_817 = arith.mulf %get3A_809, %get3A_809 : vector<128x128xf32>
    %add3A_818 = arith.addf %add3A_798, %mul3A_817 : vector<128x128xf32>
    %add3A_819 = arith.addf %add3A_799, %get3A_815 : vector<128x128xf32>
    %mul3A_820 = arith.mulf %get3A_815, %get3A_815 : vector<128x128xf32>
    %add3A_821 = arith.addf %add3A_801, %mul3A_820 : vector<128x128xf32>
    %mul3A_822 = arith.mulf %get3A_809, %get3A_815 : vector<128x128xf32>
    %add3A_823 = arith.addf %add3A_803, %mul3A_822 : vector<128x128xf32>
    %get3A_824 = arith.constant 0 : index
    %get3A_825 = arith.constant 35 : index
    %get3A_826 = arith.constant 0 : index
    %get3A_827 = arith.constant 0 : index
    %get3A_828 = vector.load %arg2[%get3A_824, %get3A_825, %get3A_826, %get3A_827] : memref<1x64x128x128xf32, #tpu.memory_space<vmem>>, vector<1x1x128x128xf32>
    %get3A_829 = vector.shape_cast %get3A_828 : vector<1x1x128x128xf32> to vector<128x128xf32>
    %get3A_830 = arith.constant 0 : index
    %get3A_831 = arith.constant 35 : index
    %get3A_832 = arith.constant 0 : index
    %get3A_833 = arith.constant 0 : index
    %get3A_834 = vector.load %arg3[%get3A_830, %get3A_831, %get3A_832, %get3A_833] : memref<1x64x128x128xf32, #tpu.memory_space<vmem>>, vector<1x1x128x128xf32>
    %get3A_835 = vector.shape_cast %get3A_834 : vector<1x1x128x128xf32> to vector<128x128xf32>
    %add3A_836 = arith.addf %add3A_816, %get3A_829 : vector<128x128xf32>
    %mul3A_837 = arith.mulf %get3A_829, %get3A_829 : vector<128x128xf32>
    %add3A_838 = arith.addf %add3A_818, %mul3A_837 : vector<128x128xf32>
    %add3A_839 = arith.addf %add3A_819, %get3A_835 : vector<128x128xf32>
    %mul3A_840 = arith.mulf %get3A_835, %get3A_835 : vector<128x128xf32>
    %add3A_841 = arith.addf %add3A_821, %mul3A_840 : vector<128x128xf32>
    %mul3A_842 = arith.mulf %get3A_829, %get3A_835 : vector<128x128xf32>
    %add3A_843 = arith.addf %add3A_823, %mul3A_842 : vector<128x128xf32>
    %get3A_844 = arith.constant 0 : index
    %get3A_845 = arith.constant 36 : index
    %get3A_846 = arith.constant 0 : index
    %get3A_847 = arith.constant 0 : index
    %get3A_848 = vector.load %arg2[%get3A_844, %get3A_845, %get3A_846, %get3A_847] : memref<1x64x128x128xf32, #tpu.memory_space<vmem>>, vector<1x1x128x128xf32>
    %get3A_849 = vector.shape_cast %get3A_848 : vector<1x1x128x128xf32> to vector<128x128xf32>
    %get3A_850 = arith.constant 0 : index
    %get3A_851 = arith.constant 36 : index
    %get3A_852 = arith.constant 0 : index
    %get3A_853 = arith.constant 0 : index
    %get3A_854 = vector.load %arg3[%get3A_850, %get3A_851, %get3A_852, %get3A_853] : memref<1x64x128x128xf32, #tpu.memory_space<vmem>>, vector<1x1x128x128xf32>
    %get3A_855 = vector.shape_cast %get3A_854 : vector<1x1x128x128xf32> to vector<128x128xf32>
    %add3A_856 = arith.addf %add3A_836, %get3A_849 : vector<128x128xf32>
    %mul3A_857 = arith.mulf %get3A_849, %get3A_849 : vector<128x128xf32>
    %add3A_858 = arith.addf %add3A_838, %mul3A_857 : vector<128x128xf32>
    %add3A_859 = arith.addf %add3A_839, %get3A_855 : vector<128x128xf32>
    %mul3A_860 = arith.mulf %get3A_855, %get3A_855 : vector<128x128xf32>
    %add3A_861 = arith.addf %add3A_841, %mul3A_860 : vector<128x128xf32>
    %mul3A_862 = arith.mulf %get3A_849, %get3A_855 : vector<128x128xf32>
    %add3A_863 = arith.addf %add3A_843, %mul3A_862 : vector<128x128xf32>
    %get3A_864 = arith.constant 0 : index
    %get3A_865 = arith.constant 37 : index
    %get3A_866 = arith.constant 0 : index
    %get3A_867 = arith.constant 0 : index
    %get3A_868 = vector.load %arg2[%get3A_864, %get3A_865, %get3A_866, %get3A_867] : memref<1x64x128x128xf32, #tpu.memory_space<vmem>>, vector<1x1x128x128xf32>
    %get3A_869 = vector.shape_cast %get3A_868 : vector<1x1x128x128xf32> to vector<128x128xf32>
    %get3A_870 = arith.constant 0 : index
    %get3A_871 = arith.constant 37 : index
    %get3A_872 = arith.constant 0 : index
    %get3A_873 = arith.constant 0 : index
    %get3A_874 = vector.load %arg3[%get3A_870, %get3A_871, %get3A_872, %get3A_873] : memref<1x64x128x128xf32, #tpu.memory_space<vmem>>, vector<1x1x128x128xf32>
    %get3A_875 = vector.shape_cast %get3A_874 : vector<1x1x128x128xf32> to vector<128x128xf32>
    %add3A_876 = arith.addf %add3A_856, %get3A_869 : vector<128x128xf32>
    %mul3A_877 = arith.mulf %get3A_869, %get3A_869 : vector<128x128xf32>
    %add3A_878 = arith.addf %add3A_858, %mul3A_877 : vector<128x128xf32>
    %add3A_879 = arith.addf %add3A_859, %get3A_875 : vector<128x128xf32>
    %mul3A_880 = arith.mulf %get3A_875, %get3A_875 : vector<128x128xf32>
    %add3A_881 = arith.addf %add3A_861, %mul3A_880 : vector<128x128xf32>
    %mul3A_882 = arith.mulf %get3A_869, %get3A_875 : vector<128x128xf32>
    %add3A_883 = arith.addf %add3A_863, %mul3A_882 : vector<128x128xf32>
    %get3A_884 = arith.constant 0 : index
    %get3A_885 = arith.constant 38 : index
    %get3A_886 = arith.constant 0 : index
    %get3A_887 = arith.constant 0 : index
    %get3A_888 = vector.load %arg2[%get3A_884, %get3A_885, %get3A_886, %get3A_887] : memref<1x64x128x128xf32, #tpu.memory_space<vmem>>, vector<1x1x128x128xf32>
    %get3A_889 = vector.shape_cast %get3A_888 : vector<1x1x128x128xf32> to vector<128x128xf32>
    %get3A_890 = arith.constant 0 : index
    %get3A_891 = arith.constant 38 : index
    %get3A_892 = arith.constant 0 : index
    %get3A_893 = arith.constant 0 : index
    %get3A_894 = vector.load %arg3[%get3A_890, %get3A_891, %get3A_892, %get3A_893] : memref<1x64x128x128xf32, #tpu.memory_space<vmem>>, vector<1x1x128x128xf32>
    %get3A_895 = vector.shape_cast %get3A_894 : vector<1x1x128x128xf32> to vector<128x128xf32>
    %add3A_896 = arith.addf %add3A_876, %get3A_889 : vector<128x128xf32>
    %mul3A_897 = arith.mulf %get3A_889, %get3A_889 : vector<128x128xf32>
    %add3A_898 = arith.addf %add3A_878, %mul3A_897 : vector<128x128xf32>
    %add3A_899 = arith.addf %add3A_879, %get3A_895 : vector<128x128xf32>
    %mul3A_900 = arith.mulf %get3A_895, %get3A_895 : vector<128x128xf32>
    %add3A_901 = arith.addf %add3A_881, %mul3A_900 : vector<128x128xf32>
    %mul3A_902 = arith.mulf %get3A_889, %get3A_895 : vector<128x128xf32>
    %add3A_903 = arith.addf %add3A_883, %mul3A_902 : vector<128x128xf32>
    %get3A_904 = arith.constant 0 : index
    %get3A_905 = arith.constant 39 : index
    %get3A_906 = arith.constant 0 : index
    %get3A_907 = arith.constant 0 : index
    %get3A_908 = vector.load %arg2[%get3A_904, %get3A_905, %get3A_906, %get3A_907] : memref<1x64x128x128xf32, #tpu.memory_space<vmem>>, vector<1x1x128x128xf32>
    %get3A_909 = vector.shape_cast %get3A_908 : vector<1x1x128x128xf32> to vector<128x128xf32>
    %get3A_910 = arith.constant 0 : index
    %get3A_911 = arith.constant 39 : index
    %get3A_912 = arith.constant 0 : index
    %get3A_913 = arith.constant 0 : index
    %get3A_914 = vector.load %arg3[%get3A_910, %get3A_911, %get3A_912, %get3A_913] : memref<1x64x128x128xf32, #tpu.memory_space<vmem>>, vector<1x1x128x128xf32>
    %get3A_915 = vector.shape_cast %get3A_914 : vector<1x1x128x128xf32> to vector<128x128xf32>
    %add3A_916 = arith.addf %add3A_896, %get3A_909 : vector<128x128xf32>
    %mul3A_917 = arith.mulf %get3A_909, %get3A_909 : vector<128x128xf32>
    %add3A_918 = arith.addf %add3A_898, %mul3A_917 : vector<128x128xf32>
    %add3A_919 = arith.addf %add3A_899, %get3A_915 : vector<128x128xf32>
    %mul3A_920 = arith.mulf %get3A_915, %get3A_915 : vector<128x128xf32>
    %add3A_921 = arith.addf %add3A_901, %mul3A_920 : vector<128x128xf32>
    %mul3A_922 = arith.mulf %get3A_909, %get3A_915 : vector<128x128xf32>
    %add3A_923 = arith.addf %add3A_903, %mul3A_922 : vector<128x128xf32>
    %get3A_924 = arith.constant 0 : index
    %get3A_925 = arith.constant 40 : index
    %get3A_926 = arith.constant 0 : index
    %get3A_927 = arith.constant 0 : index
    %get3A_928 = vector.load %arg2[%get3A_924, %get3A_925, %get3A_926, %get3A_927] : memref<1x64x128x128xf32, #tpu.memory_space<vmem>>, vector<1x1x128x128xf32>
    %get3A_929 = vector.shape_cast %get3A_928 : vector<1x1x128x128xf32> to vector<128x128xf32>
    %get3A_930 = arith.constant 0 : index
    %get3A_931 = arith.constant 40 : index
    %get3A_932 = arith.constant 0 : index
    %get3A_933 = arith.constant 0 : index
    %get3A_934 = vector.load %arg3[%get3A_930, %get3A_931, %get3A_932, %get3A_933] : memref<1x64x128x128xf32, #tpu.memory_space<vmem>>, vector<1x1x128x128xf32>
    %get3A_935 = vector.shape_cast %get3A_934 : vector<1x1x128x128xf32> to vector<128x128xf32>
    %add3A_936 = arith.addf %add3A_916, %get3A_929 : vector<128x128xf32>
    %mul3A_937 = arith.mulf %get3A_929, %get3A_929 : vector<128x128xf32>
    %add3A_938 = arith.addf %add3A_918, %mul3A_937 : vector<128x128xf32>
    %add3A_939 = arith.addf %add3A_919, %get3A_935 : vector<128x128xf32>
    %mul3A_940 = arith.mulf %get3A_935, %get3A_935 : vector<128x128xf32>
    %add3A_941 = arith.addf %add3A_921, %mul3A_940 : vector<128x128xf32>
    %mul3A_942 = arith.mulf %get3A_929, %get3A_935 : vector<128x128xf32>
    %add3A_943 = arith.addf %add3A_923, %mul3A_942 : vector<128x128xf32>
    %get3A_944 = arith.constant 0 : index
    %get3A_945 = arith.constant 41 : index
    %get3A_946 = arith.constant 0 : index
    %get3A_947 = arith.constant 0 : index
    %get3A_948 = vector.load %arg2[%get3A_944, %get3A_945, %get3A_946, %get3A_947] : memref<1x64x128x128xf32, #tpu.memory_space<vmem>>, vector<1x1x128x128xf32>
    %get3A_949 = vector.shape_cast %get3A_948 : vector<1x1x128x128xf32> to vector<128x128xf32>
    %get3A_950 = arith.constant 0 : index
    %get3A_951 = arith.constant 41 : index
    %get3A_952 = arith.constant 0 : index
    %get3A_953 = arith.constant 0 : index
    %get3A_954 = vector.load %arg3[%get3A_950, %get3A_951, %get3A_952, %get3A_953] : memref<1x64x128x128xf32, #tpu.memory_space<vmem>>, vector<1x1x128x128xf32>
    %get3A_955 = vector.shape_cast %get3A_954 : vector<1x1x128x128xf32> to vector<128x128xf32>
    %add3A_956 = arith.addf %add3A_936, %get3A_949 : vector<128x128xf32>
    %mul3A_957 = arith.mulf %get3A_949, %get3A_949 : vector<128x128xf32>
    %add3A_958 = arith.addf %add3A_938, %mul3A_957 : vector<128x128xf32>
    %add3A_959 = arith.addf %add3A_939, %get3A_955 : vector<128x128xf32>
    %mul3A_960 = arith.mulf %get3A_955, %get3A_955 : vector<128x128xf32>
    %add3A_961 = arith.addf %add3A_941, %mul3A_960 : vector<128x128xf32>
    %mul3A_962 = arith.mulf %get3A_949, %get3A_955 : vector<128x128xf32>
    %add3A_963 = arith.addf %add3A_943, %mul3A_962 : vector<128x128xf32>
    %get3A_964 = arith.constant 0 : index
    %get3A_965 = arith.constant 42 : index
    %get3A_966 = arith.constant 0 : index
    %get3A_967 = arith.constant 0 : index
    %get3A_968 = vector.load %arg2[%get3A_964, %get3A_965, %get3A_966, %get3A_967] : memref<1x64x128x128xf32, #tpu.memory_space<vmem>>, vector<1x1x128x128xf32>
    %get3A_969 = vector.shape_cast %get3A_968 : vector<1x1x128x128xf32> to vector<128x128xf32>
    %get3A_970 = arith.constant 0 : index
    %get3A_971 = arith.constant 42 : index
    %get3A_972 = arith.constant 0 : index
    %get3A_973 = arith.constant 0 : index
    %get3A_974 = vector.load %arg3[%get3A_970, %get3A_971, %get3A_972, %get3A_973] : memref<1x64x128x128xf32, #tpu.memory_space<vmem>>, vector<1x1x128x128xf32>
    %get3A_975 = vector.shape_cast %get3A_974 : vector<1x1x128x128xf32> to vector<128x128xf32>
    %add3A_976 = arith.addf %add3A_956, %get3A_969 : vector<128x128xf32>
    %mul3A_977 = arith.mulf %get3A_969, %get3A_969 : vector<128x128xf32>
    %add3A_978 = arith.addf %add3A_958, %mul3A_977 : vector<128x128xf32>
    %add3A_979 = arith.addf %add3A_959, %get3A_975 : vector<128x128xf32>
    %mul3A_980 = arith.mulf %get3A_975, %get3A_975 : vector<128x128xf32>
    %add3A_981 = arith.addf %add3A_961, %mul3A_980 : vector<128x128xf32>
    %mul3A_982 = arith.mulf %get3A_969, %get3A_975 : vector<128x128xf32>
    %add3A_983 = arith.addf %add3A_963, %mul3A_982 : vector<128x128xf32>
    %get3A_984 = arith.constant 0 : index
    %get3A_985 = arith.constant 43 : index
    %get3A_986 = arith.constant 0 : index
    %get3A_987 = arith.constant 0 : index
    %get3A_988 = vector.load %arg2[%get3A_984, %get3A_985, %get3A_986, %get3A_987] : memref<1x64x128x128xf32, #tpu.memory_space<vmem>>, vector<1x1x128x128xf32>
    %get3A_989 = vector.shape_cast %get3A_988 : vector<1x1x128x128xf32> to vector<128x128xf32>
    %get3A_990 = arith.constant 0 : index
    %get3A_991 = arith.constant 43 : index
    %get3A_992 = arith.constant 0 : index
    %get3A_993 = arith.constant 0 : index
    %get3A_994 = vector.load %arg3[%get3A_990, %get3A_991, %get3A_992, %get3A_993] : memref<1x64x128x128xf32, #tpu.memory_space<vmem>>, vector<1x1x128x128xf32>
    %get3A_995 = vector.shape_cast %get3A_994 : vector<1x1x128x128xf32> to vector<128x128xf32>
    %add3A_996 = arith.addf %add3A_976, %get3A_989 : vector<128x128xf32>
    %mul3A_997 = arith.mulf %get3A_989, %get3A_989 : vector<128x128xf32>
    %add3A_998 = arith.addf %add3A_978, %mul3A_997 : vector<128x128xf32>
    %add3A_999 = arith.addf %add3A_979, %get3A_995 : vector<128x128xf32>
    %mul3A_1000 = arith.mulf %get3A_995, %get3A_995 : vector<128x128xf32>
    %add3A_1001 = arith.addf %add3A_981, %mul3A_1000 : vector<128x128xf32>
    %mul3A_1002 = arith.mulf %get3A_989, %get3A_995 : vector<128x128xf32>
    %add3A_1003 = arith.addf %add3A_983, %mul3A_1002 : vector<128x128xf32>
    %get3A_1004 = arith.constant 0 : index
    %get3A_1005 = arith.constant 44 : index
    %get3A_1006 = arith.constant 0 : index
    %get3A_1007 = arith.constant 0 : index
    %get3A_1008 = vector.load %arg2[%get3A_1004, %get3A_1005, %get3A_1006, %get3A_1007] : memref<1x64x128x128xf32, #tpu.memory_space<vmem>>, vector<1x1x128x128xf32>
    %get3A_1009 = vector.shape_cast %get3A_1008 : vector<1x1x128x128xf32> to vector<128x128xf32>
    %get3A_1010 = arith.constant 0 : index
    %get3A_1011 = arith.constant 44 : index
    %get3A_1012 = arith.constant 0 : index
    %get3A_1013 = arith.constant 0 : index
    %get3A_1014 = vector.load %arg3[%get3A_1010, %get3A_1011, %get3A_1012, %get3A_1013] : memref<1x64x128x128xf32, #tpu.memory_space<vmem>>, vector<1x1x128x128xf32>
    %get3A_1015 = vector.shape_cast %get3A_1014 : vector<1x1x128x128xf32> to vector<128x128xf32>
    %add3A_1016 = arith.addf %add3A_996, %get3A_1009 : vector<128x128xf32>
    %mul3A_1017 = arith.mulf %get3A_1009, %get3A_1009 : vector<128x128xf32>
    %add3A_1018 = arith.addf %add3A_998, %mul3A_1017 : vector<128x128xf32>
    %add3A_1019 = arith.addf %add3A_999, %get3A_1015 : vector<128x128xf32>
    %mul3A_1020 = arith.mulf %get3A_1015, %get3A_1015 : vector<128x128xf32>
    %add3A_1021 = arith.addf %add3A_1001, %mul3A_1020 : vector<128x128xf32>
    %mul3A_1022 = arith.mulf %get3A_1009, %get3A_1015 : vector<128x128xf32>
    %add3A_1023 = arith.addf %add3A_1003, %mul3A_1022 : vector<128x128xf32>
    %get3A_1024 = arith.constant 0 : index
    %get3A_1025 = arith.constant 45 : index
    %get3A_1026 = arith.constant 0 : index
    %get3A_1027 = arith.constant 0 : index
    %get3A_1028 = vector.load %arg2[%get3A_1024, %get3A_1025, %get3A_1026, %get3A_1027] : memref<1x64x128x128xf32, #tpu.memory_space<vmem>>, vector<1x1x128x128xf32>
    %get3A_1029 = vector.shape_cast %get3A_1028 : vector<1x1x128x128xf32> to vector<128x128xf32>
    %get3A_1030 = arith.constant 0 : index
    %get3A_1031 = arith.constant 45 : index
    %get3A_1032 = arith.constant 0 : index
    %get3A_1033 = arith.constant 0 : index
    %get3A_1034 = vector.load %arg3[%get3A_1030, %get3A_1031, %get3A_1032, %get3A_1033] : memref<1x64x128x128xf32, #tpu.memory_space<vmem>>, vector<1x1x128x128xf32>
    %get3A_1035 = vector.shape_cast %get3A_1034 : vector<1x1x128x128xf32> to vector<128x128xf32>
    %add3A_1036 = arith.addf %add3A_1016, %get3A_1029 : vector<128x128xf32>
    %mul3A_1037 = arith.mulf %get3A_1029, %get3A_1029 : vector<128x128xf32>
    %add3A_1038 = arith.addf %add3A_1018, %mul3A_1037 : vector<128x128xf32>
    %add3A_1039 = arith.addf %add3A_1019, %get3A_1035 : vector<128x128xf32>
    %mul3A_1040 = arith.mulf %get3A_1035, %get3A_1035 : vector<128x128xf32>
    %add3A_1041 = arith.addf %add3A_1021, %mul3A_1040 : vector<128x128xf32>
    %mul3A_1042 = arith.mulf %get3A_1029, %get3A_1035 : vector<128x128xf32>
    %add3A_1043 = arith.addf %add3A_1023, %mul3A_1042 : vector<128x128xf32>
    %get3A_1044 = arith.constant 0 : index
    %get3A_1045 = arith.constant 46 : index
    %get3A_1046 = arith.constant 0 : index
    %get3A_1047 = arith.constant 0 : index
    %get3A_1048 = vector.load %arg2[%get3A_1044, %get3A_1045, %get3A_1046, %get3A_1047] : memref<1x64x128x128xf32, #tpu.memory_space<vmem>>, vector<1x1x128x128xf32>
    %get3A_1049 = vector.shape_cast %get3A_1048 : vector<1x1x128x128xf32> to vector<128x128xf32>
    %get3A_1050 = arith.constant 0 : index
    %get3A_1051 = arith.constant 46 : index
    %get3A_1052 = arith.constant 0 : index
    %get3A_1053 = arith.constant 0 : index
    %get3A_1054 = vector.load %arg3[%get3A_1050, %get3A_1051, %get3A_1052, %get3A_1053] : memref<1x64x128x128xf32, #tpu.memory_space<vmem>>, vector<1x1x128x128xf32>
    %get3A_1055 = vector.shape_cast %get3A_1054 : vector<1x1x128x128xf32> to vector<128x128xf32>
    %add3A_1056 = arith.addf %add3A_1036, %get3A_1049 : vector<128x128xf32>
    %mul3A_1057 = arith.mulf %get3A_1049, %get3A_1049 : vector<128x128xf32>
    %add3A_1058 = arith.addf %add3A_1038, %mul3A_1057 : vector<128x128xf32>
    %add3A_1059 = arith.addf %add3A_1039, %get3A_1055 : vector<128x128xf32>
    %mul3A_1060 = arith.mulf %get3A_1055, %get3A_1055 : vector<128x128xf32>
    %add3A_1061 = arith.addf %add3A_1041, %mul3A_1060 : vector<128x128xf32>
    %mul3A_1062 = arith.mulf %get3A_1049, %get3A_1055 : vector<128x128xf32>
    %add3A_1063 = arith.addf %add3A_1043, %mul3A_1062 : vector<128x128xf32>
    %get3A_1064 = arith.constant 0 : index
    %get3A_1065 = arith.constant 47 : index
    %get3A_1066 = arith.constant 0 : index
    %get3A_1067 = arith.constant 0 : index
    %get3A_1068 = vector.load %arg2[%get3A_1064, %get3A_1065, %get3A_1066, %get3A_1067] : memref<1x64x128x128xf32, #tpu.memory_space<vmem>>, vector<1x1x128x128xf32>
    %get3A_1069 = vector.shape_cast %get3A_1068 : vector<1x1x128x128xf32> to vector<128x128xf32>
    %get3A_1070 = arith.constant 0 : index
    %get3A_1071 = arith.constant 47 : index
    %get3A_1072 = arith.constant 0 : index
    %get3A_1073 = arith.constant 0 : index
    %get3A_1074 = vector.load %arg3[%get3A_1070, %get3A_1071, %get3A_1072, %get3A_1073] : memref<1x64x128x128xf32, #tpu.memory_space<vmem>>, vector<1x1x128x128xf32>
    %get3A_1075 = vector.shape_cast %get3A_1074 : vector<1x1x128x128xf32> to vector<128x128xf32>
    %add3A_1076 = arith.addf %add3A_1056, %get3A_1069 : vector<128x128xf32>
    %mul3A_1077 = arith.mulf %get3A_1069, %get3A_1069 : vector<128x128xf32>
    %add3A_1078 = arith.addf %add3A_1058, %mul3A_1077 : vector<128x128xf32>
    %add3A_1079 = arith.addf %add3A_1059, %get3A_1075 : vector<128x128xf32>
    %mul3A_1080 = arith.mulf %get3A_1075, %get3A_1075 : vector<128x128xf32>
    %add3A_1081 = arith.addf %add3A_1061, %mul3A_1080 : vector<128x128xf32>
    %mul3A_1082 = arith.mulf %get3A_1069, %get3A_1075 : vector<128x128xf32>
    %add3A_1083 = arith.addf %add3A_1063, %mul3A_1082 : vector<128x128xf32>
    %dot_general3A_1084 = arith.constant dense<0.000000e+00> : vector<8x128xf32>
    %dot_general3A_1085 = tpu.matmul %convert_element_type3A_24, %add3A_1076, %dot_general3A_1084 {dimension_numbers = #tpu.dot_dimension_numbers<[1], [0], [0], [1], [0, 0, 1, 1], [], []>, transpose_lhs_hint = false} : vector<8x128xf32>, vector<128x128xf32>, vector<8x128xf32> -> vector<8x128xf32>
    %dot_general3A_1086 = arith.constant dense<0.000000e+00> : vector<8x8xf32>
    %dot_general3A_1087 = tpu.matmul %dot_general3A_1085, %transpose3A, %dot_general3A_1086 {dimension_numbers = #tpu.dot_dimension_numbers<[1], [0], [0], [1], [0, 0, 1, 1], [], []>, transpose_lhs_hint = false} : vector<8x128xf32>, vector<128x8xf32>, vector<8x8xf32> -> vector<8x8xf32>
    %dot_general3A_1088 = arith.constant dense<0.000000e+00> : vector<8x128xf32>
    %dot_general3A_1089 = tpu.matmul %convert_element_type3A_24, %add3A_1078, %dot_general3A_1088 {dimension_numbers = #tpu.dot_dimension_numbers<[1], [0], [0], [1], [0, 0, 1, 1], [], []>, transpose_lhs_hint = false} : vector<8x128xf32>, vector<128x128xf32>, vector<8x128xf32> -> vector<8x128xf32>
    %dot_general3A_1090 = arith.constant dense<0.000000e+00> : vector<8x8xf32>
    %dot_general3A_1091 = tpu.matmul %dot_general3A_1089, %transpose3A, %dot_general3A_1090 {dimension_numbers = #tpu.dot_dimension_numbers<[1], [0], [0], [1], [0, 0, 1, 1], [], []>, transpose_lhs_hint = false} : vector<8x128xf32>, vector<128x8xf32>, vector<8x8xf32> -> vector<8x8xf32>
    %dot_general3A_1092 = arith.constant dense<0.000000e+00> : vector<8x128xf32>
    %dot_general3A_1093 = tpu.matmul %convert_element_type3A_24, %add3A_1079, %dot_general3A_1092 {dimension_numbers = #tpu.dot_dimension_numbers<[1], [0], [0], [1], [0, 0, 1, 1], [], []>, transpose_lhs_hint = false} : vector<8x128xf32>, vector<128x128xf32>, vector<8x128xf32> -> vector<8x128xf32>
    %dot_general3A_1094 = arith.constant dense<0.000000e+00> : vector<8x8xf32>
    %dot_general3A_1095 = tpu.matmul %dot_general3A_1093, %transpose3A, %dot_general3A_1094 {dimension_numbers = #tpu.dot_dimension_numbers<[1], [0], [0], [1], [0, 0, 1, 1], [], []>, transpose_lhs_hint = false} : vector<8x128xf32>, vector<128x8xf32>, vector<8x8xf32> -> vector<8x8xf32>
    %dot_general3A_1096 = arith.constant dense<0.000000e+00> : vector<8x128xf32>
    %dot_general3A_1097 = tpu.matmul %convert_element_type3A_24, %add3A_1081, %dot_general3A_1096 {dimension_numbers = #tpu.dot_dimension_numbers<[1], [0], [0], [1], [0, 0, 1, 1], [], []>, transpose_lhs_hint = false} : vector<8x128xf32>, vector<128x128xf32>, vector<8x128xf32> -> vector<8x128xf32>
    %dot_general3A_1098 = arith.constant dense<0.000000e+00> : vector<8x8xf32>
    %dot_general3A_1099 = tpu.matmul %dot_general3A_1097, %transpose3A, %dot_general3A_1098 {dimension_numbers = #tpu.dot_dimension_numbers<[1], [0], [0], [1], [0, 0, 1, 1], [], []>, transpose_lhs_hint = false} : vector<8x128xf32>, vector<128x8xf32>, vector<8x8xf32> -> vector<8x8xf32>
    %dot_general3A_1100 = arith.constant dense<0.000000e+00> : vector<8x128xf32>
    %dot_general3A_1101 = tpu.matmul %convert_element_type3A_24, %add3A_1083, %dot_general3A_1100 {dimension_numbers = #tpu.dot_dimension_numbers<[1], [0], [0], [1], [0, 0, 1, 1], [], []>, transpose_lhs_hint = false} : vector<8x128xf32>, vector<128x128xf32>, vector<8x128xf32> -> vector<8x128xf32>
    %dot_general3A_1102 = arith.constant dense<0.000000e+00> : vector<8x8xf32>
    %dot_general3A_1103 = tpu.matmul %dot_general3A_1101, %transpose3A, %dot_general3A_1102 {dimension_numbers = #tpu.dot_dimension_numbers<[1], [0], [0], [1], [0, 0, 1, 1], [], []>, transpose_lhs_hint = false} : vector<8x128xf32>, vector<128x8xf32>, vector<8x8xf32> -> vector<8x8xf32>
    %div3A_1104 = arith.constant 4.096000e+03 : f32
    %div3A_1105 = vector.broadcast %div3A_1104 : f32 to vector<8x8xf32>
    %div3A_1106 = arith.divf %dot_general3A_1087, %div3A_1105 : vector<8x8xf32>
    %div3A_1107 = arith.constant 4.096000e+03 : f32
    %div3A_1108 = vector.broadcast %div3A_1107 : f32 to vector<8x8xf32>
    %div3A_1109 = arith.divf %dot_general3A_1091, %div3A_1108 : vector<8x8xf32>
    %mul3A_1110 = arith.mulf %div3A_1106, %div3A_1106 : vector<8x8xf32>
    %sub3A_1111 = arith.subf %div3A_1109, %mul3A_1110 : vector<8x8xf32>
    %add3A_1112 = arith.constant 9.99999997E-7 : f32
    %add3A_1113 = vector.broadcast %add3A_1112 : f32 to vector<8x8xf32>
    %add3A_1114 = arith.addf %sub3A_1111, %add3A_1113 : vector<8x8xf32>
    %sqrt3A_1115 = math.sqrt %add3A_1114 : vector<8x8xf32>
    %div3A_1116 = arith.constant 4.096000e+03 : f32
    %div3A_1117 = vector.broadcast %div3A_1116 : f32 to vector<8x8xf32>
    %div3A_1118 = arith.divf %dot_general3A_1099, %div3A_1117 : vector<8x8xf32>
    %div3A_1119 = arith.constant 4.096000e+03 : f32
    %div3A_1120 = vector.broadcast %div3A_1119 : f32 to vector<8x8xf32>
    %div3A_1121 = arith.divf %dot_general3A_1103, %div3A_1120 : vector<8x8xf32>
    %div3A_1122 = arith.constant 4.096000e+03 : f32
    %div3A_1123 = vector.broadcast %div3A_1122 : f32 to vector<8x8xf32>
    %div3A_1124 = arith.divf %dot_general3A_1095, %div3A_1123 : vector<8x8xf32>
    %mul3A_1125 = arith.mulf %div3A_1106, %div3A_1124 : vector<8x8xf32>
    %sub3A_1126 = arith.subf %div3A_1121, %mul3A_1125 : vector<8x8xf32>
    %mul3A_1127 = arith.constant 2.000000e+00 : f32
    %mul3A_1128 = vector.broadcast %mul3A_1127 : f32 to vector<8x8xf32>
    %mul3A_1129 = arith.mulf %mul3A_1128, %sub3A_1126 : vector<8x8xf32>
    %div3A_1130 = arith.divf %mul3A_1129, %sqrt3A_1115 : vector<8x8xf32>
    %sub3A_1131 = arith.subf %div3A_1118, %div3A_1130 : vector<8x8xf32>
    %add3A_1132 = arith.constant 9.99999997E-7 : f32
    %add3A_1133 = vector.broadcast %add3A_1132 : f32 to vector<8x8xf32>
    %add3A_1134 = arith.addf %sub3A_1111, %add3A_1133 : vector<8x8xf32>
    %div3A_1135 = arith.divf %sub3A_1111, %add3A_1134 : vector<8x8xf32>
    %add3A_1136 = arith.addf %sub3A_1131, %div3A_1135 : vector<8x8xf32>
    %swap3A_1137 = arith.constant 0 : index
    %swap3A_1138 = arith.constant 2 : index
    %swap3A_1139 = arith.constant 0 : index
    %swap3A_1140 = arith.constant 0 : index
    %swap3A_1141 = vector.load %arg4[%swap3A_1137, %swap3A_1138, %swap3A_1139, %swap3A_1140] : memref<1x4x8x8xf32, #tpu.memory_space<vmem>>, vector<1x1x8x8xf32>
    %swap3A_1142 = vector.shape_cast %swap3A_1141 : vector<1x1x8x8xf32> to vector<8x8xf32>
    %swap3A_1143 = vector.shape_cast %add3A_1136 : vector<8x8xf32> to vector<1x1x8x8xf32>
    tpu.vector_store %arg4[%swap3A_1137, %swap3A_1138, %swap3A_1139, %swap3A_1140], %swap3A_1143 {strides = array<i32>} : memref<1x4x8x8xf32, #tpu.memory_space<vmem>>, vector<1x1x8x8xf32>,
    %get3A_1144 = arith.constant 0 : index
    %get3A_1145 = arith.constant 48 : index
    %get3A_1146 = arith.constant 0 : index
    %get3A_1147 = arith.constant 0 : index
    %get3A_1148 = vector.load %arg2[%get3A_1144, %get3A_1145, %get3A_1146, %get3A_1147] : memref<1x64x128x128xf32, #tpu.memory_space<vmem>>, vector<1x1x128x128xf32>
    %get3A_1149 = vector.shape_cast %get3A_1148 : vector<1x1x128x128xf32> to vector<128x128xf32>
    %get3A_1150 = arith.constant 0 : index
    %get3A_1151 = arith.constant 48 : index
    %get3A_1152 = arith.constant 0 : index
    %get3A_1153 = arith.constant 0 : index
    %get3A_1154 = vector.load %arg3[%get3A_1150, %get3A_1151, %get3A_1152, %get3A_1153] : memref<1x64x128x128xf32, #tpu.memory_space<vmem>>, vector<1x1x128x128xf32>
    %get3A_1155 = vector.shape_cast %get3A_1154 : vector<1x1x128x128xf32> to vector<128x128xf32>
    %mul3A_1156 = arith.mulf %get3A_1149, %get3A_1149 : vector<128x128xf32>
    %mul3A_1157 = arith.mulf %get3A_1155, %get3A_1155 : vector<128x128xf32>
    %mul3A_1158 = arith.mulf %get3A_1149, %get3A_1155 : vector<128x128xf32>
    %get3A_1159 = arith.constant 0 : index
    %get3A_1160 = arith.constant 49 : index
    %get3A_1161 = arith.constant 0 : index
    %get3A_1162 = arith.constant 0 : index
    %get3A_1163 = vector.load %arg2[%get3A_1159, %get3A_1160, %get3A_1161, %get3A_1162] : memref<1x64x128x128xf32, #tpu.memory_space<vmem>>, vector<1x1x128x128xf32>
    %get3A_1164 = vector.shape_cast %get3A_1163 : vector<1x1x128x128xf32> to vector<128x128xf32>
    %get3A_1165 = arith.constant 0 : index
    %get3A_1166 = arith.constant 49 : index
    %get3A_1167 = arith.constant 0 : index
    %get3A_1168 = arith.constant 0 : index
    %get3A_1169 = vector.load %arg3[%get3A_1165, %get3A_1166, %get3A_1167, %get3A_1168] : memref<1x64x128x128xf32, #tpu.memory_space<vmem>>, vector<1x1x128x128xf32>
    %get3A_1170 = vector.shape_cast %get3A_1169 : vector<1x1x128x128xf32> to vector<128x128xf32>
    %add3A_1171 = arith.addf %get3A_1149, %get3A_1164 : vector<128x128xf32>
    %mul3A_1172 = arith.mulf %get3A_1164, %get3A_1164 : vector<128x128xf32>
    %add3A_1173 = arith.addf %mul3A_1156, %mul3A_1172 : vector<128x128xf32>
    %add3A_1174 = arith.addf %get3A_1155, %get3A_1170 : vector<128x128xf32>
    %mul3A_1175 = arith.mulf %get3A_1170, %get3A_1170 : vector<128x128xf32>
    %add3A_1176 = arith.addf %mul3A_1157, %mul3A_1175 : vector<128x128xf32>
    %mul3A_1177 = arith.mulf %get3A_1164, %get3A_1170 : vector<128x128xf32>
    %add3A_1178 = arith.addf %mul3A_1158, %mul3A_1177 : vector<128x128xf32>
    %get3A_1179 = arith.constant 0 : index
    %get3A_1180 = arith.constant 50 : index
    %get3A_1181 = arith.constant 0 : index
    %get3A_1182 = arith.constant 0 : index
    %get3A_1183 = vector.load %arg2[%get3A_1179, %get3A_1180, %get3A_1181, %get3A_1182] : memref<1x64x128x128xf32, #tpu.memory_space<vmem>>, vector<1x1x128x128xf32>
    %get3A_1184 = vector.shape_cast %get3A_1183 : vector<1x1x128x128xf32> to vector<128x128xf32>
    %get3A_1185 = arith.constant 0 : index
    %get3A_1186 = arith.constant 50 : index
    %get3A_1187 = arith.constant 0 : index
    %get3A_1188 = arith.constant 0 : index
    %get3A_1189 = vector.load %arg3[%get3A_1185, %get3A_1186, %get3A_1187, %get3A_1188] : memref<1x64x128x128xf32, #tpu.memory_space<vmem>>, vector<1x1x128x128xf32>
    %get3A_1190 = vector.shape_cast %get3A_1189 : vector<1x1x128x128xf32> to vector<128x128xf32>
    %add3A_1191 = arith.addf %add3A_1171, %get3A_1184 : vector<128x128xf32>
    %mul3A_1192 = arith.mulf %get3A_1184, %get3A_1184 : vector<128x128xf32>
    %add3A_1193 = arith.addf %add3A_1173, %mul3A_1192 : vector<128x128xf32>
    %add3A_1194 = arith.addf %add3A_1174, %get3A_1190 : vector<128x128xf32>
    %mul3A_1195 = arith.mulf %get3A_1190, %get3A_1190 : vector<128x128xf32>
    %add3A_1196 = arith.addf %add3A_1176, %mul3A_1195 : vector<128x128xf32>
    %mul3A_1197 = arith.mulf %get3A_1184, %get3A_1190 : vector<128x128xf32>
    %add3A_1198 = arith.addf %add3A_1178, %mul3A_1197 : vector<128x128xf32>
    %get3A_1199 = arith.constant 0 : index
    %get3A_1200 = arith.constant 51 : index
    %get3A_1201 = arith.constant 0 : index
    %get3A_1202 = arith.constant 0 : index
    %get3A_1203 = vector.load %arg2[%get3A_1199, %get3A_1200, %get3A_1201, %get3A_1202] : memref<1x64x128x128xf32, #tpu.memory_space<vmem>>, vector<1x1x128x128xf32>
    %get3A_1204 = vector.shape_cast %get3A_1203 : vector<1x1x128x128xf32> to vector<128x128xf32>
    %get3A_1205 = arith.constant 0 : index
    %get3A_1206 = arith.constant 51 : index
    %get3A_1207 = arith.constant 0 : index
    %get3A_1208 = arith.constant 0 : index
    %get3A_1209 = vector.load %arg3[%get3A_1205, %get3A_1206, %get3A_1207, %get3A_1208] : memref<1x64x128x128xf32, #tpu.memory_space<vmem>>, vector<1x1x128x128xf32>
    %get3A_1210 = vector.shape_cast %get3A_1209 : vector<1x1x128x128xf32> to vector<128x128xf32>
    %add3A_1211 = arith.addf %add3A_1191, %get3A_1204 : vector<128x128xf32>
    %mul3A_1212 = arith.mulf %get3A_1204, %get3A_1204 : vector<128x128xf32>
    %add3A_1213 = arith.addf %add3A_1193, %mul3A_1212 : vector<128x128xf32>
    %add3A_1214 = arith.addf %add3A_1194, %get3A_1210 : vector<128x128xf32>
    %mul3A_1215 = arith.mulf %get3A_1210, %get3A_1210 : vector<128x128xf32>
    %add3A_1216 = arith.addf %add3A_1196, %mul3A_1215 : vector<128x128xf32>
    %mul3A_1217 = arith.mulf %get3A_1204, %get3A_1210 : vector<128x128xf32>
    %add3A_1218 = arith.addf %add3A_1198, %mul3A_1217 : vector<128x128xf32>
    %get3A_1219 = arith.constant 0 : index
    %get3A_1220 = arith.constant 52 : index
    %get3A_1221 = arith.constant 0 : index
    %get3A_1222 = arith.constant 0 : index
    %get3A_1223 = vector.load %arg2[%get3A_1219, %get3A_1220, %get3A_1221, %get3A_1222] : memref<1x64x128x128xf32, #tpu.memory_space<vmem>>, vector<1x1x128x128xf32>
    %get3A_1224 = vector.shape_cast %get3A_1223 : vector<1x1x128x128xf32> to vector<128x128xf32>
    %get3A_1225 = arith.constant 0 : index
    %get3A_1226 = arith.constant 52 : index
    %get3A_1227 = arith.constant 0 : index
    %get3A_1228 = arith.constant 0 : index
    %get3A_1229 = vector.load %arg3[%get3A_1225, %get3A_1226, %get3A_1227, %get3A_1228] : memref<1x64x128x128xf32, #tpu.memory_space<vmem>>, vector<1x1x128x128xf32>
    %get3A_1230 = vector.shape_cast %get3A_1229 : vector<1x1x128x128xf32> to vector<128x128xf32>
    %add3A_1231 = arith.addf %add3A_1211, %get3A_1224 : vector<128x128xf32>
    %mul3A_1232 = arith.mulf %get3A_1224, %get3A_1224 : vector<128x128xf32>
    %add3A_1233 = arith.addf %add3A_1213, %mul3A_1232 : vector<128x128xf32>
    %add3A_1234 = arith.addf %add3A_1214, %get3A_1230 : vector<128x128xf32>
    %mul3A_1235 = arith.mulf %get3A_1230, %get3A_1230 : vector<128x128xf32>
    %add3A_1236 = arith.addf %add3A_1216, %mul3A_1235 : vector<128x128xf32>
    %mul3A_1237 = arith.mulf %get3A_1224, %get3A_1230 : vector<128x128xf32>
    %add3A_1238 = arith.addf %add3A_1218, %mul3A_1237 : vector<128x128xf32>
    %get3A_1239 = arith.constant 0 : index
    %get3A_1240 = arith.constant 53 : index
    %get3A_1241 = arith.constant 0 : index
    %get3A_1242 = arith.constant 0 : index
    %get3A_1243 = vector.load %arg2[%get3A_1239, %get3A_1240, %get3A_1241, %get3A_1242] : memref<1x64x128x128xf32, #tpu.memory_space<vmem>>, vector<1x1x128x128xf32>
    %get3A_1244 = vector.shape_cast %get3A_1243 : vector<1x1x128x128xf32> to vector<128x128xf32>
    %get3A_1245 = arith.constant 0 : index
    %get3A_1246 = arith.constant 53 : index
    %get3A_1247 = arith.constant 0 : index
    %get3A_1248 = arith.constant 0 : index
    %get3A_1249 = vector.load %arg3[%get3A_1245, %get3A_1246, %get3A_1247, %get3A_1248] : memref<1x64x128x128xf32, #tpu.memory_space<vmem>>, vector<1x1x128x128xf32>
    %get3A_1250 = vector.shape_cast %get3A_1249 : vector<1x1x128x128xf32> to vector<128x128xf32>
    %add3A_1251 = arith.addf %add3A_1231, %get3A_1244 : vector<128x128xf32>
    %mul3A_1252 = arith.mulf %get3A_1244, %get3A_1244 : vector<128x128xf32>
    %add3A_1253 = arith.addf %add3A_1233, %mul3A_1252 : vector<128x128xf32>
    %add3A_1254 = arith.addf %add3A_1234, %get3A_1250 : vector<128x128xf32>
    %mul3A_1255 = arith.mulf %get3A_1250, %get3A_1250 : vector<128x128xf32>
    %add3A_1256 = arith.addf %add3A_1236, %mul3A_1255 : vector<128x128xf32>
    %mul3A_1257 = arith.mulf %get3A_1244, %get3A_1250 : vector<128x128xf32>
    %add3A_1258 = arith.addf %add3A_1238, %mul3A_1257 : vector<128x128xf32>
    %get3A_1259 = arith.constant 0 : index
    %get3A_1260 = arith.constant 54 : index
    %get3A_1261 = arith.constant 0 : index
    %get3A_1262 = arith.constant 0 : index
    %get3A_1263 = vector.load %arg2[%get3A_1259, %get3A_1260, %get3A_1261, %get3A_1262] : memref<1x64x128x128xf32, #tpu.memory_space<vmem>>, vector<1x1x128x128xf32>
    %get3A_1264 = vector.shape_cast %get3A_1263 : vector<1x1x128x128xf32> to vector<128x128xf32>
    %get3A_1265 = arith.constant 0 : index
    %get3A_1266 = arith.constant 54 : index
    %get3A_1267 = arith.constant 0 : index
    %get3A_1268 = arith.constant 0 : index
    %get3A_1269 = vector.load %arg3[%get3A_1265, %get3A_1266, %get3A_1267, %get3A_1268] : memref<1x64x128x128xf32, #tpu.memory_space<vmem>>, vector<1x1x128x128xf32>
    %get3A_1270 = vector.shape_cast %get3A_1269 : vector<1x1x128x128xf32> to vector<128x128xf32>
    %add3A_1271 = arith.addf %add3A_1251, %get3A_1264 : vector<128x128xf32>
    %mul3A_1272 = arith.mulf %get3A_1264, %get3A_1264 : vector<128x128xf32>
    %add3A_1273 = arith.addf %add3A_1253, %mul3A_1272 : vector<128x128xf32>
    %add3A_1274 = arith.addf %add3A_1254, %get3A_1270 : vector<128x128xf32>
    %mul3A_1275 = arith.mulf %get3A_1270, %get3A_1270 : vector<128x128xf32>
    %add3A_1276 = arith.addf %add3A_1256, %mul3A_1275 : vector<128x128xf32>
    %mul3A_1277 = arith.mulf %get3A_1264, %get3A_1270 : vector<128x128xf32>
    %add3A_1278 = arith.addf %add3A_1258, %mul3A_1277 : vector<128x128xf32>
    %get3A_1279 = arith.constant 0 : index
    %get3A_1280 = arith.constant 55 : index
    %get3A_1281 = arith.constant 0 : index
    %get3A_1282 = arith.constant 0 : index
    %get3A_1283 = vector.load %arg2[%get3A_1279, %get3A_1280, %get3A_1281, %get3A_1282] : memref<1x64x128x128xf32, #tpu.memory_space<vmem>>, vector<1x1x128x128xf32>
    %get3A_1284 = vector.shape_cast %get3A_1283 : vector<1x1x128x128xf32> to vector<128x128xf32>
    %get3A_1285 = arith.constant 0 : index
    %get3A_1286 = arith.constant 55 : index
    %get3A_1287 = arith.constant 0 : index
    %get3A_1288 = arith.constant 0 : index
    %get3A_1289 = vector.load %arg3[%get3A_1285, %get3A_1286, %get3A_1287, %get3A_1288] : memref<1x64x128x128xf32, #tpu.memory_space<vmem>>, vector<1x1x128x128xf32>
    %get3A_1290 = vector.shape_cast %get3A_1289 : vector<1x1x128x128xf32> to vector<128x128xf32>
    %add3A_1291 = arith.addf %add3A_1271, %get3A_1284 : vector<128x128xf32>
    %mul3A_1292 = arith.mulf %get3A_1284, %get3A_1284 : vector<128x128xf32>
    %add3A_1293 = arith.addf %add3A_1273, %mul3A_1292 : vector<128x128xf32>
    %add3A_1294 = arith.addf %add3A_1274, %get3A_1290 : vector<128x128xf32>
    %mul3A_1295 = arith.mulf %get3A_1290, %get3A_1290 : vector<128x128xf32>
    %add3A_1296 = arith.addf %add3A_1276, %mul3A_1295 : vector<128x128xf32>
    %mul3A_1297 = arith.mulf %get3A_1284, %get3A_1290 : vector<128x128xf32>
    %add3A_1298 = arith.addf %add3A_1278, %mul3A_1297 : vector<128x128xf32>
    %get3A_1299 = arith.constant 0 : index
    %get3A_1300 = arith.constant 56 : index
    %get3A_1301 = arith.constant 0 : index
    %get3A_1302 = arith.constant 0 : index
    %get3A_1303 = vector.load %arg2[%get3A_1299, %get3A_1300, %get3A_1301, %get3A_1302] : memref<1x64x128x128xf32, #tpu.memory_space<vmem>>, vector<1x1x128x128xf32>
    %get3A_1304 = vector.shape_cast %get3A_1303 : vector<1x1x128x128xf32> to vector<128x128xf32>
    %get3A_1305 = arith.constant 0 : index
    %get3A_1306 = arith.constant 56 : index
    %get3A_1307 = arith.constant 0 : index
    %get3A_1308 = arith.constant 0 : index
    %get3A_1309 = vector.load %arg3[%get3A_1305, %get3A_1306, %get3A_1307, %get3A_1308] : memref<1x64x128x128xf32, #tpu.memory_space<vmem>>, vector<1x1x128x128xf32>
    %get3A_1310 = vector.shape_cast %get3A_1309 : vector<1x1x128x128xf32> to vector<128x128xf32>
    %add3A_1311 = arith.addf %add3A_1291, %get3A_1304 : vector<128x128xf32>
    %mul3A_1312 = arith.mulf %get3A_1304, %get3A_1304 : vector<128x128xf32>
    %add3A_1313 = arith.addf %add3A_1293, %mul3A_1312 : vector<128x128xf32>
    %add3A_1314 = arith.addf %add3A_1294, %get3A_1310 : vector<128x128xf32>
    %mul3A_1315 = arith.mulf %get3A_1310, %get3A_1310 : vector<128x128xf32>
    %add3A_1316 = arith.addf %add3A_1296, %mul3A_1315 : vector<128x128xf32>
    %mul3A_1317 = arith.mulf %get3A_1304, %get3A_1310 : vector<128x128xf32>
    %add3A_1318 = arith.addf %add3A_1298, %mul3A_1317 : vector<128x128xf32>
    %get3A_1319 = arith.constant 0 : index
    %get3A_1320 = arith.constant 57 : index
    %get3A_1321 = arith.constant 0 : index
    %get3A_1322 = arith.constant 0 : index
    %get3A_1323 = vector.load %arg2[%get3A_1319, %get3A_1320, %get3A_1321, %get3A_1322] : memref<1x64x128x128xf32, #tpu.memory_space<vmem>>, vector<1x1x128x128xf32>
    %get3A_1324 = vector.shape_cast %get3A_1323 : vector<1x1x128x128xf32> to vector<128x128xf32>
    %get3A_1325 = arith.constant 0 : index
    %get3A_1326 = arith.constant 57 : index
    %get3A_1327 = arith.constant 0 : index
    %get3A_1328 = arith.constant 0 : index
    %get3A_1329 = vector.load %arg3[%get3A_1325, %get3A_1326, %get3A_1327, %get3A_1328] : memref<1x64x128x128xf32, #tpu.memory_space<vmem>>, vector<1x1x128x128xf32>
    %get3A_1330 = vector.shape_cast %get3A_1329 : vector<1x1x128x128xf32> to vector<128x128xf32>
    %add3A_1331 = arith.addf %add3A_1311, %get3A_1324 : vector<128x128xf32>
    %mul3A_1332 = arith.mulf %get3A_1324, %get3A_1324 : vector<128x128xf32>
    %add3A_1333 = arith.addf %add3A_1313, %mul3A_1332 : vector<128x128xf32>
    %add3A_1334 = arith.addf %add3A_1314, %get3A_1330 : vector<128x128xf32>
    %mul3A_1335 = arith.mulf %get3A_1330, %get3A_1330 : vector<128x128xf32>
    %add3A_1336 = arith.addf %add3A_1316, %mul3A_1335 : vector<128x128xf32>
    %mul3A_1337 = arith.mulf %get3A_1324, %get3A_1330 : vector<128x128xf32>
    %add3A_1338 = arith.addf %add3A_1318, %mul3A_1337 : vector<128x128xf32>
    %get3A_1339 = arith.constant 0 : index
    %get3A_1340 = arith.constant 58 : index
    %get3A_1341 = arith.constant 0 : index
    %get3A_1342 = arith.constant 0 : index
    %get3A_1343 = vector.load %arg2[%get3A_1339, %get3A_1340, %get3A_1341, %get3A_1342] : memref<1x64x128x128xf32, #tpu.memory_space<vmem>>, vector<1x1x128x128xf32>
    %get3A_1344 = vector.shape_cast %get3A_1343 : vector<1x1x128x128xf32> to vector<128x128xf32>
    %get3A_1345 = arith.constant 0 : index
    %get3A_1346 = arith.constant 58 : index
    %get3A_1347 = arith.constant 0 : index
    %get3A_1348 = arith.constant 0 : index
    %get3A_1349 = vector.load %arg3[%get3A_1345, %get3A_1346, %get3A_1347, %get3A_1348] : memref<1x64x128x128xf32, #tpu.memory_space<vmem>>, vector<1x1x128x128xf32>
    %get3A_1350 = vector.shape_cast %get3A_1349 : vector<1x1x128x128xf32> to vector<128x128xf32>
    %add3A_1351 = arith.addf %add3A_1331, %get3A_1344 : vector<128x128xf32>
    %mul3A_1352 = arith.mulf %get3A_1344, %get3A_1344 : vector<128x128xf32>
    %add3A_1353 = arith.addf %add3A_1333, %mul3A_1352 : vector<128x128xf32>
    %add3A_1354 = arith.addf %add3A_1334, %get3A_1350 : vector<128x128xf32>
    %mul3A_1355 = arith.mulf %get3A_1350, %get3A_1350 : vector<128x128xf32>
    %add3A_1356 = arith.addf %add3A_1336, %mul3A_1355 : vector<128x128xf32>
    %mul3A_1357 = arith.mulf %get3A_1344, %get3A_1350 : vector<128x128xf32>
    %add3A_1358 = arith.addf %add3A_1338, %mul3A_1357 : vector<128x128xf32>
    %get3A_1359 = arith.constant 0 : index
    %get3A_1360 = arith.constant 59 : index
    %get3A_1361 = arith.constant 0 : index
    %get3A_1362 = arith.constant 0 : index
    %get3A_1363 = vector.load %arg2[%get3A_1359, %get3A_1360, %get3A_1361, %get3A_1362] : memref<1x64x128x128xf32, #tpu.memory_space<vmem>>, vector<1x1x128x128xf32>
    %get3A_1364 = vector.shape_cast %get3A_1363 : vector<1x1x128x128xf32> to vector<128x128xf32>
    %get3A_1365 = arith.constant 0 : index
    %get3A_1366 = arith.constant 59 : index
    %get3A_1367 = arith.constant 0 : index
    %get3A_1368 = arith.constant 0 : index
    %get3A_1369 = vector.load %arg3[%get3A_1365, %get3A_1366, %get3A_1367, %get3A_1368] : memref<1x64x128x128xf32, #tpu.memory_space<vmem>>, vector<1x1x128x128xf32>
    %get3A_1370 = vector.shape_cast %get3A_1369 : vector<1x1x128x128xf32> to vector<128x128xf32>
    %add3A_1371 = arith.addf %add3A_1351, %get3A_1364 : vector<128x128xf32>
    %mul3A_1372 = arith.mulf %get3A_1364, %get3A_1364 : vector<128x128xf32>
    %add3A_1373 = arith.addf %add3A_1353, %mul3A_1372 : vector<128x128xf32>
    %add3A_1374 = arith.addf %add3A_1354, %get3A_1370 : vector<128x128xf32>
    %mul3A_1375 = arith.mulf %get3A_1370, %get3A_1370 : vector<128x128xf32>
    %add3A_1376 = arith.addf %add3A_1356, %mul3A_1375 : vector<128x128xf32>
    %mul3A_1377 = arith.mulf %get3A_1364, %get3A_1370 : vector<128x128xf32>
    %add3A_1378 = arith.addf %add3A_1358, %mul3A_1377 : vector<128x128xf32>
    %get3A_1379 = arith.constant 0 : index
    %get3A_1380 = arith.constant 60 : index
    %get3A_1381 = arith.constant 0 : index
    %get3A_1382 = arith.constant 0 : index
    %get3A_1383 = vector.load %arg2[%get3A_1379, %get3A_1380, %get3A_1381, %get3A_1382] : memref<1x64x128x128xf32, #tpu.memory_space<vmem>>, vector<1x1x128x128xf32>
    %get3A_1384 = vector.shape_cast %get3A_1383 : vector<1x1x128x128xf32> to vector<128x128xf32>
    %get3A_1385 = arith.constant 0 : index
    %get3A_1386 = arith.constant 60 : index
    %get3A_1387 = arith.constant 0 : index
    %get3A_1388 = arith.constant 0 : index
    %get3A_1389 = vector.load %arg3[%get3A_1385, %get3A_1386, %get3A_1387, %get3A_1388] : memref<1x64x128x128xf32, #tpu.memory_space<vmem>>, vector<1x1x128x128xf32>
    %get3A_1390 = vector.shape_cast %get3A_1389 : vector<1x1x128x128xf32> to vector<128x128xf32>
    %add3A_1391 = arith.addf %add3A_1371, %get3A_1384 : vector<128x128xf32>
    %mul3A_1392 = arith.mulf %get3A_1384, %get3A_1384 : vector<128x128xf32>
    %add3A_1393 = arith.addf %add3A_1373, %mul3A_1392 : vector<128x128xf32>
    %add3A_1394 = arith.addf %add3A_1374, %get3A_1390 : vector<128x128xf32>
    %mul3A_1395 = arith.mulf %get3A_1390, %get3A_1390 : vector<128x128xf32>
    %add3A_1396 = arith.addf %add3A_1376, %mul3A_1395 : vector<128x128xf32>
    %mul3A_1397 = arith.mulf %get3A_1384, %get3A_1390 : vector<128x128xf32>
    %add3A_1398 = arith.addf %add3A_1378, %mul3A_1397 : vector<128x128xf32>
    %get3A_1399 = arith.constant 0 : index
    %get3A_1400 = arith.constant 61 : index
    %get3A_1401 = arith.constant 0 : index
    %get3A_1402 = arith.constant 0 : index
    %get3A_1403 = vector.load %arg2[%get3A_1399, %get3A_1400, %get3A_1401, %get3A_1402] : memref<1x64x128x128xf32, #tpu.memory_space<vmem>>, vector<1x1x128x128xf32>
    %get3A_1404 = vector.shape_cast %get3A_1403 : vector<1x1x128x128xf32> to vector<128x128xf32>
    %get3A_1405 = arith.constant 0 : index
    %get3A_1406 = arith.constant 61 : index
    %get3A_1407 = arith.constant 0 : index
    %get3A_1408 = arith.constant 0 : index
    %get3A_1409 = vector.load %arg3[%get3A_1405, %get3A_1406, %get3A_1407, %get3A_1408] : memref<1x64x128x128xf32, #tpu.memory_space<vmem>>, vector<1x1x128x128xf32>
    %get3A_1410 = vector.shape_cast %get3A_1409 : vector<1x1x128x128xf32> to vector<128x128xf32>
    %add3A_1411 = arith.addf %add3A_1391, %get3A_1404 : vector<128x128xf32>
    %mul3A_1412 = arith.mulf %get3A_1404, %get3A_1404 : vector<128x128xf32>
    %add3A_1413 = arith.addf %add3A_1393, %mul3A_1412 : vector<128x128xf32>
    %add3A_1414 = arith.addf %add3A_1394, %get3A_1410 : vector<128x128xf32>
    %mul3A_1415 = arith.mulf %get3A_1410, %get3A_1410 : vector<128x128xf32>
    %add3A_1416 = arith.addf %add3A_1396, %mul3A_1415 : vector<128x128xf32>
    %mul3A_1417 = arith.mulf %get3A_1404, %get3A_1410 : vector<128x128xf32>
    %add3A_1418 = arith.addf %add3A_1398, %mul3A_1417 : vector<128x128xf32>
    %get3A_1419 = arith.constant 0 : index
    %get3A_1420 = arith.constant 62 : index
    %get3A_1421 = arith.constant 0 : index
    %get3A_1422 = arith.constant 0 : index
    %get3A_1423 = vector.load %arg2[%get3A_1419, %get3A_1420, %get3A_1421, %get3A_1422] : memref<1x64x128x128xf32, #tpu.memory_space<vmem>>, vector<1x1x128x128xf32>
    %get3A_1424 = vector.shape_cast %get3A_1423 : vector<1x1x128x128xf32> to vector<128x128xf32>
    %get3A_1425 = arith.constant 0 : index
    %get3A_1426 = arith.constant 62 : index
    %get3A_1427 = arith.constant 0 : index
    %get3A_1428 = arith.constant 0 : index
    %get3A_1429 = vector.load %arg3[%get3A_1425, %get3A_1426, %get3A_1427, %get3A_1428] : memref<1x64x128x128xf32, #tpu.memory_space<vmem>>, vector<1x1x128x128xf32>
    %get3A_1430 = vector.shape_cast %get3A_1429 : vector<1x1x128x128xf32> to vector<128x128xf32>
    %add3A_1431 = arith.addf %add3A_1411, %get3A_1424 : vector<128x128xf32>
    %mul3A_1432 = arith.mulf %get3A_1424, %get3A_1424 : vector<128x128xf32>
    %add3A_1433 = arith.addf %add3A_1413, %mul3A_1432 : vector<128x128xf32>
    %add3A_1434 = arith.addf %add3A_1414, %get3A_1430 : vector<128x128xf32>
    %mul3A_1435 = arith.mulf %get3A_1430, %get3A_1430 : vector<128x128xf32>
    %add3A_1436 = arith.addf %add3A_1416, %mul3A_1435 : vector<128x128xf32>
    %mul3A_1437 = arith.mulf %get3A_1424, %get3A_1430 : vector<128x128xf32>
    %add3A_1438 = arith.addf %add3A_1418, %mul3A_1437 : vector<128x128xf32>
    %get3A_1439 = arith.constant 0 : index
    %get3A_1440 = arith.constant 63 : index
    %get3A_1441 = arith.constant 0 : index
    %get3A_1442 = arith.constant 0 : index
    %get3A_1443 = vector.load %arg2[%get3A_1439, %get3A_1440, %get3A_1441, %get3A_1442] : memref<1x64x128x128xf32, #tpu.memory_space<vmem>>, vector<1x1x128x128xf32>
    %get3A_1444 = vector.shape_cast %get3A_1443 : vector<1x1x128x128xf32> to vector<128x128xf32>
    %get3A_1445 = arith.constant 0 : index
    %get3A_1446 = arith.constant 63 : index
    %get3A_1447 = arith.constant 0 : index
    %get3A_1448 = arith.constant 0 : index
    %get3A_1449 = vector.load %arg3[%get3A_1445, %get3A_1446, %get3A_1447, %get3A_1448] : memref<1x64x128x128xf32, #tpu.memory_space<vmem>>, vector<1x1x128x128xf32>
    %get3A_1450 = vector.shape_cast %get3A_1449 : vector<1x1x128x128xf32> to vector<128x128xf32>
    %add3A_1451 = arith.addf %add3A_1431, %get3A_1444 : vector<128x128xf32>
    %mul3A_1452 = arith.mulf %get3A_1444, %get3A_1444 : vector<128x128xf32>
    %add3A_1453 = arith.addf %add3A_1433, %mul3A_1452 : vector<128x128xf32>
    %add3A_1454 = arith.addf %add3A_1434, %get3A_1450 : vector<128x128xf32>
    %mul3A_1455 = arith.mulf %get3A_1450, %get3A_1450 : vector<128x128xf32>
    %add3A_1456 = arith.addf %add3A_1436, %mul3A_1455 : vector<128x128xf32>
    %mul3A_1457 = arith.mulf %get3A_1444, %get3A_1450 : vector<128x128xf32>
    %add3A_1458 = arith.addf %add3A_1438, %mul3A_1457 : vector<128x128xf32>
    %dot_general3A_1459 = arith.constant dense<0.000000e+00> : vector<8x128xf32>
    %dot_general3A_1460 = tpu.matmul %convert_element_type3A_24, %add3A_1451, %dot_general3A_1459 {dimension_numbers = #tpu.dot_dimension_numbers<[1], [0], [0], [1], [0, 0, 1, 1], [], []>, transpose_lhs_hint = false} : vector<8x128xf32>, vector<128x128xf32>, vector<8x128xf32> -> vector<8x128xf32>
    %dot_general3A_1461 = arith.constant dense<0.000000e+00> : vector<8x8xf32>
    %dot_general3A_1462 = tpu.matmul %dot_general3A_1460, %transpose3A, %dot_general3A_1461 {dimension_numbers = #tpu.dot_dimension_numbers<[1], [0], [0], [1], [0, 0, 1, 1], [], []>, transpose_lhs_hint = false} : vector<8x128xf32>, vector<128x8xf32>, vector<8x8xf32> -> vector<8x8xf32>
    %dot_general3A_1463 = arith.constant dense<0.000000e+00> : vector<8x128xf32>
    %dot_general3A_1464 = tpu.matmul %convert_element_type3A_24, %add3A_1453, %dot_general3A_1463 {dimension_numbers = #tpu.dot_dimension_numbers<[1], [0], [0], [1], [0, 0, 1, 1], [], []>, transpose_lhs_hint = false} : vector<8x128xf32>, vector<128x128xf32>, vector<8x128xf32> -> vector<8x128xf32>
    %dot_general3A_1465 = arith.constant dense<0.000000e+00> : vector<8x8xf32>
    %dot_general3A_1466 = tpu.matmul %dot_general3A_1464, %transpose3A, %dot_general3A_1465 {dimension_numbers = #tpu.dot_dimension_numbers<[1], [0], [0], [1], [0, 0, 1, 1], [], []>, transpose_lhs_hint = false} : vector<8x128xf32>, vector<128x8xf32>, vector<8x8xf32> -> vector<8x8xf32>
    %dot_general3A_1467 = arith.constant dense<0.000000e+00> : vector<8x128xf32>
    %dot_general3A_1468 = tpu.matmul %convert_element_type3A_24, %add3A_1454, %dot_general3A_1467 {dimension_numbers = #tpu.dot_dimension_numbers<[1], [0], [0], [1], [0, 0, 1, 1], [], []>, transpose_lhs_hint = false} : vector<8x128xf32>, vector<128x128xf32>, vector<8x128xf32> -> vector<8x128xf32>
    %dot_general3A_1469 = arith.constant dense<0.000000e+00> : vector<8x8xf32>
    %dot_general3A_1470 = tpu.matmul %dot_general3A_1468, %transpose3A, %dot_general3A_1469 {dimension_numbers = #tpu.dot_dimension_numbers<[1], [0], [0], [1], [0, 0, 1, 1], [], []>, transpose_lhs_hint = false} : vector<8x128xf32>, vector<128x8xf32>, vector<8x8xf32> -> vector<8x8xf32>
    %dot_general3A_1471 = arith.constant dense<0.000000e+00> : vector<8x128xf32>
    %dot_general3A_1472 = tpu.matmul %convert_element_type3A_24, %add3A_1456, %dot_general3A_1471 {dimension_numbers = #tpu.dot_dimension_numbers<[1], [0], [0], [1], [0, 0, 1, 1], [], []>, transpose_lhs_hint = false} : vector<8x128xf32>, vector<128x128xf32>, vector<8x128xf32> -> vector<8x128xf32>
    %dot_general3A_1473 = arith.constant dense<0.000000e+00> : vector<8x8xf32>
    %dot_general3A_1474 = tpu.matmul %dot_general3A_1472, %transpose3A, %dot_general3A_1473 {dimension_numbers = #tpu.dot_dimension_numbers<[1], [0], [0], [1], [0, 0, 1, 1], [], []>, transpose_lhs_hint = false} : vector<8x128xf32>, vector<128x8xf32>, vector<8x8xf32> -> vector<8x8xf32>
    %dot_general3A_1475 = arith.constant dense<0.000000e+00> : vector<8x128xf32>
    %dot_general3A_1476 = tpu.matmul %convert_element_type3A_24, %add3A_1458, %dot_general3A_1475 {dimension_numbers = #tpu.dot_dimension_numbers<[1], [0], [0], [1], [0, 0, 1, 1], [], []>, transpose_lhs_hint = false} : vector<8x128xf32>, vector<128x128xf32>, vector<8x128xf32> -> vector<8x128xf32>
    %dot_general3A_1477 = arith.constant dense<0.000000e+00> : vector<8x8xf32>
    %dot_general3A_1478 = tpu.matmul %dot_general3A_1476, %transpose3A, %dot_general3A_1477 {dimension_numbers = #tpu.dot_dimension_numbers<[1], [0], [0], [1], [0, 0, 1, 1], [], []>, transpose_lhs_hint = false} : vector<8x128xf32>, vector<128x8xf32>, vector<8x8xf32> -> vector<8x8xf32>
    %div3A_1479 = arith.constant 4.096000e+03 : f32
    %div3A_1480 = vector.broadcast %div3A_1479 : f32 to vector<8x8xf32>
    %div3A_1481 = arith.divf %dot_general3A_1462, %div3A_1480 : vector<8x8xf32>
    %div3A_1482 = arith.constant 4.096000e+03 : f32
    %div3A_1483 = vector.broadcast %div3A_1482 : f32 to vector<8x8xf32>
    %div3A_1484 = arith.divf %dot_general3A_1466, %div3A_1483 : vector<8x8xf32>
    %mul3A_1485 = arith.mulf %div3A_1481, %div3A_1481 : vector<8x8xf32>
    %sub3A_1486 = arith.subf %div3A_1484, %mul3A_1485 : vector<8x8xf32>
    %add3A_1487 = arith.constant 9.99999997E-7 : f32
    %add3A_1488 = vector.broadcast %add3A_1487 : f32 to vector<8x8xf32>
    %add3A_1489 = arith.addf %sub3A_1486, %add3A_1488 : vector<8x8xf32>
    %sqrt3A_1490 = math.sqrt %add3A_1489 : vector<8x8xf32>
    %div3A_1491 = arith.constant 4.096000e+03 : f32
    %div3A_1492 = vector.broadcast %div3A_1491 : f32 to vector<8x8xf32>
    %div3A_1493 = arith.divf %dot_general3A_1474, %div3A_1492 : vector<8x8xf32>
    %div3A_1494 = arith.constant 4.096000e+03 : f32
    %div3A_1495 = vector.broadcast %div3A_1494 : f32 to vector<8x8xf32>
    %div3A_1496 = arith.divf %dot_general3A_1478, %div3A_1495 : vector<8x8xf32>
    %div3A_1497 = arith.constant 4.096000e+03 : f32
    %div3A_1498 = vector.broadcast %div3A_1497 : f32 to vector<8x8xf32>
    %div3A_1499 = arith.divf %dot_general3A_1470, %div3A_1498 : vector<8x8xf32>
    %mul3A_1500 = arith.mulf %div3A_1481, %div3A_1499 : vector<8x8xf32>
    %sub3A_1501 = arith.subf %div3A_1496, %mul3A_1500 : vector<8x8xf32>
    %mul3A_1502 = arith.constant 2.000000e+00 : f32
    %mul3A_1503 = vector.broadcast %mul3A_1502 : f32 to vector<8x8xf32>
    %mul3A_1504 = arith.mulf %mul3A_1503, %sub3A_1501 : vector<8x8xf32>
    %div3A_1505 = arith.divf %mul3A_1504, %sqrt3A_1490 : vector<8x8xf32>
    %sub3A_1506 = arith.subf %div3A_1493, %div3A_1505 : vector<8x8xf32>
    %add3A_1507 = arith.constant 9.99999997E-7 : f32
    %add3A_1508 = vector.broadcast %add3A_1507 : f32 to vector<8x8xf32>
    %add3A_1509 = arith.addf %sub3A_1486, %add3A_1508 : vector<8x8xf32>
    %div3A_1510 = arith.divf %sub3A_1486, %add3A_1509 : vector<8x8xf32>
    %add3A_1511 = arith.addf %sub3A_1506, %div3A_1510 : vector<8x8xf32>
    %swap3A_1512 = arith.constant 0 : index
    %swap3A_1513 = arith.constant 3 : index
    %swap3A_1514 = arith.constant 0 : index
    %swap3A_1515 = arith.constant 0 : index
    %swap3A_1516 = vector.load %arg4[%swap3A_1512, %swap3A_1513, %swap3A_1514, %swap3A_1515] : memref<1x4x8x8xf32, #tpu.memory_space<vmem>>, vector<1x1x8x8xf32>
    %swap3A_1517 = vector.shape_cast %swap3A_1516 : vector<1x1x8x8xf32> to vector<8x8xf32>
    %swap3A_1518 = vector.shape_cast %add3A_1511 : vector<8x8xf32> to vector<1x1x8x8xf32>
    tpu.vector_store %arg4[%swap3A_1512, %swap3A_1513, %swap3A_1514, %swap3A_1515], %swap3A_1518 {strides = array<i32>} : memref<1x4x8x8xf32, #tpu.memory_space<vmem>>, vector<1x1x8x8xf32>,
    return
  }
  func.func @transform_0(%arg0: i32, %arg1: i32) -> (i32, i32, i32, i32) {
    %c0_i32 = arith.constant 0 : i32
    %c0_i32_0 = arith.constant 0 : i32
    %c0_i32_1 = arith.constant 0 : i32
    return %arg0, %arg1, %c0_i32, %c0_i32_0 : i32, i32, i32, i32
  }
  func.func @transform_1(%arg0: i32, %arg1: i32) -> (i32, i32, i32, i32) {
    %c0_i32 = arith.constant 0 : i32
    %c0_i32_0 = arith.constant 0 : i32
    %c0_i32_1 = arith.constant 0 : i32
    return %arg0, %arg1, %c0_i32, %c0_i32_0 : i32, i32, i32, i32
  }
  func.func @transform_2(%arg0: i32, %arg1: i32) -> (i32, i32, i32, i32) {
    %c0_i32 = arith.constant 0 : i32
    %c0_i32_0 = arith.constant 0 : i32
    %c0_i32_1 = arith.constant 0 : i32
    return %arg0, %arg1, %c0_i32, %c0_i32_0 : i32, i32, i32, i32
  }
}

</mosaic_0001>

<sc_bundles>
// kernel: kernel.5.cloned.1.call-start
scs
__scs_entry_jumppad:
0x0: {  	(pc) =	sbr.rel $0x88, $3  }
0x1: {  	(tag) =	ssettag $0x0;
	lr =	simm.s32 $0x1  }
0x2: {  	[smem:$0x3F9E] =	sst lr;
	_ =	strace $0xD0000000  }
0x3: {  	_ = 	snop  }
0x4: {  	_ = 	snop  }
0x5: {  	_ = 	snop  }
0x6: {  	_ = 	snop  }
0x7: {  	_ = 	snop  }
__scs_overlays_trampoline_lowered:
0x8: {  	[smem:$0x3FAD] =	sst s0  }
0x9: {  	[smem:$0x3FAE] =	sst s1  }
0xa: {  	[smem:$0x3FAF] =	sst s2  }
0xb: {  	[smem:$0x3FB0] =	sst s3  }
0xc: {  	[smem:$0x3FB1] =	sst s4  }
0xd: {  	[smem:$0x3FB2] =	sst s5  }
0xe: {  	[smem:$0x3FB3] =	sst s6  }
0xf: {  	[smem:$0x3FB4] =	sst s7  }
0x10: {  	[smem:$0x3FB5] =	sst s8  }
0x11: {  	[smem:$0x3FB6] =	sst s9;
	s0 =	simm.s32 @!p0 $0x0  }
0x12: {  	s1 =	sld [smem:$0x3F9C];
	s0 =	simm.s32 @p0 $0x1  }
0x13: {  	[smem:$0x3FB7] =	sst s0;
	s0 =	simm.s32 @!p1 $0x0  }
0x14: {  	s2 =	sld [smem:$0x3F9B];
	s0 =	simm.s32 @p1 $0x1  }
0x15: {  	[smem:$0x3FB8] =	sst s0;
	s0 =	simm.s32 @!p2 $0x0  }
0x16: {  	s3 =	sld [smem:$0x3FDB];
	s0 =	simm.s32 @p2 $0x1  }
0x17: {  	s4 =	simm.s32 $0x1BF5;
	[smem:$0x3FBA] =	sst s0  }
0x18: {  	s0 =	sld [smem:$0x3F9D];
	_ =	swait.ge [sflag:s4], $0x0  }
0x19: {  	s7 =	sld [smem:$0x3F9E]  }
0x1a: {  	s8 =	sadd.s32 $0xFFFFE003, lr  }
0x1b: {  	s9 =	sadd.s32 $0xFFFFFEF7, lr;
	s5 =	simm.s32 $0xFFFFFFFF;
	p2 =	slt.u32 s8, $0xFFFFF086  }
0x1c: {  	p1 =	slt.u32 s9, $0xF7A;
	s5 =	simm.s32 @!p2 $0x0  }
0x1d: {  	s5 =	simm.s32 @p1 $0x1;
	p0 =	seq.s32 s7, s2  }
0x1e: {  	s7 =	smul.u32 @!p0 $0xF7A, s2;
	p2 =	seq.s32 @!p0 s5, $0x0  }
0x1f: {  	s9 =	smul.u32 $0xF7A, s1;
	s8 =	simm.s32 @!p0 $0x1BF5;
	p2 =	por !p2, p0  }
0x20: {  	[sflag:s8] =	ssyncset.s32 @!p0 $0xFFFFF086;
	s6 =	sadd.s32 @!p0 s3, s7;
	s7 =	simm.s32 @!p0 $0x108  }
0x21: {  	s3 =	sadd.s32 s3, s9;
	s6 =	sadd.s32 @!p0 $0x88, s6;
	s7 =	simm.s32 @p2 $0x1082  }
0x22: {  	[simem:s7], [sflag:s8] =	dma.local @!p0 [hbm:s6], $0xF7A  }
0x23: {  	s9 =	sor.u32 $0xD0000000, s2;
	s6 =	simm.s32 $0x108;
	_ =	swait.ge @!p0 [sflag:s8], $0x0  }
0x24: {  	s3 =	sadd.s32 $0x88, s3;
	s6 =	simm.s32 @!p1 $0x1082;
	[sflag:s4] =	ssyncset.s32 $0xFFFFF086  }
0x25: {  	[simem:s6], [sflag:s4] =	dma.local [hbm:s3], $0xF7A  }
0x26: {  	[smem:$0x3F9E] =	sst s1;
	(tag) =	ssettag s2;
	_ =	strace s9  }
0x27: {  	s1 =	sld [smem:$0x3FAE]  }
0x28: {  	s2 =	sld [smem:$0x3FAF]  }
0x29: {  	s4 =	sld [smem:$0x3FB1]  }
0x2a: {  	p0 =	seq.s32 s5, $0x0;
	s5 =	sld [smem:$0x3FB2]  }
0x2b: {  	s6 =	sld [smem:$0x3FB3]  }
0x2c: {  	s7 =	sld [smem:$0x3FB4]  }
0x2d: {  	s3 =	simm.s32 $0x108;
	s8 =	sld [smem:$0x3FB5]  }
0x2e: {  	s3 =	simm.s32 @!p0 $0x1082;
	s9 =	sld [smem:$0x3FB6]  }
0x2f: {  	lr =	sadd.s32 s0, s3;
	s0 =	sld [smem:$0x3FAD]  }
0x30: {  	s3 =	sld [smem:$0x3FB0]  }
0x31: {  	[smem:$0x3FB9] =	sst s10  }
0x32: {  	s10 =	sld [smem:$0x3FB7];
	_ =	sdelay $0x3  }
0x33: {  	p0 =	seq.s32 s10, $0x1;
	s10 =	sld [smem:$0x3FB9];
	_ =	sdelay $0x3  }
0x34: {  	[smem:$0x3FB9] =	sst s10  }
0x35: {  	s10 =	sld [smem:$0x3FB8];
	_ =	sdelay $0x3  }
0x36: {  	p1 =	seq.s32 s10, $0x1;
	s10 =	sld [smem:$0x3FB9];
	_ =	sdelay $0x3  }
0x37: {  	[smem:$0x3FB9] =	sst s10  }
0x38: {  	s10 =	sld [smem:$0x3FBA]  }
0x39: {  	_ = 	snop;
	(pc) =	sbr.ind lr, $3  }
0x3a: {  	_ = 	snop  }
0x3b: {  	_ = 	snop  }
0x3c: {  	p2 =	seq.s32 s10, $0x1;
	s10 =	sld [smem:$0x3FB9]  }
0x3d: {  	_ =	shalt  }
0x3e: {  	_ =	shalt  }
0x3f: {  	_ =	shalt  }
0x40: {  	_ =	shalt  }
0x41: {  	_ =	shalt  }
0x42: {  	_ =	shalt  }
0x43: {  	_ =	shalt  }
0x44: {  	_ =	shalt  }
0x45: {  	_ =	shalt  }
0x46: {  	_ =	shalt  }
0x47: {  	_ =	shalt  }
0x48: {  	_ =	shalt  }
0x49: {  	_ =	shalt  }
0x4a: {  	_ =	shalt  }
0x4b: {  	_ =	shalt  }
0x4c: {  	_ =	shalt  }
0x4d: {  	_ =	shalt  }
0x4e: {  	_ =	shalt  }
0x4f: {  	_ =	shalt  }
0x50: {  	_ =	shalt  }
0x51: {  	_ =	shalt  }
0x52: {  	_ =	shalt  }
0x53: {  	_ =	shalt  }
0x54: {  	_ =	shalt  }
0x55: {  	_ =	shalt  }
0x56: {  	_ =	shalt  }
0x57: {  	_ =	shalt  }
0x58: {  	_ =	shalt  }
0x59: {  	_ =	shalt  }
0x5a: {  	_ =	shalt  }
0x5b: {  	_ =	shalt  }
0x5c: {  	_ =	shalt  }
0x5d: {  	_ =	shalt  }
0x5e: {  	_ =	shalt  }
0x5f: {  	_ =	shalt  }
0x60: {  	_ =	shalt  }
0x61: {  	_ =	shalt  }
0x62: {  	_ =	shalt  }
0x63: {  	_ =	shalt  }
0x64: {  	_ =	shalt  }
0x65: {  	_ =	shalt  }
0x66: {  	_ =	shalt  }
0x67: {  	_ =	shalt  }
0x68: {  	_ =	shalt  }
0x69: {  	_ =	shalt  }
0x6a: {  	_ =	shalt  }
0x6b: {  	_ =	shalt  }
0x6c: {  	_ =	shalt  }
0x6d: {  	_ =	shalt  }
0x6e: {  	_ =	shalt  }
0x6f: {  	_ =	shalt  }
0x70: {  	_ =	shalt  }
0x71: {  	_ =	shalt  }
0x72: {  	_ =	shalt  }
0x73: {  	_ =	shalt  }
0x74: {  	_ =	shalt  }
0x75: {  	_ =	shalt  }
0x76: {  	_ =	shalt  }
0x77: {  	_ =	shalt  }
0x78: {  	_ =	shalt  }
0x79: {  	_ =	shalt  }
0x7a: {  	_ =	shalt  }
0x7b: {  	_ =	shalt  }
0x7c: {  	_ =	shalt  }
0x7d: {  	_ =	shalt  }
0x7e: {  	_ =	shalt  }
0x7f: {  	_ =	shalt  }
0x80: {  	_ =	shalt  }
0x81: {  	_ =	shalt  }
0x82: {  	_ =	shalt  }
0x83: {  	_ =	shalt  }
0x84: {  	_ =	shalt  }
0x85: {  	_ =	shalt  }
0x86: {  	_ =	shalt  }
0x87: {  	_ =	shalt  }
.Lfunc_end0:
.L_simem_size_0:
called_computation_lowered:
.L_overlay_start_0:
0x88: {  	s0 =	sld [smem:$0x3FD9]  }
0x89: {  	s1 =	sld [smem:$0x3FFE];
	_ =	sdelay $0x3  }
0x8a: {  	s0 =	sadd.s32 s1, s0  }
0x8b: {  	[smem:$0x3FC5] =	sst s0  }
0x8c: {  	_ = 	snop  }
0x8d: {  	(tm) =	ssettm $0x1  }
0x8e: {  	s15 =	sld [smem:$0x3FFB];
	_ =	sdelay $0x3  }
0x8f: {  	_ =	strace s15  }
0x90: {  	s0 =	sld [smem:$0x3FFC];
	_ =	sdelay $0x3  }
0x91: {  	_ =	strace s0  }
0x92: {  	s0 =	sld [smem:$0x3FFD];
	_ =	sdelay $0x3  }
0x93: {  	_ =	strace s0  }
0x94: {  	_ =	strace $0x8FFFFFFF  }
0x95: {  	s16 =	sld [smem:$0x3FDB];
	_ =	sdelay $0x1  }
0x96: {  	s17 =	simm.s32 $_scs_section_size  }
0x97: {  	s2 =	simm.s32 $_size__tile_overlayer_lowered;
	s3 =	simm.s32 $_tile_overlayer_lowered  }
0x98: {  	s20 =	simm.s32 $0x1BFF;
	s19 =	sshll.u32 s3, $0x1;
	s0 =	sadd.s32 s17, s16  }
0x99: {  	s4 =	simm.s32 $0x0;
	s18 =	sshll.u32 s2, $0x1;
	s2 =	sadd.s32 s19, s0  }
0x9a: {  	[timem:s4], [sflag:s20] =	dma.local [hbm:s2], s18  }
0x9b: {  	_ =	swait.ge [sflag:s20], s18  }
0x9c: {  	s1 =	ssub.s32 $0x0, s18;
	[sflag:s20] =	ssyncset.done $0x0  }
0x9d: {  	[sflag:s20] =	ssyncadd.s32 s1;
	_ =	sdelay $0x1  }
0x9e: {  	s21 =	simm.s32 $0x1B8B  }
0x9f: {  	_ =	swait.ge [sflag:s21], $0x1  }
0xa0: {  	[sflag:s21] =	ssyncset.done $0x0  }
0xa1: {  	s23 =	simm.s32 $0x1B8E;
	s22 =	sld [smem:$0x3FFE];
	[sflag:s21] =	ssyncadd.s32 $0xFFFFFFFF  }
0xa2: {  	s24 =	simm.s32 $execute0_lowered;
	[smem:$0x3FD2] =	sst s23  }
0xa3: {  	s2 =	sshll.u32 s24, $0x1;
	_ =	strace $0x80000046;
	[dreg:$0x1] =	wrdreg $0xFFFFFFFF  }
0xa4: {  	s25 =	simm.s32 $_size_execute0_lowered;
	s0 =	sadd.s32 s0, s2;
	[dreg:$0x0] =	wrdreg $0x0  }
0xa5: {  	s2 =	sshll.u32 s25, $0x1;
	[dreg:$0x2] =	wrdreg s0  }
0xa6: {  	[dreg:$0x3] =	wrdreg s2  }
0xa7: {  	[dreg:$0x4] =	wrdreg $0xC0  }
0xa8: {  	_ =	task [dreg:s4], $0x5FFFF  }
0xa9: {  	[dreg:$0x1] =	wrdreg $0xFFFFFFFF  }
0xaa: {  	[dreg:$0x0] =	wrdreg $0x60  }
0xab: {  	[dreg:$0x2] =	wrdreg s22  }
0xac: {  	[dreg:$0x3] =	wrdreg $0x9  }
0xad: {  	_ =	task.clear_ibuf [dreg:s4], $0x4FFFF;
	_ =	strace $0x90000046  }
0xae: {  	s26 =	simm.s32 $0x9;
	_ =	strace $0x80000048  }
0xaf: {  	_ =	swait.ge [sflag:s26], $0x1  }
0xb0: {  	[sflag:s26] =	ssyncadd.s32 $0xFFFFFFFF  }
0xb1: {  	_ =	strace $0x90000048  }
0xb2: {  	_ =	sfence  }
0xb3: {  	s28 =	sld [smem:$0x0];
	_ =	sdelay $0x1  }
0xb4: {  	s29 =	srdreg.scid  }
0xb5: {  	s30 =	sshll.u32 s29, $0xD;
	s31 =	sshrl.u32 s29, $0x2  }
0xb6: {  	s1 =	sand.u32 $0x1, s29;
	s2 =	sand.u32 $0x4000, s30;
	s0 =	sadd.s32 s31, s28  }
0xb7: {  	s1 =	sor.u32 s2, s1;
	s0 =	sshll.u32 s0, $0x11  }
0xb8: {  	s0 =	sor.u32 s0, s1  }
0xb9: {  	s0 =	sadd.s32 $0x8F2B, s0  }
0xba: {  	[sflag:s0] =	ssyncadd.remote.s32 $0x1  }
0xbb: {  	_ =	sfence.sel $0xFFFF  }
0xbc: {  	[dreg:$0x0] =	wrdreg $0xFFFFFFFF;
	(pc) =	sbr.abs _section_cstart, $3  }
0xbd: {  	[dreg:$0x1] =	wrdreg $0xFFFFFFFF  }
0xbe: {  	_ =	task.clear_ibuf [dreg:s4], $0x2FFFF;
	_ =	strace $0x9FFFFFFF  }
0xbf: {  	(tm) =	ssettm $0x7FFFFFFF  }
tec
execute0_lowered:
.L_overlay_start_1:
0x0: {  	(tag) =	ssettag $0x1  }
0x1: {  	s1 =	stileid.u32  }
0x2: {  	p0 =	sgt.u32 s1, $0x3  }
.Ltmp0:
0x3: {  	_ = 	snop;
	(pc) =	sbr.rel @p0 .LBB2_8-.Ltmp0, $4  }
0x4: {  	_ = 	snop  }
0x5: {  	s2 =	rddreg [dreg:$0x0];
	s4 =	simm.s32 $0x0  }
0x6: {  	[smem:$0x7FF] =	sst s4  }
0x7: {  	s0 =	rddreg [dreg:$0x1];
	_ =	strace $0x80000047  }
0x8: {  	s5 =	sadd.s32 $0x600, s2;
	s3 =	sshll.u32 s1, $0x4;
	s6 =	simm.s32 $0x80  }
0x9: {  	s7 =	simm.s32 $0x200;
	s30 =	simm.s32 $0x1;
	s5 =	sadd.s32 s5, s3  }
0xa: {  	[tilespmem:s4], [sflag:$0x1] =	stream.strided.gather [hbm4b:s5+s6], $0x200, s7, s6, $0x38;
	[tilespmem:$0x400] =	vst v63  }
0xb: {  	_ =	swait.ge [sflag:s30], $0x200  }
0xc: {  	[sflag:s30] =	ssyncset.done $0x0  }
0xd: {  	[sflag:s30] =	ssyncadd.s32 $0xFFFFFE00  }
0xe: {  	v30 =	vld [tilespmem:$0x0]  }
0xf: {  	v31 =	vld [tilespmem:$0x10]  }
0x10: {  	v29 =	vld [tilespmem:$0x20]  }
0x11: {  	v28 =	vld [tilespmem:$0x30]  }
0x12: {  	v27 =	vld [tilespmem:$0x40]  }
0x13: {  	v26 =	vld [tilespmem:$0x50]  }
0x14: {  	v25 =	vld [tilespmem:$0x60]  }
0x15: {  	v24 =	vld [tilespmem:$0x70]  }
0x16: {  	v23 =	vld [tilespmem:$0x80]  }
0x17: {  	v22 =	vld [tilespmem:$0x90]  }
0x18: {  	v21 =	vld [tilespmem:$0xA0]  }
0x19: {  	v20 =	vld [tilespmem:$0xB0]  }
0x1a: {  	v19 =	vld [tilespmem:$0xC0]  }
0x1b: {  	v18 =	vld [tilespmem:$0xD0]  }
0x1c: {  	v17 =	vld [tilespmem:$0xE0]  }
0x1d: {  	v15 =	vld [tilespmem:$0xF0]  }
0x1e: {  	v13 =	vld [tilespmem:$0x100]  }
0x1f: {  	v11 =	vld [tilespmem:$0x110]  }
0x20: {  	v8 =	vld [tilespmem:$0x120]  }
0x21: {  	v5 =	vld [tilespmem:$0x130]  }
0x22: {  	v0 =	vimm.s32 $0xFEDCBA9;
	v2 =	vld [tilespmem:$0x140]  }
0x23: {  	v1 =	vunpack.c.l.s4.s8 v0;
	v0 =	vimm.s32 $0x87654321;
	v3 =	vld [tilespmem:$0x150]  }
0x24: {  	v32 =	vimm.s32 $0x0;
	v6 =	vimm.s32 $0x10FEDCBA;
	v4 =	vunpack.c.l.s4.s8 v0;
	v0 =	vld [tilespmem:$0x160]  }
0x25: {  	v7 =	vimm.s32 $0x98765432;
	v9 =	vimm.s32 $0xBA987654;
	v14 =	vunpack.c.0.s8.s32 v1;
	v1 =	vld [tilespmem:$0x170]  }
0x26: {  	v34 =	vimm.s32 $0xFEDCBA98;
	v36 =	vimm.s32 $0x76543210;
	v16 =	vunpack.c.0.s8.s32 v4;
	v4 =	vld [tilespmem:$0x180]  }
0x27: {  	v10 =	vunpack.c.l.s4.s8 v6;
	v12 =	vunpack.c.l.s4.s8 v7;
	v7 =	vimm.s32 $0x3210FEDC;
	v6 =	vld [tilespmem:$0x190]  }
0x28: {  	v35 =	vunpack.c.l.s4.s8 v9;
	v34 =	vunpack.c.l.s4.s8 v34;
	v33 =	vunpack.c.l.s4.s8 v7;
	v7 =	vld [tilespmem:$0x1A0]  }
0x29: {  	v36 =	vunpack.c.l.s4.s8 v36;
	v37 =	vunpack.c.0.s8.s32 v10;
	v39 =	vunpack.c.0.s8.s32 v12;
	v9 =	vld [tilespmem:$0x1B0]  }
0x2a: {  	v38 =	vimm.s32 $0x7FFFFFFF;
	v35 =	vunpack.c.0.s8.s32 v35;
	v40 =	vunpack.c.0.s8.s32 v34;
	v10 =	vld [tilespmem:$0x1C0]  }
0x2b: {  	v41 =	vunpack.c.0.s8.s32 v36;
	v33 =	vunpack.c.0.s8.s32 v33;
	v36 =	vcombine.low v39, v37;
	v12 =	vld [tilespmem:$0x1D0]  }
0x2c: {  	s31 =	sadd.s32 s3, s2;
	v63 =	vand.u32 $0xF, v40;
	v39 =	vsub.s32 v38, v32;
	v34 =	vcombine.low v16, v14;
	v14 =	vld [tilespmem:$0x1E0]  }
0x2d: {  	s3 =	simm.s32 $0x1E;
	s2 =	sadd.s32 $0x800, s31;
	v35 =	vcombine.low v35, v33;
	v16 =	vld [tilespmem:$0x1F0];
	v37 =	vcombine.low v63, v41;
	v33 =	vimm.s32 $0x0  }
.LBB2_2:
0x2e: {  	p0 =	sne.s32 s3, $0x1;
	v39 =	vshra.s32 v39, $0x1  }
0x2f: {  	v39 =	vadd.s32 v33, v39  }
0x30: {  	vm0 =	vle.s32 v30, v39;
	vm1 =	vle.s32 v31, v39  }
0x31: {  	v40 =	vsel vm0, $0x1, v32;
	v41 =	vsel vm1, $0x1, v32;
	vm0 =	vle.s32 v29, v39  }
0x32: {  	v40 =	vadd.s32 v41, v40;
	v41 =	vsel vm0, $0x1, v32;
	vm0 =	vle.s32 v28, v39  }
0x33: {  	v40 =	vadd.s32 v41, v40;
	v41 =	vsel vm0, $0x1, v32;
	vm0 =	vle.s32 v27, v39  }
0x34: {  	v40 =	vadd.s32 v41, v40;
	v41 =	vsel vm0, $0x1, v32;
	vm0 =	vle.s32 v26, v39  }
0x35: {  	v40 =	vadd.s32 v41, v40;
	v41 =	vsel vm0, $0x1, v32;
	vm0 =	vle.s32 v25, v39  }
0x36: {  	v40 =	vadd.s32 v41, v40;
	v41 =	vsel vm0, $0x1, v32;
	vm0 =	vle.s32 v24, v39  }
0x37: {  	v40 =	vadd.s32 v41, v40;
	v41 =	vsel vm0, $0x1, v32;
	vm0 =	vle.s32 v23, v39  }
0x38: {  	v40 =	vadd.s32 v41, v40;
	v41 =	vsel vm0, $0x1, v32;
	vm0 =	vle.s32 v22, v39  }
0x39: {  	v40 =	vadd.s32 v41, v40;
	v41 =	vsel vm0, $0x1, v32;
	vm0 =	vle.s32 v21, v39  }
0x3a: {  	v40 =	vadd.s32 v41, v40;
	v41 =	vsel vm0, $0x1, v32;
	vm0 =	vle.s32 v20, v39  }
0x3b: {  	v40 =	vadd.s32 v41, v40;
	v41 =	vsel vm0, $0x1, v32;
	vm0 =	vle.s32 v19, v39  }
0x3c: {  	v40 =	vadd.s32 v41, v40;
	v41 =	vsel vm0, $0x1, v32;
	vm0 =	vle.s32 v18, v39  }
0x3d: {  	v40 =	vadd.s32 v41, v40;
	v41 =	vsel vm0, $0x1, v32;
	vm0 =	vle.s32 v17, v39  }
0x3e: {  	v40 =	vadd.s32 v41, v40;
	v41 =	vsel vm0, $0x1, v32;
	vm0 =	vle.s32 v15, v39  }
0x3f: {  	v40 =	vadd.s32 v41, v40;
	v41 =	vsel vm0, $0x1, v32;
	vm0 =	vle.s32 v13, v39  }
0x40: {  	v40 =	vadd.s32 v41, v40;
	v41 =	vsel vm0, $0x1, v32;
	vm0 =	vle.s32 v11, v39  }
0x41: {  	v40 =	vadd.s32 v41, v40;
	v41 =	vsel vm0, $0x1, v32;
	vm0 =	vle.s32 v8, v39  }
0x42: {  	v40 =	vadd.s32 v41, v40;
	v41 =	vsel vm0, $0x1, v32;
	vm0 =	vle.s32 v5, v39  }
0x43: {  	v40 =	vadd.s32 v41, v40;
	v41 =	vsel vm0, $0x1, v32;
	vm0 =	vle.s32 v2, v39  }
0x44: {  	v40 =	vadd.s32 v41, v40;
	v41 =	vsel vm0, $0x1, v32;
	vm0 =	vle.s32 v3, v39  }
0x45: {  	v40 =	vadd.s32 v41, v40;
	v41 =	vsel vm0, $0x1, v32;
	vm0 =	vle.s32 v0, v39  }
0x46: {  	v40 =	vadd.s32 v41, v40;
	v41 =	vsel vm0, $0x1, v32;
	vm0 =	vle.s32 v1, v39  }
0x47: {  	v40 =	vadd.s32 v41, v40;
	v41 =	vsel vm0, $0x1, v32;
	vm0 =	vle.s32 v4, v39  }
0x48: {  	v40 =	vadd.s32 v41, v40;
	v41 =	vsel vm0, $0x1, v32;
	vm0 =	vle.s32 v6, v39  }
0x49: {  	v40 =	vadd.s32 v41, v40;
	v41 =	vsel vm0, $0x1, v32;
	vm0 =	vle.s32 v7, v39  }
0x4a: {  	v40 =	vadd.s32 v41, v40;
	v41 =	vsel vm0, $0x1, v32;
	vm0 =	vle.s32 v9, v39  }
0x4b: {  	v40 =	vadd.s32 v41, v40;
	v41 =	vsel vm0, $0x1, v32;
	vm0 =	vle.s32 v10, v39  }
0x4c: {  	v40 =	vadd.s32 v41, v40;
	v41 =	vsel vm0, $0x1, v32;
	vm0 =	vle.s32 v12, v39  }
0x4d: {  	v40 =	vadd.s32 v41, v40;
	v41 =	vsel vm0, $0x1, v32;
	vm0 =	vle.s32 v14, v39  }
0x4e: {  	v40 =	vadd.s32 v41, v40;
	v41 =	vsel vm0, $0x1, v32;
	vm0 =	vle.s32 v16, v39  }
0x4f: {  	v40 =	vadd.s32 v41, v40;
	v41 =	vsel vm0, $0x1, v32  }
0x50: {  	v40 =	vadd.s32 v41, v40  }
0x51: {  	v41 =	vperm.xlane v40, v34;
	_ =	sdelay $0x1  }
0x52: {  	v40 =	vadd.s32 v40, v41  }
0x53: {  	v41 =	vperm.xlane v40, v36;
	_ =	sdelay $0x1  }
0x54: {  	v40 =	vadd.s32 v41, v40  }
0x55: {  	v41 =	vperm.xlane v40, v35;
	_ =	sdelay $0x1  }
0x56: {  	v40 =	vadd.s32 v41, v40  }
0x57: {  	v41 =	vperm.xlane v40, v37  }
.Ltmp1:
0x58: {  	(pc) =	sbr.rel @p0 .LBB2_2-.Ltmp1, $4  }
0x59: {  	v40 =	vadd.s32 v41, v40  }
0x5a: {  	vm0 =	vgt.s32 v40, $0xCC;
	v40 =	vadd.s32 $0x1, v39  }
0x5b: {  	v33 =	vsel vm0, v33, v40;
	v38 =	vsel vm0, v39, v38  }
0x5c: {  	s3 =	sadd.s32 $0xFFFFFFFF, s3;
	v39 =	vsub.s32 v38, v33  }
0x5d: {  	v38 =	vshra.s32 v39, $0x1  }
0x5e: {  	v38 =	vadd.s32 v33, v38  }
0x5f: {  	vm0 =	vle.s32 v30, v38;
	vm1 =	vle.s32 v31, v38  }
0x60: {  	v55 =	vsel vm0, $0x1, v32;
	v40 =	vsel vm1, $0x1, v32;
	vm0 =	vle.s32 v29, v38  }
0x61: {  	v39 =	vadd.s32 v40, v55;
	v56 =	vsel vm0, $0x1, v32;
	vm0 =	vle.s32 v28, v38  }
0x62: {  	v39 =	vadd.s32 v56, v39;
	v57 =	vsel vm0, $0x1, v32;
	vm0 =	vle.s32 v27, v38  }
0x63: {  	v39 =	vadd.s32 v57, v39;
	v58 =	vsel vm0, $0x1, v32;
	vm0 =	vle.s32 v26, v38  }
0x64: {  	v39 =	vadd.s32 v58, v39;
	v59 =	vsel vm0, $0x1, v32;
	vm0 =	vle.s32 v25, v38  }
0x65: {  	v39 =	vadd.s32 v59, v39;
	v60 =	vsel vm0, $0x1, v32;
	vm0 =	vle.s32 v24, v38  }
0x66: {  	v39 =	vadd.s32 v60, v39;
	v61 =	vsel vm0, $0x1, v32;
	vm0 =	vle.s32 v23, v38  }
0x67: {  	v39 =	vadd.s32 v61, v39;
	v62 =	vsel vm0, $0x1, v32;
	vm0 =	vle.s32 v22, v38  }
0x68: {  	v39 =	vadd.s32 v62, v39;
	v63 =	vsel vm0, $0x1, v32;
	vm0 =	vle.s32 v21, v38  }
0x69: {  	v39 =	vadd.s32 v63, v39;
	v44 =	vsel vm0, $0x1, v32;
	vm0 =	vle.s32 v20, v38  }
0x6a: {  	v39 =	vadd.s32 v44, v39;
	v45 =	vsel vm0, $0x1, v32;
	vm0 =	vle.s32 v19, v38  }
0x6b: {  	v39 =	vadd.s32 v45, v39;
	v46 =	vsel vm0, $0x1, v32;
	vm0 =	vle.s32 v18, v38  }
0x6c: {  	v39 =	vadd.s32 v46, v39;
	v47 =	vsel vm0, $0x1, v32;
	vm0 =	vle.s32 v17, v38  }
0x6d: {  	v39 =	vadd.s32 v47, v39;
	v48 =	vsel vm0, $0x1, v32;
	vm0 =	vle.s32 v15, v38  }
0x6e: {  	v39 =	vadd.s32 v48, v39;
	v49 =	vsel vm0, $0x1, v32;
	vm0 =	vle.s32 v13, v38  }
0x6f: {  	v39 =	vadd.s32 v49, v39;
	v50 =	vsel vm0, $0x1, v32;
	vm0 =	vle.s32 v11, v38  }
0x70: {  	v39 =	vadd.s32 v50, v39;
	v51 =	vsel vm0, $0x1, v32;
	vm0 =	vle.s32 v8, v38  }
0x71: {  	v39 =	vadd.s32 v51, v39;
	v52 =	vsel vm0, $0x1, v32;
	vm0 =	vle.s32 v5, v38  }
0x72: {  	v39 =	vadd.s32 v52, v39;
	v53 =	vsel vm0, $0x1, v32;
	vm0 =	vle.s32 v2, v38  }
0x73: {  	v39 =	vadd.s32 v53, v39;
	v54 =	vsel vm0, $0x1, v32;
	vm0 =	vle.s32 v3, v38  }
0x74: {  	v39 =	vadd.s32 v54, v39;
	v55 =	vsel vm0, $0x1, v32;
	vm0 =	vle.s32 v0, v38  }
0x75: {  	v39 =	vadd.s32 v55, v39;
	v56 =	vsel vm0, $0x1, v32;
	vm0 =	vle.s32 v1, v38  }
0x76: {  	v39 =	vadd.s32 v56, v39;
	v57 =	vsel vm0, $0x1, v32;
	vm0 =	vle.s32 v4, v38  }
0x77: {  	v39 =	vadd.s32 v57, v39;
	v58 =	vsel vm0, $0x1, v32;
	vm0 =	vle.s32 v6, v38  }
0x78: {  	v39 =	vadd.s32 v58, v39;
	v59 =	vsel vm0, $0x1, v32;
	vm0 =	vle.s32 v7, v38  }
0x79: {  	v39 =	vadd.s32 v59, v39;
	v60 =	vsel vm0, $0x1, v32;
	vm0 =	vle.s32 v9, v38  }
0x7a: {  	v39 =	vadd.s32 v60, v39;
	v61 =	vsel vm0, $0x1, v32;
	vm0 =	vle.s32 v10, v38  }
0x7b: {  	v39 =	vadd.s32 v61, v39;
	v62 =	vsel vm0, $0x1, v32;
	vm0 =	vle.s32 v12, v38  }
0x7c: {  	v39 =	vadd.s32 v62, v39;
	v63 =	vsel vm0, $0x1, v32;
	vm0 =	vle.s32 v14, v38  }
0x7d: {  	v39 =	vadd.s32 v63, v39;
	v44 =	vsel vm0, $0x1, v32;
	vm0 =	vle.s32 v16, v38  }
0x7e: {  	v39 =	vadd.s32 v44, v39;
	v45 =	vsel vm0, $0x1, v32  }
0x7f: {  	v32 =	vadd.s32 v45, v39  }
0x80: {  	v34 =	vperm.xlane v32, v34;
	_ =	sdelay $0x1  }
0x81: {  	v32 =	vadd.s32 v32, v34  }
0x82: {  	v34 =	vperm.xlane v32, v36;
	_ =	sdelay $0x1  }
0x83: {  	v47 =	vimm.s32 $0x87654321;
	v32 =	vadd.s32 v34, v32  }
0x84: {  	v46 =	vimm.s32 $0xFEDCBA9;
	v48 =	vunpack.c.l.s4.s8 v47;
	v34 =	vperm.xlane v32, v35  }
0x85: {  	v49 =	vimm.s32 $0x10FEDCBA;
	v50 =	vimm.s32 $0x98765432;
	v51 =	vadd.s32 $0x1, v38  }
0x86: {  	v54 =	vimm.s32 $0x0;
	v36 =	vunpack.c.l.s4.s8 v49;
	v32 =	vadd.s32 v34, v32  }
0x87: {  	v56 =	vimm.s32 $0x0;
	v35 =	vunpack.c.l.s4.s8 v46;
	v34 =	vperm.xlane v32, v37  }
0x88: {  	v52 =	vunpack.c.0.s8.s32 v36;
	v36 =	vimm.s32 $0x3210FEDC;
	v37 =	vunpack.c.l.s4.s8 v50  }
0x89: {  	v35 =	vunpack.c.0.s8.s32 v35;
	v32 =	vadd.s32 v34, v32;
	v34 =	vunpack.c.0.s8.s32 v48  }
0x8a: {  	v50 =	vimm.s32 $0x0;
	v53 =	vunpack.c.0.s8.s32 v37;
	v48 =	vimm.s32 $0x0  }
0x8b: {  	vm0 =	vgt.s32 v32, $0xCC;
	v32 =	vimm.s32 $0x0;
	v35 =	vcombine.low v34, v35  }
0x8c: {  	v33 =	vsel vm0, v33, v51;
	v34 =	vcombine.low v53, v52;
	v52 =	vimm.s32 $0x0  }
0x8d: {  	vm0 =	vle.s32 v30, v33;
	vm1 =	vle.s32 v31, v33;
	vm2 =	vle.s32 v27, v33  }
0x8e: {  	vm3 =	vle.s32 v26, v33;
	vm4 =	vle.s32 v25, v33;
	vm5 =	vle.s32 v24, v33  }
0x8f: {  	vm6 =	vle.s32 v23, v33;
	vm7 =	vle.s32 v22, v33;
	vm8 =	vle.s32 v21, v33  }
0x90: {  	vm9 =	vle.s32 v20, v33;
	vm10 =	vle.s32 v19, v33;
	vm11 =	vle.s32 v18, v33  }
0x91: {  	vm12 =	vle.s32 v17, v33;
	v37 =	vsel vm0, $0xFFFFFFFF, v54;
	v55 =	vsel vm0, $0x1, v32  }
0x92: {  	v39 =	vsel vm1, $0xFFFFFFFF, v56;
	v57 =	vsel vm1, $0x1, v32;
	vm0 =	vle.s32 v29, v33  }
0x93: {  	vm1 =	vle.s32 v28, v33;
	v60 =	vsel vm2, $0x1, v32;
	v61 =	vsel vm3, $0x1, v32  }
0x94: {  	v62 =	vsel vm4, $0x1, v32;
	v63 =	vsel vm5, $0x1, v32;
	v42 =	vsel vm6, $0x1, v32  }
0x95: {  	v43 =	vsel vm7, $0x1, v32;
	v44 =	vsel vm8, $0x1, v32;
	v45 =	vsel vm9, $0x1, v32  }
0x96: {  	v46 =	vsel vm10, $0x1, v32;
	v47 =	vsel vm11, $0x1, v32;
	v49 =	vsel vm12, $0x1, v32  }
0x97: {  	[tilespmem:$0x1FF00] =	vst v37;
	v37 =	vadd.s32 v57, v55;
	v58 =	vsel vm0, $0x1, v32;
	v59 =	vsel vm1, $0x1, v32  }
0x98: {  	[tilespmem:$0x1FF10] =	vst v39;
	v39 =	vsel vm12, $0xFFFFFFFF, v48;
	vm12 =	vle.s32 v15, v33;
	v37 =	vadd.s32 v58, v37  }
0x99: {  	[tilespmem:$0x1FF20] =	vst v39;
	v39 =	vsel vm12, $0xFFFFFFFF, v50;
	v51 =	vsel vm12, $0x1, v32;
	vm12 =	vle.s32 v13, v33  }
0x9a: {  	v54 =	vimm.s32 $0x0;
	v37 =	vadd.s32 v59, v37;
	[tilespmem:$0x1FF30] =	vst v39;
	v39 =	vsel vm12, $0xFFFFFFFF, v52  }
0x9b: {  	v53 =	vsel vm12, $0x1, v32;
	vm12 =	vle.s32 v11, v33;
	v37 =	vadd.s32 v60, v37  }
0x9c: {  	v56 =	vimm.s32 $0x0;
	[tilespmem:$0x1FF40] =	vst v39;
	v39 =	vsel vm12, $0xFFFFFFFF, v54;
	v37 =	vadd.s32 v61, v37  }
0x9d: {  	v55 =	vsel vm12, $0x1, v32;
	vm12 =	vle.s32 v8, v33;
	v37 =	vadd.s32 v62, v37  }
0x9e: {  	v58 =	vimm.s32 $0x0;
	[tilespmem:$0x1FF50] =	vst v39;
	v39 =	vsel vm12, $0xFFFFFFFF, v56;
	v37 =	vadd.s32 v63, v37  }
0x9f: {  	v57 =	vsel vm12, $0x1, v32;
	vm12 =	vle.s32 v5, v33;
	v37 =	vadd.s32 v42, v37  }
0xa0: {  	v60 =	vimm.s32 $0x0;
	[tilespmem:$0x1FF60] =	vst v39;
	v39 =	vsel vm12, $0xFFFFFFFF, v58;
	v37 =	vadd.s32 v43, v37  }
0xa1: {  	v59 =	vsel vm12, $0x1, v32;
	vm12 =	vle.s32 v2, v33;
	v37 =	vadd.s32 v44, v37  }
0xa2: {  	v62 =	vimm.s32 $0x0;
	[tilespmem:$0x1FF70] =	vst v39;
	v39 =	vsel vm12, $0xFFFFFFFF, v60;
	v37 =	vadd.s32 v45, v37  }
0xa3: {  	v61 =	vsel vm12, $0x1, v32;
	vm12 =	vle.s32 v3, v33;
	v37 =	vadd.s32 v46, v37  }
0xa4: {  	[tilespmem:$0x1FF80] =	vst v39;
	v39 =	vsel vm12, $0xFFFFFFFF, v62;
	v63 =	vsel vm12, $0x1, v32;
	v37 =	vadd.s32 v47, v37  }
0xa5: {  	vm12 =	vle.s32 v0, v33;
	v42 =	vimm.s32 $0x0;
	v37 =	vadd.s32 v49, v37  }
0xa6: {  	[tilespmem:$0x1FF90] =	vst v39;
	v39 =	vsel vm12, $0xFFFFFFFF, v42;
	v43 =	vsel vm12, $0x1, v32;
	v37 =	vadd.s32 v51, v37  }
0xa7: {  	vm12 =	vle.s32 v1, v33;
	v44 =	vimm.s32 $0x0;
	v37 =	vadd.s32 v53, v37  }
0xa8: {  	[tilespmem:$0x1FFA0] =	vst v39;
	v39 =	vsel vm12, $0xFFFFFFFF, v44;
	v45 =	vsel vm12, $0x1, v32;
	v37 =	vadd.s32 v55, v37  }
0xa9: {  	vm12 =	vle.s32 v4, v33;
	v46 =	vimm.s32 $0x0;
	v37 =	vadd.s32 v57, v37  }
0xaa: {  	v48 =	vimm.s32 $0x0;
	[tilespmem:$0x1FFB0] =	vst v39;
	v39 =	vsel vm12, $0xFFFFFFFF, v46;
	v37 =	vadd.s32 v59, v37  }
0xab: {  	v47 =	vsel vm12, $0x1, v32;
	vm12 =	vle.s32 v6, v33;
	v37 =	vadd.s32 v61, v37  }
0xac: {  	v50 =	vimm.s32 $0x0;
	[tilespmem:$0x1FFC0] =	vst v39;
	v39 =	vsel vm12, $0xFFFFFFFF, v48;
	v37 =	vadd.s32 v63, v37  }
0xad: {  	v49 =	vsel vm12, $0x1, v32;
	vm12 =	vle.s32 v7, v33;
	v37 =	vadd.s32 v43, v37  }
0xae: {  	v52 =	vimm.s32 $0x0;
	[tilespmem:$0x1FFD0] =	vst v39;
	v39 =	vsel vm12, $0xFFFFFFFF, v50;
	v37 =	vadd.s32 v45, v37  }
0xaf: {  	v51 =	vsel vm12, $0x1, v32;
	vm12 =	vle.s32 v9, v33;
	v37 =	vadd.s32 v47, v37  }
0xb0: {  	v36 =	vunpack.c.l.s4.s8 v36;
	[tilespmem:$0x1FFE0] =	vst v39;
	v39 =	vsel vm12, $0xFFFFFFFF, v52;
	v37 =	vadd.s32 v49, v37  }
0xb1: {  	v53 =	vsel vm12, $0x1, v32;
	vm12 =	vle.s32 v10, v33;
	v37 =	vadd.s32 v51, v37  }
0xb2: {  	vm13 =	vle.s32 v12, v33;
	v54 =	vsel vm12, $0x1, v32;
	v37 =	vadd.s32 v53, v37  }
0xb3: {  	vm14 =	vle.s32 v14, v33;
	v55 =	vsel vm13, $0x1, v32;
	v37 =	vadd.s32 v54, v37  }
0xb4: {  	vm15 =	vle.s32 v16, v33;
	v56 =	vsel vm14, $0x1, v32;
	v37 =	vadd.s32 v55, v37  }
0xb5: {  	v58 =	vsel vm15, $0x1, v32;
	v57 =	vimm.s32 $0xBA987654;
	v37 =	vadd.s32 v56, v37  }
0xb6: {  	v38 =	vand.u32 $0xF, v35;
	v41 =	vunpack.c.l.s4.s8 v57;
	v37 =	vadd.s32 v58, v37  }
0xb7: {  	v36 =	vunpack.c.0.s8.s32 v36;
	v42 =	vperm.xlane v37, v38  }
0xb8: {  	v40 =	vand.u32 $0xF, v34;
	[tilespmem:$0x1FFF0] =	vst v39;
	v59 =	vimm.s32 $0xFEDCBA98;
	v39 =	vunpack.c.0.s8.s32 v41  }
0xb9: {  	v41 =	vunpack.c.l.s4.s8 v59;
	v43 =	vimm.s32 $0x76543210;
	v42 =	vadd.s32 v37, v42  }
0xba: {  	v60 =	vunpack.c.l.s4.s8 v43;
	v37 =	vcombine.low v39, v36;
	v61 =	vperm.xlane v42, v40  }
0xbb: {  	v44 =	vunpack.c.0.s8.s32 v41  }
0xbc: {  	v36 =	vunpack.c.0.s8.s32 v60;
	v41 =	vand.u32 $0xF, v37;
	v42 =	vadd.s32 v61, v42  }
0xbd: {  	v62 =	vand.u32 $0xF, v44;
	v63 =	vperm.xlane v42, v41  }
0xbe: {  	v36 =	vcombine.low v62, v36  }
0xbf: {  	v42 =	vadd.s32 v63, v42  }
0xc0: {  	v43 =	vperm.xlane v42, v36;
	_ =	sdelay $0x1  }
0xc1: {  	v42 =	vadd.s32 v43, v42  }
0xc2: {  	(v2sf) =	vpush v42, $0x0;
	_ =	sdelay $0xe  }
0xc3: {  	s3 =	spop (v2sf)  }
0xc4: {  	p0 =	sne.s32 s3, $0xCD  }
.Ltmp2:
0xc5: {  	_ = 	snop;
	(pc) =	sbr.rel @p0 .LBB2_4-.Ltmp2, $1  }
0xc6: {  	_ =	sdelay $0x3  }
0xc7: {  	v0 =	vimm.f32 $1.000000000e+00;
	v1 =	vimm.s32 $0x0  }
0xc8: {  	v1 =	vsel vm11, $0xFFFFFFFF, v1;
	vm11 =	vmmov vm10;
	vm10 =	vmmov vm9  }
0xc9: {  	vm9 =	vmmov vm8;
	vm8 =	vmmov vm7;
	vm7 =	vmmov vm6  }
0xca: {  	vm6 =	vmmov vm5;
	vm5 =	vmmov vm4;
	v61 =	vsel vm12, $0x0, v0;
	[tilespmem:$0x1FEF0] =	vst v1  }
0xcb: {  	vm4 =	vmmov vm3;
	vm3 =	vmmov vm2;
	v62 =	vsel vm13, $0x0, v0;
	[tilespmem:$0x3C0] =	vst v61  }
0xcc: {  	vm2 =	vmmov vm1;
	vm1 =	vmmov vm0;
	v63 =	vsel vm14, $0x0, v0;
	[tilespmem:$0x3D0] =	vst v62  }
0xcd: {  	v35 =	vsel vm1, $0x0, v0;
	[tilespmem:$0x3E0] =	vst v63  }
0xce: {  	v36 =	vsel vm2, $0x0, v0;
	[tilespmem:$0x220] =	vst v35  }
0xcf: {  	v37 =	vsel vm3, $0x0, v0;
	[tilespmem:$0x230] =	vst v36  }
0xd0: {  	v38 =	vsel vm4, $0x0, v0;
	[tilespmem:$0x240] =	vst v37  }
0xd1: {  	v39 =	vsel vm5, $0x0, v0;
	[tilespmem:$0x250] =	vst v38  }
0xd2: {  	v34 =	vld [tilespmem:$0x1FF00];
	v40 =	vsel vm6, $0x0, v0;
	[tilespmem:$0x260] =	vst v39  }
0xd3: {  	v2 =	vld [tilespmem:$0x1FF10];
	v41 =	vsel vm7, $0x0, v0;
	[tilespmem:$0x270] =	vst v40  }
0xd4: {  	v47 =	vld [tilespmem:$0x1FF20];
	v42 =	vsel vm8, $0x0, v0;
	[tilespmem:$0x280] =	vst v41  }
0xd5: {  	v49 =	vld [tilespmem:$0x1FF40];
	v43 =	vsel vm9, $0x0, v0;
	[tilespmem:$0x290] =	vst v42  }
0xd6: {  	v44 =	vsel vm10, $0x0, v0;
	[tilespmem:$0x2A0] =	vst v43;
	v46 =	vld [tilespmem:$0x1FEF0]  }
0xd7: {  	v51 =	vld [tilespmem:$0x1FF60];
	v45 =	vsel vm11, $0x0, v0;
	[tilespmem:$0x2B0] =	vst v44;
	vm0 =	vnez.u8 v34  }
0xd8: {  	v48 =	vld [tilespmem:$0x1FF30];
	[tilespmem:$0x2C0] =	vst v45;
	v1 =	vsel vm0, $0x0, v0;
	vm0 =	vnez.u8 v2  }
0xd9: {  	v53 =	vld [tilespmem:$0x1FF80];
	vm6 =	vnez.u8 v47;
	v2 =	vsel vm0, $0x0, v0;
	[tilespmem:$0x200] =	vst v1  }
0xda: {  	v50 =	vld [tilespmem:$0x1FF50];
	vm8 =	vnez.u8 v49;
	v1 =	vsel vm6, $0x0, v0;
	[tilespmem:$0x210] =	vst v2  }
0xdb: {  	v55 =	vld [tilespmem:$0x1FFA0];
	vm5 =	vnez.u8 v46;
	[tilespmem:$0x2E0] =	vst v1;
	v1 =	vsel vm8, $0x0, v0  }
0xdc: {  	v52 =	vld [tilespmem:$0x1FF70];
	vm10 =	vnez.u8 v51;
	v2 =	vsel vm5, $0x0, v0;
	[tilespmem:$0x300] =	vst v1  }
0xdd: {  	v57 =	vld [tilespmem:$0x1FFC0];
	vm7 =	vnez.u8 v48;
	v1 =	vsel vm10, $0x0, v0;
	[tilespmem:$0x2D0] =	vst v2  }
0xde: {  	v54 =	vld [tilespmem:$0x1FF90];
	vm4 =	vnez.u8 v53;
	v2 =	vsel vm7, $0x0, v0;
	[tilespmem:$0x320] =	vst v1  }
0xdf: {  	v59 =	vld [tilespmem:$0x1FFE0];
	vm9 =	vnez.u8 v50;
	v1 =	vsel vm4, $0x0, v0;
	[tilespmem:$0x2F0] =	vst v2  }
0xe0: {  	v56 =	vld [tilespmem:$0x1FFB0];
	vm6 =	vnez.u8 v55;
	v2 =	vsel vm9, $0x0, v0;
	[tilespmem:$0x340] =	vst v1  }
0xe1: {  	v58 =	vld [tilespmem:$0x1FFD0];
	vm11 =	vnez.u8 v52;
	v1 =	vsel vm6, $0x0, v0;
	[tilespmem:$0x310] =	vst v2  }
0xe2: {  	v60 =	vld [tilespmem:$0x1FFF0];
	vm8 =	vnez.u8 v57;
	v2 =	vsel vm11, $0x0, v0;
	[tilespmem:$0x360] =	vst v1  }
0xe3: {  	vm5 =	vnez.u8 v54;
	v1 =	vsel vm8, $0x0, v0;
	[tilespmem:$0x330] =	vst v2  }
0xe4: {  	vm10 =	vnez.u8 v59;
	v2 =	vsel vm5, $0x0, v0;
	[tilespmem:$0x380] =	vst v1  }
0xe5: {  	vm7 =	vnez.u8 v56;
	v1 =	vsel vm10, $0x0, v0;
	[tilespmem:$0x350] =	vst v2  }
.Ltmp3:
0xe6: {  	vm9 =	vnez.u8 v58;
	v2 =	vsel vm7, $0x0, v0;
	[tilespmem:$0x3A0] =	vst v1;
	(pc) =	sbr.rel .LBB2_7-.Ltmp3, $4  }
0xe7: {  	vm11 =	vnez.u8 v60;
	[tilespmem:$0x370] =	vst v2;
	v2 =	vsel vm9, $0x0, v0  }
0xe8: {  	[tilespmem:$0x390] =	vst v2;
	v2 =	vsel vm11, $0x0, v0  }
0xe9: {  	v0 =	vsel vm15, $0x0, v0;
	[tilespmem:$0x3B0] =	vst v2  }
0xea: {  	[tilespmem:$0x3F0] =	vst v0  }
.LBB2_4:
0xeb: {  	vm0 =	vlt.s32 v30, v33;
	vm1 =	vlt.s32 v31, v33  }
0xec: {  	v30 =	vsel vm0, $0x1, v32;
	v31 =	vsel vm1, $0x1, v32;
	vm0 =	vlt.s32 v29, v33  }
0xed: {  	v58 =	vadd.s32 v31, v30;
	v59 =	vsel vm0, $0x1, v32;
	vm0 =	vlt.s32 v28, v33  }
0xee: {  	v60 =	vadd.s32 v59, v58;
	v61 =	vsel vm0, $0x1, v32;
	vm0 =	vlt.s32 v27, v33  }
0xef: {  	v62 =	vadd.s32 v61, v60;
	v63 =	vsel vm0, $0x1, v32;
	vm0 =	vlt.s32 v26, v33  }
0xf0: {  	v30 =	vadd.s32 v63, v62;
	v31 =	vsel vm0, $0x1, v32;
	vm0 =	vlt.s32 v25, v33  }
0xf1: {  	v42 =	vadd.s32 v31, v30;
	v43 =	vsel vm0, $0x1, v32;
	vm0 =	vlt.s32 v24, v33  }
0xf2: {  	v44 =	vadd.s32 v43, v42;
	v45 =	vsel vm0, $0x1, v32;
	vm0 =	vlt.s32 v23, v33  }
0xf3: {  	v46 =	vadd.s32 v45, v44;
	v47 =	vsel vm0, $0x1, v32;
	vm0 =	vlt.s32 v22, v33  }
0xf4: {  	v48 =	vadd.s32 v47, v46;
	v49 =	vsel vm0, $0x1, v32;
	vm0 =	vlt.s32 v21, v33  }
0xf5: {  	v50 =	vadd.s32 v49, v48;
	v51 =	vsel vm0, $0x1, v32;
	vm0 =	vlt.s32 v20, v33  }
0xf6: {  	v52 =	vadd.s32 v51, v50;
	v53 =	vsel vm0, $0x1, v32;
	vm0 =	vlt.s32 v19, v33  }
0xf7: {  	v54 =	vadd.s32 v53, v52;
	v55 =	vsel vm0, $0x1, v32;
	vm0 =	vlt.s32 v18, v33  }
0xf8: {  	v56 =	vadd.s32 v55, v54;
	v57 =	vsel vm0, $0x1, v32;
	vm0 =	vlt.s32 v17, v33  }
0xf9: {  	v58 =	vadd.s32 v57, v56;
	v59 =	vsel vm0, $0x1, v32;
	vm0 =	vlt.s32 v15, v33  }
0xfa: {  	v15 =	vadd.s32 v59, v58;
	v60 =	vsel vm0, $0x1, v32;
	vm0 =	vlt.s32 v13, v33  }
0xfb: {  	v13 =	vadd.s32 v60, v15;
	v15 =	vsel vm0, $0x1, v32;
	vm0 =	vlt.s32 v11, v33  }
0xfc: {  	v11 =	vadd.s32 v15, v13;
	v13 =	vsel vm0, $0x1, v32;
	vm0 =	vlt.s32 v8, v33  }
0xfd: {  	v8 =	vadd.s32 v13, v11;
	v11 =	vsel vm0, $0x1, v32;
	vm0 =	vlt.s32 v5, v33  }
0xfe: {  	v5 =	vadd.s32 v11, v8;
	v8 =	vsel vm0, $0x1, v32;
	vm0 =	vlt.s32 v2, v33  }
0xff: {  	v2 =	vadd.s32 v8, v5;
	v5 =	vsel vm0, $0x1, v32;
	vm0 =	vlt.s32 v3, v33  }
0x100: {  	v2 =	vadd.s32 v5, v2;
	v3 =	vsel vm0, $0x1, v32;
	vm0 =	vlt.s32 v0, v33  }
0x101: {  	v0 =	vadd.s32 v3, v2;
	v2 =	vsel vm0, $0x1, v32;
	vm0 =	vlt.s32 v1, v33  }
0x102: {  	v0 =	vadd.s32 v2, v0;
	v1 =	vsel vm0, $0x1, v32;
	vm0 =	vlt.s32 v4, v33  }
0x103: {  	v0 =	vadd.s32 v1, v0;
	v1 =	vsel vm0, $0x1, v32;
	vm0 =	vlt.s32 v6, v33  }
0x104: {  	v0 =	vadd.s32 v1, v0;
	v1 =	vsel vm0, $0x1, v32;
	vm0 =	vlt.s32 v7, v33  }
0x105: {  	v0 =	vadd.s32 v1, v0;
	v1 =	vsel vm0, $0x1, v32;
	vm0 =	vlt.s32 v9, v33  }
0x106: {  	v0 =	vadd.s32 v1, v0;
	v1 =	vsel vm0, $0x1, v32;
	vm0 =	vlt.s32 v10, v33  }
0x107: {  	v0 =	vadd.s32 v1, v0;
	v1 =	vsel vm0, $0x1, v32;
	vm0 =	vlt.s32 v12, v33  }
0x108: {  	v0 =	vadd.s32 v1, v0;
	v1 =	vsel vm0, $0x1, v32;
	vm0 =	vlt.s32 v14, v33  }
0x109: {  	v0 =	vadd.s32 v1, v0;
	v1 =	vsel vm0, $0x1, v32;
	vm0 =	vlt.s32 v16, v33  }
0x10a: {  	v0 =	vadd.s32 v1, v0;
	v1 =	vsel vm0, $0x1, v32  }
0x10b: {  	v0 =	vadd.s32 v1, v0  }
0x10c: {  	v1 =	vperm.xlane v0, v38;
	_ =	sdelay $0x1  }
0x10d: {  	v0 =	vadd.s32 v0, v1  }
0x10e: {  	v1 =	vperm.xlane v0, v40;
	_ =	sdelay $0x1  }
0x10f: {  	v0 =	vadd.s32 v1, v0  }
0x110: {  	v1 =	vperm.xlane v0, v41;
	_ =	sdelay $0x1  }
0x111: {  	v0 =	vadd.s32 v1, v0  }
0x112: {  	v1 =	vperm.xlane v0, v36  }
0x113: {  	v2 =	vimm.s32 $0x65432100  }
0x114: {  	v0 =	vadd.s32 v0, v1;
	v1 =	vunpack.c.l.s4.s8 v2;
	v2 =	vimm.s32 $0xEDCBA987  }
0x115: {  	v3 =	vimm.s32 $0xDCBA9876;
	v2 =	vunpack.c.l.s4.s8 v2  }
0x116: {  	v4 =	vimm.s32 $0x54321000;
	v3 =	vunpack.c.l.s4.s8 v3  }
0x117: {  	v5 =	vimm.s32 $0xE40000;
	v4 =	vunpack.c.l.s4.s8 v4;
	v2 =	vunpack.c.0.s8.s32 v2  }
0x118: {  	v6 =	vimm.s32 $0x32100000;
	v3 =	vunpack.c.0.s8.s32 v3;
	v1 =	vunpack.c.0.s8.s32 v1  }
0x119: {  	v8 =	vunpack.c.l.s4.s8 v6;
	v4 =	vunpack.c.0.s8.s32 v4;
	v2 =	vand.u32 $0xF, v2  }
0x11a: {  	v7 =	vunpack.c.l.s2.s4 v5;
	v5 =	vcombine.low v1, v2;
	v1 =	vand.u32 $0xF, v3  }
0x11b: {  	v4 =	vcombine.low v4, v1;
	v1 =	vunpack.c.0.s8.s32 v8  }
0x11c: {  	s3 =	simm.s32 $0x0;
	v2 =	vunpack.c.l.s4.s8 v7;
	v3 =	vand.u32 $0xF, v39;
	v7 =	vimm.s32 $0x7060504  }
0x11d: {  	s4 =	simm.s32 $0x10;
	v3 =	vcombine.low v1, v3;
	v1 =	vunpack.c.0.s8.s32 v7;
	v7 =	vld [tilespmem:s3+$0x0]  }
0x11e: {  	v11 =	vld [tilespmem:s4+$0x0];
	_ =	sdelay $0x3  }
0x11f: {  	vm2 =	vmmov $0x3;
	vm4 =	veq.s32 v7, v33  }
0x120: {  	vm1 =	vmmov $0xf;
	vm6 =	veq.s32 v11, v33;
	v8 =	vsel vm4, $0x1, v32  }
0x121: {  	v6 =	vlaneseq.u32;
	v9 =	vperm.xlane v8, v5;
	v10 =	vperm.xlane v8, v35  }
0x122: {  	v15 =	vsel vm6, $0xFFFFFFFF, v32;
	vm3 =	veq.s32 v6, $0x0;
	v2 =	vunpack.c.0.s8.s32 v2  }
0x123: {  	vm0 =	vcmask $0x3F30;
	v9 =	vsel vm3, $0x0, v9;
	v10 =	vadd.s32 v8, v10  }
0x124: {  	v2 =	vand.u32 $0x3, v2;
	v8 =	vadd.s32 v8, v9;
	v9 =	vperm.xlane v10, v34  }
0x125: {  	v0 =	vsub.s32 $0xCD, v0;
	v2 =	vsel vm0, v1, v2;
	v12 =	vperm.xlane v8, v4  }
0x126: {  	vm5 =	vlt.s32 v7, v33;
	v7 =	vsel vm4, $0xFFFFFFFF, v32;
	v9 =	vadd.s32 v9, v10  }
0x127: {  	v14 =	vadd.s32 v7, v32;
	v7 =	vsel vm2, $0x0, v12;
	v10 =	vperm.xlane v9, v37  }
0x128: {  	vm0 =	vmmov $0xff;
	vm7 =	vmmov vm4;
	v7 =	vadd.s32 v7, v8  }
0x129: {  	vm4 =	vmmov vm5;
	v8 =	vperm.xlane v7, v3;
	v10 =	vadd.s32 v10, v9  }
0x12a: {  	vm5 =	vlt.s32 v11, v33;
	v11 =	vsel vm6, $0x1, v32;
	v9 =	vperm.xlane v10, v36  }
0x12b: {  	v13 =	vperm.xlane v11, v35;
	v12 =	vperm.xlane v11, v5;
	v8 =	vsel vm1, $0x0, v8  }
0x12c: {  	v1 =	vimm.f32 $1.000000000e+00;
	v61 =	vadd.s32 v32, v9;
	v9 =	vadd.s32 v8, v7  }
0x12d: {  	v7 =	vsel vm3, $0x0, v12;
	v12 =	vadd.s32 v11, v13;
	v62 =	vperm.xlane v9, v2  }
0x12e: {  	v8 =	vadd.s32 v10, v61;
	v11 =	vadd.s32 v11, v7;
	v63 =	vperm.xlane v12, v34  }
0x12f: {  	s5 =	simm.s32 $0x20;
	v7 =	vadd.s32 v15, v8;
	v13 =	vperm.xlane v11, v4;
	v15 =	vsel vm0, $0x0, v62  }
0x130: {  	s6 =	simm.s32 $0xC0;
	s7 =	simm.s32 $0x100;
	vm8 =	vmmov vm7;
	v10 =	vld [tilespmem:s5+$0x0];
	v12 =	vadd.s32 v63, v12;
	v14 =	vadd.s32 v15, v14  }
.LBB2_5:
0x131: {  	v13 =	vsel vm2, $0x0, v13;
	v15 =	vperm.xlane v12, v37;
	v9 =	vadd.s32 v9, v14  }
0x132: {  	p0 =	sne.s32 s7, $0x7C0;
	vm7 =	vmmov vm6;
	vm9 =	vmmov vm4;
	vm4 =	vmmov vm5;
	s8 =	smov.u32 s5  }
0x133: {  	v11 =	vadd.s32 v13, v11;
	vm5 =	vlt.s32 v9, v0  }
0x134: {  	v9 =	vperm.xlane v11, v3;
	v12 =	vadd.s32 v15, v12;
	vm8 =	vmand vm8, vm5  }
0x135: {  	vm6 =	veq.s32 v10, v33;
	vm5 =	vlt.s32 v10, v33;
	v10 =	vperm.xlane v12, v36  }
0x136: {  	v13 =	vsel vm6, $0xFFFFFFFF, v32;
	v14 =	vsel vm6, $0x1, v32;
	v9 =	vsel vm1, $0x0, v9  }
0x137: {  	v15 =	vperm.xlane v14, v5;
	v16 =	vperm.xlane v14, v35;
	v8 =	vadd.s32 v8, v10  }
.Ltmp4:
0x138: {  	vm8 =	vmor vm9, vm8;
	v9 =	vadd.s32 v9, v11;
	v8 =	vadd.s32 v12, v8;
	(pc) =	sbr.rel @p0 .LBB2_5-.Ltmp4, $4  }
0x139: {  	v10 =	vsel vm3, $0x0, v15;
	v12 =	vadd.s32 v14, v16;
	v15 =	vperm.xlane v9, v2  }
0x13a: {  	s5 =	sshra.s32 s6, $0x2;
	s6 =	smov.u32 s7;
	v16 =	vadd.s32 v13, v8;
	v11 =	vadd.s32 v14, v10;
	v14 =	vperm.xlane v12, v34  }
0x13b: {  	v17 =	vsel vm8, $0x0, v1;
	v10 =	vld [tilespmem:s5+$0x0];
	v13 =	vperm.xlane v11, v4;
	v15 =	vsel vm0, $0x0, v15  }
0x13c: {  	s7 =	sadd.s32 $0x40, s7;
	vm8 =	vmmov vm7;
	v12 =	vadd.s32 v14, v12;
	v14 =	vadd.s32 v15, v7;
	[tilespmem:s3+$0x200] =	vst v17;
	v7 =	vmovc v16;
	s3 =	smov.u32 s4;
	s4 =	smov.u32 s8  }
0x13d: {  	v13 =	vsel vm2, $0x0, v13;
	v15 =	vperm.xlane v12, v37;
	v9 =	vadd.s32 v9, v14  }
0x13e: {  	vm6 =	vmmov vm6;
	vm3 =	vmmov vm4;
	vm15 =	vmmov vm5  }
0x13f: {  	s6 =	sshra.s32 s6, $0x2;
	vm9 =	veq.s32 v6, $0x0;
	v11 =	vadd.s32 v13, v11;
	vm11 =	vlt.s32 v9, v0  }
0x140: {  	v38 =	vld [tilespmem:s6+$0x0];
	vm6 =	vmmov vm6;
	vm4 =	vmmov vm15;
	v31 =	vperm.xlane v11, v3  }
0x141: {  	v12 =	vadd.s32 v15, v12;
	vm8 =	vmand vm8, vm11;
	vm7 =	veq.s32 v10, v33  }
0x142: {  	vm12 =	vlt.s32 v10, v33;
	v39 =	vperm.xlane v12, v36;
	vm8 =	vmor vm3, vm8  }
0x143: {  	v40 =	vsel vm7, $0xFFFFFFFF, v32;
	v41 =	vsel vm7, $0x1, v32;
	v9 =	vsel vm1, $0x0, v31  }
0x144: {  	v17 =	vsel vm8, $0x0, v1;
	vm7 =	vmmov vm7;
	vm5 =	vmmov vm12  }
0x145: {  	v8 =	vadd.s32 v8, v39;
	v42 =	vperm.xlane v41, v5;
	vm13 =	veq.s32 v38, v33  }
0x146: {  	v16 =	vperm.xlane v41, v35;
	v43 =	vadd.s32 v9, v11;
	v46 =	vsel vm13, $0x1, v32  }
0x147: {  	vm11 =	vmmov vm5;
	v8 =	vadd.s32 v12, v8;
	v48 =	vperm.xlane v46, v5  }
0x148: {  	v11 =	vperm.xlane v43, v2;
	vm15 =	vlt.s32 v38, v33;
	v44 =	vsel vm9, $0x0, v42  }
0x149: {  	v45 =	vadd.s32 v41, v16;
	v9 =	vadd.s32 v41, v44;
	v5 =	vsel vm9, $0x0, v48  }
0x14a: {  	v14 =	vadd.s32 v40, v8;
	v49 =	vperm.xlane v9, v4;
	v5 =	vadd.s32 v46, v5  }
0x14b: {  	v58 =	vsel vm13, $0xFFFFFFFF, v32;
	v47 =	vperm.xlane v45, v34;
	v52 =	vperm.xlane v5, v4  }
0x14c: {  	vm10 =	vmmov vm13;
	v11 =	vsel vm0, $0x0, v11;
	v50 =	vsel vm2, $0x0, v49  }
0x14d: {  	v10 =	vadd.s32 v47, v45;
	v53 =	vadd.s32 v50, v9;
	v4 =	vsel vm2, $0x0, v52  }
0x14e: {  	v51 =	vperm.xlane v10, v37;
	v9 =	vperm.xlane v53, v3;
	v4 =	vadd.s32 v4, v5  }
0x14f: {  	vm12 =	vmmov vm15;
	v7 =	vadd.s32 v11, v7;
	v56 =	vperm.xlane v4, v3  }
0x150: {  	v6 =	vadd.s32 v43, v7;
	v54 =	vadd.s32 v51, v10;
	v9 =	vsel vm1, $0x0, v9  }
0x151: {  	v55 =	vperm.xlane v54, v36;
	v7 =	vadd.s32 v9, v53;
	v3 =	vsel vm1, $0x0, v56  }
0x152: {  	vm15 =	vmmov vm12;
	v57 =	vperm.xlane v7, v2;
	v3 =	vadd.s32 v3, v4  }
0x153: {  	vm9 =	vmmov vm7;
	v5 =	vadd.s32 v8, v55;
	v60 =	vperm.xlane v3, v2  }
0x154: {  	vm14 =	vlt.s32 v6, v0;
	v5 =	vadd.s32 v54, v5;
	v59 =	vsel vm0, $0x0, v57  }
0x155: {  	v5 =	vadd.s32 v58, v5;
	v4 =	vadd.s32 v59, v14;
	v2 =	vsel vm0, $0x0, v60  }
0x156: {  	vm2 =	vmand vm6, vm14;
	v4 =	vadd.s32 v7, v4;
	v2 =	vadd.s32 v2, v5  }
0x157: {  	vm8 =	vmor vm4, vm2;
	vm13 =	vlt.s32 v4, v0;
	v2 =	vadd.s32 v3, v2  }
0x158: {  	vm0 =	vmmov vm10;
	vm1 =	vmand vm9, vm13;
	vm14 =	vlt.s32 v2, v0  }
0x159: {  	[tilespmem:s3+$0x200] =	vst v17;
	v61 =	vsel vm8, $0x0, v1;
	vm1 =	vmor vm11, vm1;
	vm0 =	vmand vm0, vm14  }
0x15a: {  	[tilespmem:s4+$0x200] =	vst v61;
	v62 =	vsel vm1, $0x0, v1;
	vm0 =	vmor vm15, vm0  }
0x15b: {  	[tilespmem:s5+$0x200] =	vst v62;
	v63 =	vsel vm0, $0x0, v1  }
0x15c: {  	[tilespmem:s6+$0x200] =	vst v63  }
.LBB2_7:
0x15d: {  	s3 =	simm.s32 $0x80;
	s4 =	simm.s32 $0x200;
	s31 =	simm.s32 $0x1  }
0x15e: {  	[hbm4b:s2+s3] =	stream.strided.scatter [tilespmem:s4], [sflag:$0x1], $0x200, s4, s3, $0x38;
	[tilespmem:$0x400] =	vst v63  }
0x15f: {  	_ =	swait.ge [sflag:s31], $0x200  }
0x160: {  	[sflag:s31] =	ssyncset.done $0x0  }
0x161: {  	[sflag:s31] =	ssyncadd.s32 $0xFFFFFE00  }
.LBB2_8:
0x162: {  	_ =	sfence.sel $0x180000  }
0x163: {  	[bflag:$0x0] =	sbarrier.arrive $0xFFFF  }
0x164: {  	p0 =	sne.s32 s1, $0x0;
	_ =	strace $0x90000047  }
0x165: {  	s0 =	sadd.s32 @!p0 $0x100000, s0;
	[bflag:$0x2] =	sbarrier.arrive $0xFFFF  }
0x166: {  	[sflag:s0] =	ssyncadd.tile.s32 @!p0 $0x1;
	_ =	shalt  }
.Lfunc_end2:
_tile_overlayer_lowered:
.L_overlay_start_2:
0x167: {  	(tag) =	ssettag $0x2  }
0x168: {  	s0 =	rddreg [dreg:$0x0];
	s2 =	stileid.u32  }
0x169: {  	s1 =	rddreg [dreg:$0x1];
	p0 =	sne.s32 s2, $0x0  }
0x16a: {  	s3 =	rddreg [dreg:$0x2];
	[bflag:$0x3] =	sbarrier.arrive $0xFFFF;
	s2 =	simm.s32 @!p0 $0x1C01  }
0x16b: {  	[timem:s3], [sflag:s2] =	dma.local @!p0 [hbm:s0], s1  }
0x16c: {  	s0 =	simm.s32 @!p0 $0x1  }
0x16d: {  	_ =	swait.ge @!p0 [sflag:s0], s1  }
0x16e: {  	s1 =	ssub.s32 @!p0 $0x0, s1;
	[sflag:s0] =	ssyncset.done @!p0 $0x0  }
0x16f: {  	[sflag:s0] =	ssyncadd.s32 @!p0 s1  }
0x170: {  	[bflag:$0x3] =	sbarrier.arrive $0xFFFF  }
0x171: {  	_ =	shalt  }

</sc_bundles>
